<compile_context>
chip_gen: v7x
topology: tpu7x:2x2x1
jax: 0.10.2.dev20260603
libtpu: 0.0.44.dev20260713+nightly
codegen_flags: <defaults>
</compile_context>

<pallas_src>
import functools

import jax
import jax.numpy as jnp
import numpy as np
from jax import lax
from jax.experimental import pallas as pl
from jax.experimental.pallas import tpu as pltpu
from jax.experimental.pallas import tpu_sc as plsc

N_NODES = 100000
N_EDGES = 1600000
D_IN = 27
H_DIM = 64

K_CHUNK = 128
GC = 6
GROUP_E = K_CHUNK * GC
N_TILES = 16
E_PAD = 1622016
EDGES_PER_TILE = E_PAD // N_TILES
N_GROUPS = EDGES_PER_TILE // GROUP_E
TABLE_ROWS = N_NODES + 256
ACC_ROWS = 100096
STRIPE = ACC_ROWS // N_TILES

_SOFTPLUS_BIAS = float(np.log(np.exp(1.0) - 1.0))


def _sc_segment_sum(tcat, src2, dst2):
    mesh = plsc.VectorSubcoreMesh(core_axis_name="c", subcore_axis_name="s")

    @functools.partial(
        pl.kernel,
        mesh=mesh,
        compiler_params=pltpu.CompilerParams(use_tc_tiling_on_sc=False),
        out_type=jax.ShapeDtypeStruct((2, ACC_ROWS, 16), jnp.float32),
        scratch_types=[
            pltpu.VMEM((GROUP_E,), jnp.int32),
            pltpu.VMEM((GROUP_E,), jnp.int32),
            pltpu.VMEM((GROUP_E,), jnp.int32),
            pltpu.VMEM((GROUP_E,), jnp.int32),
            pltpu.VMEM((GROUP_E, 16), jnp.float32),
            pltpu.VMEM((GROUP_E, 16), jnp.float32),
            pltpu.VMEM_SHARED((ACC_ROWS, 16), jnp.float32),
            pltpu.SemaphoreType.DMA,
            pltpu.SemaphoreType.DMA,
        ],
    )
    def k(tcat_hbm, src_hbm, dst_hbm, out_hbm,
          sbufA, sbufB, dbufA, dbufB, rowsA, rowsB, acc, semA, semB):
        cid = lax.axis_index("c")
        sid = lax.axis_index("s")
        edge_base = sid * EDGES_PER_TILE
        off_vec = jnp.full((16,), cid, jnp.int32)

        zv = jnp.zeros((16,), jnp.float32)

        def zloop(i, c):
            rowsA[i, :] = zv
            return c

        lax.fori_loop(0, GROUP_E, zloop, 0)
        for r in range(STRIPE // GROUP_E):
            pltpu.sync_copy(rowsA, acc.at[pl.ds(sid * STRIPE + r * GROUP_E, GROUP_E)])
        rem = STRIPE % GROUP_E
        pltpu.sync_copy(rowsA.at[pl.ds(0, rem)],
                        acc.at[pl.ds((sid + 1) * STRIPE - rem, rem)])
        plsc.subcore_barrier()

        def fire(g, sbuf, dbuf, rows, sem):
            pltpu.sync_copy(src_hbm.at[pl.ds(edge_base + g * GROUP_E, GROUP_E)], sbuf)
            pltpu.sync_copy(dst_hbm.at[pl.ds(edge_base + g * GROUP_E, GROUP_E)], dbuf)
            for q in range(GROUP_E // 16):
                sbuf[pl.ds(q * 16, 16)] = sbuf[pl.ds(q * 16, 16)] + off_vec
            for j in range(GC):
                pltpu.make_async_copy(
                    tcat_hbm.at[sbuf.at[pl.ds(j * K_CHUNK, K_CHUNK)]],
                    rows.at[pl.ds(j * K_CHUNK, K_CHUNK)],
                    sem,
                ).start()

        def drain(dbuf, rows, sem):
            pltpu.make_async_copy(tcat_hbm.at[pl.ds(0, GROUP_E)], rows, sem).wait()
            for j in range(GC):
                pltpu.sync_copy(
                    rows.at[pl.ds(j * K_CHUNK, K_CHUNK)],
                    acc.at[dbuf.at[pl.ds(j * K_CHUNK, K_CHUNK)]],
                    add=True,
                )

        fire(0, sbufA, dbufA, rowsA, semA)

        def body(i, c):
            g = 2 * i
            fire(g + 1, sbufB, dbufB, rowsB, semB)
            drain(dbufA, rowsA, semA)

            @pl.when(i < N_GROUPS // 2 - 1)
            def _():
                fire(g + 2, sbufA, dbufA, rowsA, semA)

            drain(dbufB, rowsB, semB)
            return c

        lax.fori_loop(0, N_GROUPS // 2, body, 0)
        plsc.subcore_barrier()

        pltpu.sync_copy(
            acc.at[pl.ds(sid * STRIPE, STRIPE)],
            out_hbm.at[cid, pl.ds(sid * STRIPE, STRIPE)],
        )

    return k(tcat, src2, dst2)


def _tc_finish(xt, aggt, W0, b0, W_rel, b_rel, W_root, W2, b2):
    TN = 16384
    grid = (pl.cdiv(N_NODES, TN),)
    prec = lax.Precision.HIGHEST
    bigprec = lax.Precision.DEFAULT

    def body(xt_ref, o_ref, w0_ref, b0_ref, wrel_ref, brel_ref, wroot_ref,
             w2_ref, b2_ref, loc_ref, scale_ref):
        w0 = w0_ref[...]
        wrel = wrel_ref[...]
        wroot = wroot_ref[...]
        wr01 = jnp.dot(w0, wrel, precision=prec)
        wroot0 = jnp.dot(w0, wroot, precision=prec)
        b0v = b0_ref[...][None, :]
        cdeg = jnp.dot(b0v, wrel, precision=prec)
        cvec = (brel_ref[...] + jnp.dot(b0v, wroot, precision=prec)[0])[:, None]

        w1cat = jnp.concatenate(
            [wr01[16:27], cdeg, jnp.zeros((4, H_DIM), jnp.float32)], axis=0)
        dn = (((0,), (0,)), ((), ()))
        h2t = (lax.dot_general(wr01[:16], o_ref[0], dn, precision=bigprec)
               + lax.dot_general(w1cat, o_ref[1], dn, precision=bigprec)
               + lax.dot_general(wroot0, xt_ref[...], dn, precision=bigprec)
               + cvec)
        h2t = jnp.tanh(h2t)
        rt = lax.dot_general(w2_ref[...], h2t, dn, precision=bigprec)
        t = jnp.tanh(rt + b2_ref[...][:, None])
        loc_ref[...] = t[:8]
        z = t[8:] + _SOFTPLUS_BIAS
        scale_ref[...] = jnp.log1p(jnp.exp(z))

    full = lambda shape: pl.BlockSpec(shape, lambda t: (0,) * len(shape))
    loc, scale = pl.pallas_call(
        body,
        grid=grid,
        in_specs=[
            pl.BlockSpec((D_IN, TN), lambda t: (0, t)),
            pl.BlockSpec((2, 16, TN), lambda t: (0, 0, t)),
            full((D_IN, H_DIM)),
            full((H_DIM,)),
            full((H_DIM, H_DIM)),
            full((H_DIM,)),
            full((H_DIM, H_DIM)),
            full((H_DIM, 16)),
            full((16,)),
        ],
        out_specs=[
            pl.BlockSpec((8, TN), lambda t: (0, t)),
            pl.BlockSpec((8, TN), lambda t: (0, t)),
        ],
        out_shape=[
            jax.ShapeDtypeStruct((8, N_NODES), jnp.float32),
            jax.ShapeDtypeStruct((8, N_NODES), jnp.float32),
        ],
    )(xt, aggt, W0, b0, W_rel, b_rel, W_root, W2, b2)
    return loc, scale


def kernel(x, edge_index, W0, b0, W_rel, b_rel, W_root, W2, b2):
    n = x.shape[0]
    xpad = jnp.concatenate(
        [x,
         jnp.ones((n, 1), jnp.float32),
         jnp.zeros((n, 4), jnp.float32)], axis=1)
    xpad = jnp.concatenate([xpad, jnp.zeros((256, 32), jnp.float32)], axis=0)
    tcat = xpad.reshape(2 * TABLE_ROWS, 16)

    pad = E_PAD - N_EDGES
    pidx = jnp.arange(pad, dtype=jnp.int32)
    src2 = jnp.concatenate([edge_index[0], n + (pidx % 256)]) * 2
    dst2 = jnp.concatenate([edge_index[1], pidx % 65536])

    agg = _sc_segment_sum(tcat, src2, dst2)
    aggt = jnp.transpose(agg, (0, 2, 1))
    xt = x.T
    return _tc_finish(xt, aggt, W0, b0, W_rel, b_rel, W_root, W2, b2)

# --- scband reference (transcript-rebuilt; emitter-appended) ---
"""Pipeline reference for scband-single-node-actor-17781164605717 (READ-ONLY COPY).

The authoritative reference and input builder live on the scoring server;
editing this copy changes nothing except your own understanding.
"""

import jax, jax.numpy as jnp
import numpy as np

N = 100000
E = 1600000
D_IN = 27
H = 64
D_OUT = 16


def setup_inputs(seed: int = 0) -> dict:
    key = jax.random.key(seed)
    ks = jax.random.split(key, 10)
    x = jax.random.normal(ks[0], (N, D_IN), dtype=jnp.float32)
    edge_index = jax.random.randint(ks[1], (2, E), 0, N, dtype=jnp.int32)
    W0 = jax.random.normal(ks[2], (D_IN, H), dtype=jnp.float32) * (1.0 / np.sqrt(D_IN))
    b0 = jnp.zeros((H,), dtype=jnp.float32)
    W_rel = jax.random.normal(ks[3], (H, H), dtype=jnp.float32) * (1.0 / np.sqrt(H))
    b_rel = jnp.zeros((H,), dtype=jnp.float32)
    W_root = jax.random.normal(ks[4], (H, H), dtype=jnp.float32) * (1.0 / np.sqrt(H))
    W2 = jax.random.normal(ks[5], (H, D_OUT), dtype=jnp.float32) * (1.0 / np.sqrt(H))
    b2 = jnp.zeros((D_OUT,), dtype=jnp.float32)
    return {"x": x, "edge_index": edge_index, "W0": W0, "b0": b0, "W_rel": W_rel, "b_rel": b_rel, "W_root": W_root, "W2": W2, "b2": b2}


def reference(x, edge_index, W0, b0, W_rel, b_rel, W_root, W2, b2):
    # Linear(27, 64)
    h = x @ W0 + b0
    # GraphConv(64, 64): out = lin_rel(sum_{j in N(i)} h_j) + lin_root(h_i)
    src = edge_index[0]
    dst = edge_index[1]
    msg = jnp.take(h, src, axis=0)
    agg = jax.ops.segment_sum(msg, dst, num_segments=N)
    h = agg @ W_rel + b_rel + h @ W_root
    h = jnp.tanh(h)
    # Linear(64, 16) + Tanh
    h = jnp.tanh(h @ W2 + b2)
    # NormalParamExtractor: split last dim, biased softplus (bias s.t. softplus(bias)=1)
    loc, scale_raw = jnp.split(h, 2, axis=-1)
    bias = np.log(np.exp(1.0) - 1.0)
    scale = jax.nn.softplus(scale_raw + bias)
    # single-graph branch: loc.t().squeeze(-1), scale.t().squeeze(-1) -> [8, N]
    return (loc.T, scale.T)

if __name__ == "__main__":
    import jax
    _d = setup_inputs()
    print(jax.jit(kernel)(*tuple(_d.values())))

</pallas_src>

<mosaic_0001>
#map = affine_map<(d0, d1) -> (0, 0)>
#map1 = affine_map<(d0, d1) -> (0)>
#map2 = affine_map<(d0, d1) -> (0, 0, 0)>
module attributes {stable_mosaic.version = 14 : i64} {
  func.func @k(%arg0: i32, %arg1: i32, %arg2: memref<200512x16xf32, #tpu.memory_space<hbm>>, %arg3: memref<1622016xi32, #tpu.memory_space<hbm>>, %arg4: memref<1622016xi32, #tpu.memory_space<hbm>>, %arg5: memref<2x100096x16xf32, #tpu.memory_space<hbm>>, %arg6: memref<768xi32, #tpu.memory_space<vmem>>, %arg7: memref<768xi32, #tpu.memory_space<vmem>>, %arg8: memref<768xi32, #tpu.memory_space<vmem>>, %arg9: memref<768xi32, #tpu.memory_space<vmem>>, %arg10: memref<768x16xf32, #tpu.memory_space<vmem>>, %arg11: memref<768x16xf32, #tpu.memory_space<vmem>>, %arg12: memref<100096x16xf32, #tpu.memory_space<vmem_shared>>, %arg13: memref<!tpu.dma_semaphore, #tpu.memory_space<semaphore_mem>>, %arg14: memref<!tpu.dma_semaphore, #tpu.memory_space<semaphore_mem>>) attributes {dimension_semantics = [#tpu.dimension_semantics<core_parallel>, #tpu.dimension_semantics<subcore_parallel>], iteration_bounds = array<i64: 2, 16>, scalar_prefetch = 0 : i64, scratch_operands = 9 : i64, tpu.core_type = #tpu.core_type<sc_vector_subcore>, window_params = [{transform_indices = #map}, {transform_indices = #map1}, {transform_indices = #map1}, {transform_indices = #map2}]} {
    %mul3A = arith.constant 101376 : i32
    %mul3A_0 = arith.muli %arg1, %mul3A : i32
    %broadcast_in_dim3A = vector.broadcast %arg0 : i32 to vector<16xi32>
    %broadcast_in_dim3A_1 = arith.constant 0.000000e+00 : f32
    %broadcast_in_dim3A_2 = vector.broadcast %broadcast_in_dim3A_1 : f32 to vector<16xf32>
    %scan3A = arith.constant 0 : i32
    %scan3A_3 = arith.constant 0 : i32
    %scan3A_4 = arith.constant 768 : i32
    %scan3A_5 = arith.addi %scan3A_3, %scan3A_4 : i32
    %scan3A_6 = arith.constant 1 : i32
    scf.for %scan3A_488 = %scan3A_3 to %scan3A_5 step %scan3A_6  : i32 {
      %swap3A_489 = arith.index_cast %scan3A_488 : i32 to index
      %swap3A_490 = arith.constant 0 : index
      %swap3A_491 = tpu.vector_load %arg10[%swap3A_489, %swap3A_490] {strides = array<i32>} : memref<768x16xf32, #tpu.memory_space<vmem>>, vector<1x16xf32>,
      %swap3A_492 = vector.shape_cast %swap3A_491 : vector<1x16xf32> to vector<16xf32>
      %swap3A_493 = vector.shape_cast %broadcast_in_dim3A_2 : vector<16xf32> to vector<1x16xf32>
      tpu.vector_store %arg10[%swap3A_489, %swap3A_490], %swap3A_493 {strides = array<i32>} : memref<768x16xf32, #tpu.memory_space<vmem>>, vector<1x16xf32>,
    }
    %scan3A_7 = arith.constant 768 : i32
    %mul3A_8 = arith.constant 6256 : i32
    %mul3A_9 = arith.muli %arg1, %mul3A_8 : i32
    %add3A = arith.constant 0 : i32
    %add3A_10 = arith.addi %mul3A_9, %add3A : i32
    "tpu.region"() ({
      %run_scoped3A = tpu.sem_alloc : memref<!tpu.dma_semaphore, #tpu.memory_space<semaphore_mem>>
      %dma_start3A_488 = arith.constant 0 : i32
      %dma_start3A_489 = tpu.memref_slice %arg12[%add3A_10, %dma_start3A_488] : memref<100096x16xf32, #tpu.memory_space<vmem_shared>> -> memref<768x16xf32, #tpu.memory_space<vmem_shared>>
      %dma_start3A_490 = arith.constant 0 : i32
      %dma_start3A_491 = tpu.memref_slice %arg12[%add3A_10, %dma_start3A_490] : memref<100096x16xf32, #tpu.memory_space<vmem_shared>> -> memref<768x16xf32, #tpu.memory_space<vmem_shared>>
      tpu.enqueue_dma source(%arg10 : memref<768x16xf32, #tpu.memory_space<vmem>>) target(%dma_start3A_491 : memref<768x16xf32, #tpu.memory_space<vmem_shared>>) target_semaphore(%run_scoped3A : memref<!tpu.dma_semaphore, #tpu.memory_space<semaphore_mem>>)
      %dma_wait3A = arith.constant 0 : i32
      %dma_wait3A_492 = tpu.memref_slice %arg12[%add3A_10, %dma_wait3A] : memref<100096x16xf32, #tpu.memory_space<vmem_shared>> -> memref<768x16xf32, #tpu.memory_space<vmem_shared>>
      %dma_wait3A_493 = arith.constant 0 : i32
      %dma_wait3A_494 = tpu.memref_slice %arg12[%add3A_10, %dma_wait3A_493] : memref<100096x16xf32, #tpu.memory_space<vmem_shared>> -> memref<768x16xf32, #tpu.memory_space<vmem_shared>>
      tpu.wait_dma2 semaphore(%run_scoped3A : memref<!tpu.dma_semaphore, #tpu.memory_space<semaphore_mem>>) src(%arg10 : memref<768x16xf32, #tpu.memory_space<vmem>>) dst(%dma_wait3A_494 : memref<768x16xf32, #tpu.memory_space<vmem_shared>>)
      tpu.yield
    }) : () -> ()
    %mul3A_11 = arith.constant 6256 : i32
    %mul3A_12 = arith.muli %arg1, %mul3A_11 : i32
    %add3A_13 = arith.constant 768 : i32
    %add3A_14 = arith.addi %mul3A_12, %add3A_13 : i32
    "tpu.region"() ({
      %run_scoped3A = tpu.sem_alloc : memref<!tpu.dma_semaphore, #tpu.memory_space<semaphore_mem>>
      %dma_start3A_488 = arith.constant 0 : i32
      %dma_start3A_489 = tpu.memref_slice %arg12[%add3A_14, %dma_start3A_488] : memref<100096x16xf32, #tpu.memory_space<vmem_shared>> -> memref<768x16xf32, #tpu.memory_space<vmem_shared>>
      %dma_start3A_490 = arith.constant 0 : i32
      %dma_start3A_491 = tpu.memref_slice %arg12[%add3A_14, %dma_start3A_490] : memref<100096x16xf32, #tpu.memory_space<vmem_shared>> -> memref<768x16xf32, #tpu.memory_space<vmem_shared>>
      tpu.enqueue_dma source(%arg10 : memref<768x16xf32, #tpu.memory_space<vmem>>) target(%dma_start3A_491 : memref<768x16xf32, #tpu.memory_space<vmem_shared>>) target_semaphore(%run_scoped3A : memref<!tpu.dma_semaphore, #tpu.memory_space<semaphore_mem>>)
      %dma_wait3A = arith.constant 0 : i32
      %dma_wait3A_492 = tpu.memref_slice %arg12[%add3A_14, %dma_wait3A] : memref<100096x16xf32, #tpu.memory_space<vmem_shared>> -> memref<768x16xf32, #tpu.memory_space<vmem_shared>>
      %dma_wait3A_493 = arith.constant 0 : i32
      %dma_wait3A_494 = tpu.memref_slice %arg12[%add3A_14, %dma_wait3A_493] : memref<100096x16xf32, #tpu.memory_space<vmem_shared>> -> memref<768x16xf32, #tpu.memory_space<vmem_shared>>
      tpu.wait_dma2 semaphore(%run_scoped3A : memref<!tpu.dma_semaphore, #tpu.memory_space<semaphore_mem>>) src(%arg10 : memref<768x16xf32, #tpu.memory_space<vmem>>) dst(%dma_wait3A_494 : memref<768x16xf32, #tpu.memory_space<vmem_shared>>)
      tpu.yield
    }) : () -> ()
    %mul3A_15 = arith.constant 6256 : i32
    %mul3A_16 = arith.muli %arg1, %mul3A_15 : i32
    %add3A_17 = arith.constant 1536 : i32
    %add3A_18 = arith.addi %mul3A_16, %add3A_17 : i32
    "tpu.region"() ({
      %run_scoped3A = tpu.sem_alloc : memref<!tpu.dma_semaphore, #tpu.memory_space<semaphore_mem>>
      %dma_start3A_488 = arith.constant 0 : i32
      %dma_start3A_489 = tpu.memref_slice %arg12[%add3A_18, %dma_start3A_488] : memref<100096x16xf32, #tpu.memory_space<vmem_shared>> -> memref<768x16xf32, #tpu.memory_space<vmem_shared>>
      %dma_start3A_490 = arith.constant 0 : i32
      %dma_start3A_491 = tpu.memref_slice %arg12[%add3A_18, %dma_start3A_490] : memref<100096x16xf32, #tpu.memory_space<vmem_shared>> -> memref<768x16xf32, #tpu.memory_space<vmem_shared>>
      tpu.enqueue_dma source(%arg10 : memref<768x16xf32, #tpu.memory_space<vmem>>) target(%dma_start3A_491 : memref<768x16xf32, #tpu.memory_space<vmem_shared>>) target_semaphore(%run_scoped3A : memref<!tpu.dma_semaphore, #tpu.memory_space<semaphore_mem>>)
      %dma_wait3A = arith.constant 0 : i32
      %dma_wait3A_492 = tpu.memref_slice %arg12[%add3A_18, %dma_wait3A] : memref<100096x16xf32, #tpu.memory_space<vmem_shared>> -> memref<768x16xf32, #tpu.memory_space<vmem_shared>>
      %dma_wait3A_493 = arith.constant 0 : i32
      %dma_wait3A_494 = tpu.memref_slice %arg12[%add3A_18, %dma_wait3A_493] : memref<100096x16xf32, #tpu.memory_space<vmem_shared>> -> memref<768x16xf32, #tpu.memory_space<vmem_shared>>
      tpu.wait_dma2 semaphore(%run_scoped3A : memref<!tpu.dma_semaphore, #tpu.memory_space<semaphore_mem>>) src(%arg10 : memref<768x16xf32, #tpu.memory_space<vmem>>) dst(%dma_wait3A_494 : memref<768x16xf32, #tpu.memory_space<vmem_shared>>)
      tpu.yield
    }) : () -> ()
    %mul3A_19 = arith.constant 6256 : i32
    %mul3A_20 = arith.muli %arg1, %mul3A_19 : i32
    %add3A_21 = arith.constant 2304 : i32
    %add3A_22 = arith.addi %mul3A_20, %add3A_21 : i32
    "tpu.region"() ({
      %run_scoped3A = tpu.sem_alloc : memref<!tpu.dma_semaphore, #tpu.memory_space<semaphore_mem>>
      %dma_start3A_488 = arith.constant 0 : i32
      %dma_start3A_489 = tpu.memref_slice %arg12[%add3A_22, %dma_start3A_488] : memref<100096x16xf32, #tpu.memory_space<vmem_shared>> -> memref<768x16xf32, #tpu.memory_space<vmem_shared>>
      %dma_start3A_490 = arith.constant 0 : i32
      %dma_start3A_491 = tpu.memref_slice %arg12[%add3A_22, %dma_start3A_490] : memref<100096x16xf32, #tpu.memory_space<vmem_shared>> -> memref<768x16xf32, #tpu.memory_space<vmem_shared>>
      tpu.enqueue_dma source(%arg10 : memref<768x16xf32, #tpu.memory_space<vmem>>) target(%dma_start3A_491 : memref<768x16xf32, #tpu.memory_space<vmem_shared>>) target_semaphore(%run_scoped3A : memref<!tpu.dma_semaphore, #tpu.memory_space<semaphore_mem>>)
      %dma_wait3A = arith.constant 0 : i32
      %dma_wait3A_492 = tpu.memref_slice %arg12[%add3A_22, %dma_wait3A] : memref<100096x16xf32, #tpu.memory_space<vmem_shared>> -> memref<768x16xf32, #tpu.memory_space<vmem_shared>>
      %dma_wait3A_493 = arith.constant 0 : i32
      %dma_wait3A_494 = tpu.memref_slice %arg12[%add3A_22, %dma_wait3A_493] : memref<100096x16xf32, #tpu.memory_space<vmem_shared>> -> memref<768x16xf32, #tpu.memory_space<vmem_shared>>
      tpu.wait_dma2 semaphore(%run_scoped3A : memref<!tpu.dma_semaphore, #tpu.memory_space<semaphore_mem>>) src(%arg10 : memref<768x16xf32, #tpu.memory_space<vmem>>) dst(%dma_wait3A_494 : memref<768x16xf32, #tpu.memory_space<vmem_shared>>)
      tpu.yield
    }) : () -> ()
    %mul3A_23 = arith.constant 6256 : i32
    %mul3A_24 = arith.muli %arg1, %mul3A_23 : i32
    %add3A_25 = arith.constant 3072 : i32
    %add3A_26 = arith.addi %mul3A_24, %add3A_25 : i32
    "tpu.region"() ({
      %run_scoped3A = tpu.sem_alloc : memref<!tpu.dma_semaphore, #tpu.memory_space<semaphore_mem>>
      %dma_start3A_488 = arith.constant 0 : i32
      %dma_start3A_489 = tpu.memref_slice %arg12[%add3A_26, %dma_start3A_488] : memref<100096x16xf32, #tpu.memory_space<vmem_shared>> -> memref<768x16xf32, #tpu.memory_space<vmem_shared>>
      %dma_start3A_490 = arith.constant 0 : i32
      %dma_start3A_491 = tpu.memref_slice %arg12[%add3A_26, %dma_start3A_490] : memref<100096x16xf32, #tpu.memory_space<vmem_shared>> -> memref<768x16xf32, #tpu.memory_space<vmem_shared>>
      tpu.enqueue_dma source(%arg10 : memref<768x16xf32, #tpu.memory_space<vmem>>) target(%dma_start3A_491 : memref<768x16xf32, #tpu.memory_space<vmem_shared>>) target_semaphore(%run_scoped3A : memref<!tpu.dma_semaphore, #tpu.memory_space<semaphore_mem>>)
      %dma_wait3A = arith.constant 0 : i32
      %dma_wait3A_492 = tpu.memref_slice %arg12[%add3A_26, %dma_wait3A] : memref<100096x16xf32, #tpu.memory_space<vmem_shared>> -> memref<768x16xf32, #tpu.memory_space<vmem_shared>>
      %dma_wait3A_493 = arith.constant 0 : i32
      %dma_wait3A_494 = tpu.memref_slice %arg12[%add3A_26, %dma_wait3A_493] : memref<100096x16xf32, #tpu.memory_space<vmem_shared>> -> memref<768x16xf32, #tpu.memory_space<vmem_shared>>
      tpu.wait_dma2 semaphore(%run_scoped3A : memref<!tpu.dma_semaphore, #tpu.memory_space<semaphore_mem>>) src(%arg10 : memref<768x16xf32, #tpu.memory_space<vmem>>) dst(%dma_wait3A_494 : memref<768x16xf32, #tpu.memory_space<vmem_shared>>)
      tpu.yield
    }) : () -> ()
    %mul3A_27 = arith.constant 6256 : i32
    %mul3A_28 = arith.muli %arg1, %mul3A_27 : i32
    %add3A_29 = arith.constant 3840 : i32
    %add3A_30 = arith.addi %mul3A_28, %add3A_29 : i32
    "tpu.region"() ({
      %run_scoped3A = tpu.sem_alloc : memref<!tpu.dma_semaphore, #tpu.memory_space<semaphore_mem>>
      %dma_start3A_488 = arith.constant 0 : i32
      %dma_start3A_489 = tpu.memref_slice %arg12[%add3A_30, %dma_start3A_488] : memref<100096x16xf32, #tpu.memory_space<vmem_shared>> -> memref<768x16xf32, #tpu.memory_space<vmem_shared>>
      %dma_start3A_490 = arith.constant 0 : i32
      %dma_start3A_491 = tpu.memref_slice %arg12[%add3A_30, %dma_start3A_490] : memref<100096x16xf32, #tpu.memory_space<vmem_shared>> -> memref<768x16xf32, #tpu.memory_space<vmem_shared>>
      tpu.enqueue_dma source(%arg10 : memref<768x16xf32, #tpu.memory_space<vmem>>) target(%dma_start3A_491 : memref<768x16xf32, #tpu.memory_space<vmem_shared>>) target_semaphore(%run_scoped3A : memref<!tpu.dma_semaphore, #tpu.memory_space<semaphore_mem>>)
      %dma_wait3A = arith.constant 0 : i32
      %dma_wait3A_492 = tpu.memref_slice %arg12[%add3A_30, %dma_wait3A] : memref<100096x16xf32, #tpu.memory_space<vmem_shared>> -> memref<768x16xf32, #tpu.memory_space<vmem_shared>>
      %dma_wait3A_493 = arith.constant 0 : i32
      %dma_wait3A_494 = tpu.memref_slice %arg12[%add3A_30, %dma_wait3A_493] : memref<100096x16xf32, #tpu.memory_space<vmem_shared>> -> memref<768x16xf32, #tpu.memory_space<vmem_shared>>
      tpu.wait_dma2 semaphore(%run_scoped3A : memref<!tpu.dma_semaphore, #tpu.memory_space<semaphore_mem>>) src(%arg10 : memref<768x16xf32, #tpu.memory_space<vmem>>) dst(%dma_wait3A_494 : memref<768x16xf32, #tpu.memory_space<vmem_shared>>)
      tpu.yield
    }) : () -> ()
    %mul3A_31 = arith.constant 6256 : i32
    %mul3A_32 = arith.muli %arg1, %mul3A_31 : i32
    %add3A_33 = arith.constant 4608 : i32
    %add3A_34 = arith.addi %mul3A_32, %add3A_33 : i32
    "tpu.region"() ({
      %run_scoped3A = tpu.sem_alloc : memref<!tpu.dma_semaphore, #tpu.memory_space<semaphore_mem>>
      %dma_start3A_488 = arith.constant 0 : i32
      %dma_start3A_489 = tpu.memref_slice %arg12[%add3A_34, %dma_start3A_488] : memref<100096x16xf32, #tpu.memory_space<vmem_shared>> -> memref<768x16xf32, #tpu.memory_space<vmem_shared>>
      %dma_start3A_490 = arith.constant 0 : i32
      %dma_start3A_491 = tpu.memref_slice %arg12[%add3A_34, %dma_start3A_490] : memref<100096x16xf32, #tpu.memory_space<vmem_shared>> -> memref<768x16xf32, #tpu.memory_space<vmem_shared>>
      tpu.enqueue_dma source(%arg10 : memref<768x16xf32, #tpu.memory_space<vmem>>) target(%dma_start3A_491 : memref<768x16xf32, #tpu.memory_space<vmem_shared>>) target_semaphore(%run_scoped3A : memref<!tpu.dma_semaphore, #tpu.memory_space<semaphore_mem>>)
      %dma_wait3A = arith.constant 0 : i32
      %dma_wait3A_492 = tpu.memref_slice %arg12[%add3A_34, %dma_wait3A] : memref<100096x16xf32, #tpu.memory_space<vmem_shared>> -> memref<768x16xf32, #tpu.memory_space<vmem_shared>>
      %dma_wait3A_493 = arith.constant 0 : i32
      %dma_wait3A_494 = tpu.memref_slice %arg12[%add3A_34, %dma_wait3A_493] : memref<100096x16xf32, #tpu.memory_space<vmem_shared>> -> memref<768x16xf32, #tpu.memory_space<vmem_shared>>
      tpu.wait_dma2 semaphore(%run_scoped3A : memref<!tpu.dma_semaphore, #tpu.memory_space<semaphore_mem>>) src(%arg10 : memref<768x16xf32, #tpu.memory_space<vmem>>) dst(%dma_wait3A_494 : memref<768x16xf32, #tpu.memory_space<vmem_shared>>)
      tpu.yield
    }) : () -> ()
    %mul3A_35 = arith.constant 6256 : i32
    %mul3A_36 = arith.muli %arg1, %mul3A_35 : i32
    %add3A_37 = arith.constant 5376 : i32
    %add3A_38 = arith.addi %mul3A_36, %add3A_37 : i32
    "tpu.region"() ({
      %run_scoped3A = tpu.sem_alloc : memref<!tpu.dma_semaphore, #tpu.memory_space<semaphore_mem>>
      %dma_start3A_488 = arith.constant 0 : i32
      %dma_start3A_489 = tpu.memref_slice %arg12[%add3A_38, %dma_start3A_488] : memref<100096x16xf32, #tpu.memory_space<vmem_shared>> -> memref<768x16xf32, #tpu.memory_space<vmem_shared>>
      %dma_start3A_490 = arith.constant 0 : i32
      %dma_start3A_491 = tpu.memref_slice %arg12[%add3A_38, %dma_start3A_490] : memref<100096x16xf32, #tpu.memory_space<vmem_shared>> -> memref<768x16xf32, #tpu.memory_space<vmem_shared>>
      tpu.enqueue_dma source(%arg10 : memref<768x16xf32, #tpu.memory_space<vmem>>) target(%dma_start3A_491 : memref<768x16xf32, #tpu.memory_space<vmem_shared>>) target_semaphore(%run_scoped3A : memref<!tpu.dma_semaphore, #tpu.memory_space<semaphore_mem>>)
      %dma_wait3A = arith.constant 0 : i32
      %dma_wait3A_492 = tpu.memref_slice %arg12[%add3A_38, %dma_wait3A] : memref<100096x16xf32, #tpu.memory_space<vmem_shared>> -> memref<768x16xf32, #tpu.memory_space<vmem_shared>>
      %dma_wait3A_493 = arith.constant 0 : i32
      %dma_wait3A_494 = tpu.memref_slice %arg12[%add3A_38, %dma_wait3A_493] : memref<100096x16xf32, #tpu.memory_space<vmem_shared>> -> memref<768x16xf32, #tpu.memory_space<vmem_shared>>
      tpu.wait_dma2 semaphore(%run_scoped3A : memref<!tpu.dma_semaphore, #tpu.memory_space<semaphore_mem>>) src(%arg10 : memref<768x16xf32, #tpu.memory_space<vmem>>) dst(%dma_wait3A_494 : memref<768x16xf32, #tpu.memory_space<vmem_shared>>)
      tpu.yield
    }) : () -> ()
    %add3A_39 = arith.constant 1 : i32
    %add3A_40 = arith.addi %arg1, %add3A_39 : i32
    %mul3A_41 = arith.constant 6256 : i32
    %mul3A_42 = arith.muli %add3A_40, %mul3A_41 : i32
    %sub3A = arith.constant 112 : i32
    %sub3A_43 = arith.subi %mul3A_42, %sub3A : i32
    "tpu.region"() ({
      %run_scoped3A = tpu.sem_alloc : memref<!tpu.dma_semaphore, #tpu.memory_space<semaphore_mem>>
      %dma_start3A_488 = arith.constant 0 : i32
      %dma_start3A_489 = arith.constant 0 : i32
      %dma_start3A_490 = tpu.memref_slice %arg10[%dma_start3A_488, %dma_start3A_489] : memref<768x16xf32, #tpu.memory_space<vmem>> -> memref<112x16xf32, #tpu.memory_space<vmem>>
      %dma_start3A_491 = arith.constant 0 : i32
      %dma_start3A_492 = tpu.memref_slice %arg12[%sub3A_43, %dma_start3A_491] : memref<100096x16xf32, #tpu.memory_space<vmem_shared>> -> memref<112x16xf32, #tpu.memory_space<vmem_shared>>
      %dma_start3A_493 = arith.constant 0 : i32
      %dma_start3A_494 = tpu.memref_slice %arg12[%sub3A_43, %dma_start3A_493] : memref<100096x16xf32, #tpu.memory_space<vmem_shared>> -> memref<112x16xf32, #tpu.memory_space<vmem_shared>>
      %dma_start3A_495 = arith.constant 0 : i32
      %dma_start3A_496 = arith.constant 0 : i32
      %dma_start3A_497 = tpu.memref_slice %arg10[%dma_start3A_495, %dma_start3A_496] : memref<768x16xf32, #tpu.memory_space<vmem>> -> memref<112x16xf32, #tpu.memory_space<vmem>>
      tpu.enqueue_dma source(%dma_start3A_497 : memref<112x16xf32, #tpu.memory_space<vmem>>) target(%dma_start3A_494 : memref<112x16xf32, #tpu.memory_space<vmem_shared>>) target_semaphore(%run_scoped3A : memref<!tpu.dma_semaphore, #tpu.memory_space<semaphore_mem>>)
      %dma_wait3A = arith.constant 0 : i32
      %dma_wait3A_498 = arith.constant 0 : i32
      %dma_wait3A_499 = tpu.memref_slice %arg10[%dma_wait3A, %dma_wait3A_498] : memref<768x16xf32, #tpu.memory_space<vmem>> -> memref<112x16xf32, #tpu.memory_space<vmem>>
      %dma_wait3A_500 = arith.constant 0 : i32
      %dma_wait3A_501 = tpu.memref_slice %arg12[%sub3A_43, %dma_wait3A_500] : memref<100096x16xf32, #tpu.memory_space<vmem_shared>> -> memref<112x16xf32, #tpu.memory_space<vmem_shared>>
      %dma_wait3A_502 = arith.constant 0 : i32
      %dma_wait3A_503 = tpu.memref_slice %arg12[%sub3A_43, %dma_wait3A_502] : memref<100096x16xf32, #tpu.memory_space<vmem_shared>> -> memref<112x16xf32, #tpu.memory_space<vmem_shared>>
      %dma_wait3A_504 = arith.constant 0 : i32
      %dma_wait3A_505 = arith.constant 0 : i32
      %dma_wait3A_506 = tpu.memref_slice %arg10[%dma_wait3A_504, %dma_wait3A_505] : memref<768x16xf32, #tpu.memory_space<vmem>> -> memref<112x16xf32, #tpu.memory_space<vmem>>
      tpu.wait_dma2 semaphore(%run_scoped3A : memref<!tpu.dma_semaphore, #tpu.memory_space<semaphore_mem>>) src(%dma_wait3A_506 : memref<112x16xf32, #tpu.memory_space<vmem>>) dst(%dma_wait3A_503 : memref<112x16xf32, #tpu.memory_space<vmem_shared>>)
      tpu.yield
    }) : () -> ()
    %barrier3A = arith.constant 0 : index
    tpu.barrier barrier_id(%barrier3A)
    %add3A_44 = arith.constant 0 : i32
    %add3A_45 = arith.addi %mul3A_0, %add3A_44 : i32
    "tpu.region"() ({
      %run_scoped3A = tpu.sem_alloc : memref<!tpu.dma_semaphore, #tpu.memory_space<semaphore_mem>>
      %dma_start3A_488 = tpu.memref_slice %arg3[%add3A_45] : memref<1622016xi32, #tpu.memory_space<hbm>> -> memref<768xi32, #tpu.memory_space<hbm>>
      %dma_start3A_489 = tpu.memref_slice %arg3[%add3A_45] : memref<1622016xi32, #tpu.memory_space<hbm>> -> memref<768xi32, #tpu.memory_space<hbm>>
      tpu.enqueue_dma source(%dma_start3A_489 : memref<768xi32, #tpu.memory_space<hbm>>) target(%arg6 : memref<768xi32, #tpu.memory_space<vmem>>) target_semaphore(%run_scoped3A : memref<!tpu.dma_semaphore, #tpu.memory_space<semaphore_mem>>)
      %dma_wait3A = tpu.memref_slice %arg3[%add3A_45] : memref<1622016xi32, #tpu.memory_space<hbm>> -> memref<768xi32, #tpu.memory_space<hbm>>
      %dma_wait3A_490 = tpu.memref_slice %arg3[%add3A_45] : memref<1622016xi32, #tpu.memory_space<hbm>> -> memref<768xi32, #tpu.memory_space<hbm>>
      tpu.wait_dma2 semaphore(%run_scoped3A : memref<!tpu.dma_semaphore, #tpu.memory_space<semaphore_mem>>) src(%dma_wait3A_490 : memref<768xi32, #tpu.memory_space<hbm>>) dst(%arg6 : memref<768xi32, #tpu.memory_space<vmem>>)
      tpu.yield
    }) : () -> ()
    %add3A_46 = arith.constant 0 : i32
    %add3A_47 = arith.addi %mul3A_0, %add3A_46 : i32
    "tpu.region"() ({
      %run_scoped3A = tpu.sem_alloc : memref<!tpu.dma_semaphore, #tpu.memory_space<semaphore_mem>>
      %dma_start3A_488 = tpu.memref_slice %arg4[%add3A_47] : memref<1622016xi32, #tpu.memory_space<hbm>> -> memref<768xi32, #tpu.memory_space<hbm>>
      %dma_start3A_489 = tpu.memref_slice %arg4[%add3A_47] : memref<1622016xi32, #tpu.memory_space<hbm>> -> memref<768xi32, #tpu.memory_space<hbm>>
      tpu.enqueue_dma source(%dma_start3A_489 : memref<768xi32, #tpu.memory_space<hbm>>) target(%arg8 : memref<768xi32, #tpu.memory_space<vmem>>) target_semaphore(%run_scoped3A : memref<!tpu.dma_semaphore, #tpu.memory_space<semaphore_mem>>)
      %dma_wait3A = tpu.memref_slice %arg4[%add3A_47] : memref<1622016xi32, #tpu.memory_space<hbm>> -> memref<768xi32, #tpu.memory_space<hbm>>
      %dma_wait3A_490 = tpu.memref_slice %arg4[%add3A_47] : memref<1622016xi32, #tpu.memory_space<hbm>> -> memref<768xi32, #tpu.memory_space<hbm>>
      tpu.wait_dma2 semaphore(%run_scoped3A : memref<!tpu.dma_semaphore, #tpu.memory_space<semaphore_mem>>) src(%dma_wait3A_490 : memref<768xi32, #tpu.memory_space<hbm>>) dst(%arg8 : memref<768xi32, #tpu.memory_space<vmem>>)
      tpu.yield
    }) : () -> ()
    %get3A = arith.constant 0 : index
    %get3A_48 = tpu.vector_load %arg6[%get3A] {strides = array<i32>} : memref<768xi32, #tpu.memory_space<vmem>>, vector<16xi32>,
    %get3A_49 = vector.shape_cast %get3A_48 : vector<16xi32> to vector<16xi32>
    %add3A_50 = arith.addi %get3A_49, %broadcast_in_dim3A : vector<16xi32>
    %swap3A = arith.constant 0 : index
    %swap3A_51 = tpu.vector_load %arg6[%swap3A] {strides = array<i32>} : memref<768xi32, #tpu.memory_space<vmem>>, vector<16xi32>,
    %swap3A_52 = vector.shape_cast %swap3A_51 : vector<16xi32> to vector<16xi32>
    %swap3A_53 = vector.shape_cast %add3A_50 : vector<16xi32> to vector<16xi32>
    tpu.vector_store %arg6[%swap3A], %swap3A_53 {strides = array<i32>} : memref<768xi32, #tpu.memory_space<vmem>>, vector<16xi32>,
    %get3A_54 = arith.constant 16 : index
    %get3A_55 = tpu.vector_load %arg6[%get3A_54] {strides = array<i32>} : memref<768xi32, #tpu.memory_space<vmem>>, vector<16xi32>,
    %get3A_56 = vector.shape_cast %get3A_55 : vector<16xi32> to vector<16xi32>
    %add3A_57 = arith.addi %get3A_56, %broadcast_in_dim3A : vector<16xi32>
    %swap3A_58 = arith.constant 16 : index
    %swap3A_59 = tpu.vector_load %arg6[%swap3A_58] {strides = array<i32>} : memref<768xi32, #tpu.memory_space<vmem>>, vector<16xi32>,
    %swap3A_60 = vector.shape_cast %swap3A_59 : vector<16xi32> to vector<16xi32>
    %swap3A_61 = vector.shape_cast %add3A_57 : vector<16xi32> to vector<16xi32>
    tpu.vector_store %arg6[%swap3A_58], %swap3A_61 {strides = array<i32>} : memref<768xi32, #tpu.memory_space<vmem>>, vector<16xi32>,
    %get3A_62 = arith.constant 32 : index
    %get3A_63 = tpu.vector_load %arg6[%get3A_62] {strides = array<i32>} : memref<768xi32, #tpu.memory_space<vmem>>, vector<16xi32>,
    %get3A_64 = vector.shape_cast %get3A_63 : vector<16xi32> to vector<16xi32>
    %add3A_65 = arith.addi %get3A_64, %broadcast_in_dim3A : vector<16xi32>
    %swap3A_66 = arith.constant 32 : index
    %swap3A_67 = tpu.vector_load %arg6[%swap3A_66] {strides = array<i32>} : memref<768xi32, #tpu.memory_space<vmem>>, vector<16xi32>,
    %swap3A_68 = vector.shape_cast %swap3A_67 : vector<16xi32> to vector<16xi32>
    %swap3A_69 = vector.shape_cast %add3A_65 : vector<16xi32> to vector<16xi32>
    tpu.vector_store %arg6[%swap3A_66], %swap3A_69 {strides = array<i32>} : memref<768xi32, #tpu.memory_space<vmem>>, vector<16xi32>,
    %get3A_70 = arith.constant 48 : index
    %get3A_71 = tpu.vector_load %arg6[%get3A_70] {strides = array<i32>} : memref<768xi32, #tpu.memory_space<vmem>>, vector<16xi32>,
    %get3A_72 = vector.shape_cast %get3A_71 : vector<16xi32> to vector<16xi32>
    %add3A_73 = arith.addi %get3A_72, %broadcast_in_dim3A : vector<16xi32>
    %swap3A_74 = arith.constant 48 : index
    %swap3A_75 = tpu.vector_load %arg6[%swap3A_74] {strides = array<i32>} : memref<768xi32, #tpu.memory_space<vmem>>, vector<16xi32>,
    %swap3A_76 = vector.shape_cast %swap3A_75 : vector<16xi32> to vector<16xi32>
    %swap3A_77 = vector.shape_cast %add3A_73 : vector<16xi32> to vector<16xi32>
    tpu.vector_store %arg6[%swap3A_74], %swap3A_77 {strides = array<i32>} : memref<768xi32, #tpu.memory_space<vmem>>, vector<16xi32>,
    %get3A_78 = arith.constant 64 : index
    %get3A_79 = tpu.vector_load %arg6[%get3A_78] {strides = array<i32>} : memref<768xi32, #tpu.memory_space<vmem>>, vector<16xi32>,
    %get3A_80 = vector.shape_cast %get3A_79 : vector<16xi32> to vector<16xi32>
    %add3A_81 = arith.addi %get3A_80, %broadcast_in_dim3A : vector<16xi32>
    %swap3A_82 = arith.constant 64 : index
    %swap3A_83 = tpu.vector_load %arg6[%swap3A_82] {strides = array<i32>} : memref<768xi32, #tpu.memory_space<vmem>>, vector<16xi32>,
    %swap3A_84 = vector.shape_cast %swap3A_83 : vector<16xi32> to vector<16xi32>
    %swap3A_85 = vector.shape_cast %add3A_81 : vector<16xi32> to vector<16xi32>
    tpu.vector_store %arg6[%swap3A_82], %swap3A_85 {strides = array<i32>} : memref<768xi32, #tpu.memory_space<vmem>>, vector<16xi32>,
    %get3A_86 = arith.constant 80 : index
    %get3A_87 = tpu.vector_load %arg6[%get3A_86] {strides = array<i32>} : memref<768xi32, #tpu.memory_space<vmem>>, vector<16xi32>,
    %get3A_88 = vector.shape_cast %get3A_87 : vector<16xi32> to vector<16xi32>
    %add3A_89 = arith.addi %get3A_88, %broadcast_in_dim3A : vector<16xi32>
    %swap3A_90 = arith.constant 80 : index
    %swap3A_91 = tpu.vector_load %arg6[%swap3A_90] {strides = array<i32>} : memref<768xi32, #tpu.memory_space<vmem>>, vector<16xi32>,
    %swap3A_92 = vector.shape_cast %swap3A_91 : vector<16xi32> to vector<16xi32>
    %swap3A_93 = vector.shape_cast %add3A_89 : vector<16xi32> to vector<16xi32>
    tpu.vector_store %arg6[%swap3A_90], %swap3A_93 {strides = array<i32>} : memref<768xi32, #tpu.memory_space<vmem>>, vector<16xi32>,
    %get3A_94 = arith.constant 96 : index
    %get3A_95 = tpu.vector_load %arg6[%get3A_94] {strides = array<i32>} : memref<768xi32, #tpu.memory_space<vmem>>, vector<16xi32>,
    %get3A_96 = vector.shape_cast %get3A_95 : vector<16xi32> to vector<16xi32>
    %add3A_97 = arith.addi %get3A_96, %broadcast_in_dim3A : vector<16xi32>
    %swap3A_98 = arith.constant 96 : index
    %swap3A_99 = tpu.vector_load %arg6[%swap3A_98] {strides = array<i32>} : memref<768xi32, #tpu.memory_space<vmem>>, vector<16xi32>,
    %swap3A_100 = vector.shape_cast %swap3A_99 : vector<16xi32> to vector<16xi32>
    %swap3A_101 = vector.shape_cast %add3A_97 : vector<16xi32> to vector<16xi32>
    tpu.vector_store %arg6[%swap3A_98], %swap3A_101 {strides = array<i32>} : memref<768xi32, #tpu.memory_space<vmem>>, vector<16xi32>,
    %get3A_102 = arith.constant 112 : index
    %get3A_103 = tpu.vector_load %arg6[%get3A_102] {strides = array<i32>} : memref<768xi32, #tpu.memory_space<vmem>>, vector<16xi32>,
    %get3A_104 = vector.shape_cast %get3A_103 : vector<16xi32> to vector<16xi32>
    %add3A_105 = arith.addi %get3A_104, %broadcast_in_dim3A : vector<16xi32>
    %swap3A_106 = arith.constant 112 : index
    %swap3A_107 = tpu.vector_load %arg6[%swap3A_106] {strides = array<i32>} : memref<768xi32, #tpu.memory_space<vmem>>, vector<16xi32>,
    %swap3A_108 = vector.shape_cast %swap3A_107 : vector<16xi32> to vector<16xi32>
    %swap3A_109 = vector.shape_cast %add3A_105 : vector<16xi32> to vector<16xi32>
    tpu.vector_store %arg6[%swap3A_106], %swap3A_109 {strides = array<i32>} : memref<768xi32, #tpu.memory_space<vmem>>, vector<16xi32>,
    %get3A_110 = arith.constant 128 : index
    %get3A_111 = tpu.vector_load %arg6[%get3A_110] {strides = array<i32>} : memref<768xi32, #tpu.memory_space<vmem>>, vector<16xi32>,
    %get3A_112 = vector.shape_cast %get3A_111 : vector<16xi32> to vector<16xi32>
    %add3A_113 = arith.addi %get3A_112, %broadcast_in_dim3A : vector<16xi32>
    %swap3A_114 = arith.constant 128 : index
    %swap3A_115 = tpu.vector_load %arg6[%swap3A_114] {strides = array<i32>} : memref<768xi32, #tpu.memory_space<vmem>>, vector<16xi32>,
    %swap3A_116 = vector.shape_cast %swap3A_115 : vector<16xi32> to vector<16xi32>
    %swap3A_117 = vector.shape_cast %add3A_113 : vector<16xi32> to vector<16xi32>
    tpu.vector_store %arg6[%swap3A_114], %swap3A_117 {strides = array<i32>} : memref<768xi32, #tpu.memory_space<vmem>>, vector<16xi32>,
    %get3A_118 = arith.constant 144 : index
    %get3A_119 = tpu.vector_load %arg6[%get3A_118] {strides = array<i32>} : memref<768xi32, #tpu.memory_space<vmem>>, vector<16xi32>,
    %get3A_120 = vector.shape_cast %get3A_119 : vector<16xi32> to vector<16xi32>
    %add3A_121 = arith.addi %get3A_120, %broadcast_in_dim3A : vector<16xi32>
    %swap3A_122 = arith.constant 144 : index
    %swap3A_123 = tpu.vector_load %arg6[%swap3A_122] {strides = array<i32>} : memref<768xi32, #tpu.memory_space<vmem>>, vector<16xi32>,
    %swap3A_124 = vector.shape_cast %swap3A_123 : vector<16xi32> to vector<16xi32>
    %swap3A_125 = vector.shape_cast %add3A_121 : vector<16xi32> to vector<16xi32>
    tpu.vector_store %arg6[%swap3A_122], %swap3A_125 {strides = array<i32>} : memref<768xi32, #tpu.memory_space<vmem>>, vector<16xi32>,
    %get3A_126 = arith.constant 160 : index
    %get3A_127 = tpu.vector_load %arg6[%get3A_126] {strides = array<i32>} : memref<768xi32, #tpu.memory_space<vmem>>, vector<16xi32>,
    %get3A_128 = vector.shape_cast %get3A_127 : vector<16xi32> to vector<16xi32>
    %add3A_129 = arith.addi %get3A_128, %broadcast_in_dim3A : vector<16xi32>
    %swap3A_130 = arith.constant 160 : index
    %swap3A_131 = tpu.vector_load %arg6[%swap3A_130] {strides = array<i32>} : memref<768xi32, #tpu.memory_space<vmem>>, vector<16xi32>,
    %swap3A_132 = vector.shape_cast %swap3A_131 : vector<16xi32> to vector<16xi32>
    %swap3A_133 = vector.shape_cast %add3A_129 : vector<16xi32> to vector<16xi32>
    tpu.vector_store %arg6[%swap3A_130], %swap3A_133 {strides = array<i32>} : memref<768xi32, #tpu.memory_space<vmem>>, vector<16xi32>,
    %get3A_134 = arith.constant 176 : index
    %get3A_135 = tpu.vector_load %arg6[%get3A_134] {strides = array<i32>} : memref<768xi32, #tpu.memory_space<vmem>>, vector<16xi32>,
    %get3A_136 = vector.shape_cast %get3A_135 : vector<16xi32> to vector<16xi32>
    %add3A_137 = arith.addi %get3A_136, %broadcast_in_dim3A : vector<16xi32>
    %swap3A_138 = arith.constant 176 : index
    %swap3A_139 = tpu.vector_load %arg6[%swap3A_138] {strides = array<i32>} : memref<768xi32, #tpu.memory_space<vmem>>, vector<16xi32>,
    %swap3A_140 = vector.shape_cast %swap3A_139 : vector<16xi32> to vector<16xi32>
    %swap3A_141 = vector.shape_cast %add3A_137 : vector<16xi32> to vector<16xi32>
    tpu.vector_store %arg6[%swap3A_138], %swap3A_141 {strides = array<i32>} : memref<768xi32, #tpu.memory_space<vmem>>, vector<16xi32>,
    %get3A_142 = arith.constant 192 : index
    %get3A_143 = tpu.vector_load %arg6[%get3A_142] {strides = array<i32>} : memref<768xi32, #tpu.memory_space<vmem>>, vector<16xi32>,
    %get3A_144 = vector.shape_cast %get3A_143 : vector<16xi32> to vector<16xi32>
    %add3A_145 = arith.addi %get3A_144, %broadcast_in_dim3A : vector<16xi32>
    %swap3A_146 = arith.constant 192 : index
    %swap3A_147 = tpu.vector_load %arg6[%swap3A_146] {strides = array<i32>} : memref<768xi32, #tpu.memory_space<vmem>>, vector<16xi32>,
    %swap3A_148 = vector.shape_cast %swap3A_147 : vector<16xi32> to vector<16xi32>
    %swap3A_149 = vector.shape_cast %add3A_145 : vector<16xi32> to vector<16xi32>
    tpu.vector_store %arg6[%swap3A_146], %swap3A_149 {strides = array<i32>} : memref<768xi32, #tpu.memory_space<vmem>>, vector<16xi32>,
    %get3A_150 = arith.constant 208 : index
    %get3A_151 = tpu.vector_load %arg6[%get3A_150] {strides = array<i32>} : memref<768xi32, #tpu.memory_space<vmem>>, vector<16xi32>,
    %get3A_152 = vector.shape_cast %get3A_151 : vector<16xi32> to vector<16xi32>
    %add3A_153 = arith.addi %get3A_152, %broadcast_in_dim3A : vector<16xi32>
    %swap3A_154 = arith.constant 208 : index
    %swap3A_155 = tpu.vector_load %arg6[%swap3A_154] {strides = array<i32>} : memref<768xi32, #tpu.memory_space<vmem>>, vector<16xi32>,
    %swap3A_156 = vector.shape_cast %swap3A_155 : vector<16xi32> to vector<16xi32>
    %swap3A_157 = vector.shape_cast %add3A_153 : vector<16xi32> to vector<16xi32>
    tpu.vector_store %arg6[%swap3A_154], %swap3A_157 {strides = array<i32>} : memref<768xi32, #tpu.memory_space<vmem>>, vector<16xi32>,
    %get3A_158 = arith.constant 224 : index
    %get3A_159 = tpu.vector_load %arg6[%get3A_158] {strides = array<i32>} : memref<768xi32, #tpu.memory_space<vmem>>, vector<16xi32>,
    %get3A_160 = vector.shape_cast %get3A_159 : vector<16xi32> to vector<16xi32>
    %add3A_161 = arith.addi %get3A_160, %broadcast_in_dim3A : vector<16xi32>
    %swap3A_162 = arith.constant 224 : index
    %swap3A_163 = tpu.vector_load %arg6[%swap3A_162] {strides = array<i32>} : memref<768xi32, #tpu.memory_space<vmem>>, vector<16xi32>,
    %swap3A_164 = vector.shape_cast %swap3A_163 : vector<16xi32> to vector<16xi32>
    %swap3A_165 = vector.shape_cast %add3A_161 : vector<16xi32> to vector<16xi32>
    tpu.vector_store %arg6[%swap3A_162], %swap3A_165 {strides = array<i32>} : memref<768xi32, #tpu.memory_space<vmem>>, vector<16xi32>,
    %get3A_166 = arith.constant 240 : index
    %get3A_167 = tpu.vector_load %arg6[%get3A_166] {strides = array<i32>} : memref<768xi32, #tpu.memory_space<vmem>>, vector<16xi32>,
    %get3A_168 = vector.shape_cast %get3A_167 : vector<16xi32> to vector<16xi32>
    %add3A_169 = arith.addi %get3A_168, %broadcast_in_dim3A : vector<16xi32>
    %swap3A_170 = arith.constant 240 : index
    %swap3A_171 = tpu.vector_load %arg6[%swap3A_170] {strides = array<i32>} : memref<768xi32, #tpu.memory_space<vmem>>, vector<16xi32>,
    %swap3A_172 = vector.shape_cast %swap3A_171 : vector<16xi32> to vector<16xi32>
    %swap3A_173 = vector.shape_cast %add3A_169 : vector<16xi32> to vector<16xi32>
    tpu.vector_store %arg6[%swap3A_170], %swap3A_173 {strides = array<i32>} : memref<768xi32, #tpu.memory_space<vmem>>, vector<16xi32>,
    %get3A_174 = arith.constant 256 : index
    %get3A_175 = tpu.vector_load %arg6[%get3A_174] {strides = array<i32>} : memref<768xi32, #tpu.memory_space<vmem>>, vector<16xi32>,
    %get3A_176 = vector.shape_cast %get3A_175 : vector<16xi32> to vector<16xi32>
    %add3A_177 = arith.addi %get3A_176, %broadcast_in_dim3A : vector<16xi32>
    %swap3A_178 = arith.constant 256 : index
    %swap3A_179 = tpu.vector_load %arg6[%swap3A_178] {strides = array<i32>} : memref<768xi32, #tpu.memory_space<vmem>>, vector<16xi32>,
    %swap3A_180 = vector.shape_cast %swap3A_179 : vector<16xi32> to vector<16xi32>
    %swap3A_181 = vector.shape_cast %add3A_177 : vector<16xi32> to vector<16xi32>
    tpu.vector_store %arg6[%swap3A_178], %swap3A_181 {strides = array<i32>} : memref<768xi32, #tpu.memory_space<vmem>>, vector<16xi32>,
    %get3A_182 = arith.constant 272 : index
    %get3A_183 = tpu.vector_load %arg6[%get3A_182] {strides = array<i32>} : memref<768xi32, #tpu.memory_space<vmem>>, vector<16xi32>,
    %get3A_184 = vector.shape_cast %get3A_183 : vector<16xi32> to vector<16xi32>
    %add3A_185 = arith.addi %get3A_184, %broadcast_in_dim3A : vector<16xi32>
    %swap3A_186 = arith.constant 272 : index
    %swap3A_187 = tpu.vector_load %arg6[%swap3A_186] {strides = array<i32>} : memref<768xi32, #tpu.memory_space<vmem>>, vector<16xi32>,
    %swap3A_188 = vector.shape_cast %swap3A_187 : vector<16xi32> to vector<16xi32>
    %swap3A_189 = vector.shape_cast %add3A_185 : vector<16xi32> to vector<16xi32>
    tpu.vector_store %arg6[%swap3A_186], %swap3A_189 {strides = array<i32>} : memref<768xi32, #tpu.memory_space<vmem>>, vector<16xi32>,
    %get3A_190 = arith.constant 288 : index
    %get3A_191 = tpu.vector_load %arg6[%get3A_190] {strides = array<i32>} : memref<768xi32, #tpu.memory_space<vmem>>, vector<16xi32>,
    %get3A_192 = vector.shape_cast %get3A_191 : vector<16xi32> to vector<16xi32>
    %add3A_193 = arith.addi %get3A_192, %broadcast_in_dim3A : vector<16xi32>
    %swap3A_194 = arith.constant 288 : index
    %swap3A_195 = tpu.vector_load %arg6[%swap3A_194] {strides = array<i32>} : memref<768xi32, #tpu.memory_space<vmem>>, vector<16xi32>,
    %swap3A_196 = vector.shape_cast %swap3A_195 : vector<16xi32> to vector<16xi32>
    %swap3A_197 = vector.shape_cast %add3A_193 : vector<16xi32> to vector<16xi32>
    tpu.vector_store %arg6[%swap3A_194], %swap3A_197 {strides = array<i32>} : memref<768xi32, #tpu.memory_space<vmem>>, vector<16xi32>,
    %get3A_198 = arith.constant 304 : index
    %get3A_199 = tpu.vector_load %arg6[%get3A_198] {strides = array<i32>} : memref<768xi32, #tpu.memory_space<vmem>>, vector<16xi32>,
    %get3A_200 = vector.shape_cast %get3A_199 : vector<16xi32> to vector<16xi32>
    %add3A_201 = arith.addi %get3A_200, %broadcast_in_dim3A : vector<16xi32>
    %swap3A_202 = arith.constant 304 : index
    %swap3A_203 = tpu.vector_load %arg6[%swap3A_202] {strides = array<i32>} : memref<768xi32, #tpu.memory_space<vmem>>, vector<16xi32>,
    %swap3A_204 = vector.shape_cast %swap3A_203 : vector<16xi32> to vector<16xi32>
    %swap3A_205 = vector.shape_cast %add3A_201 : vector<16xi32> to vector<16xi32>
    tpu.vector_store %arg6[%swap3A_202], %swap3A_205 {strides = array<i32>} : memref<768xi32, #tpu.memory_space<vmem>>, vector<16xi32>,
    %get3A_206 = arith.constant 320 : index
    %get3A_207 = tpu.vector_load %arg6[%get3A_206] {strides = array<i32>} : memref<768xi32, #tpu.memory_space<vmem>>, vector<16xi32>,
    %get3A_208 = vector.shape_cast %get3A_207 : vector<16xi32> to vector<16xi32>
    %add3A_209 = arith.addi %get3A_208, %broadcast_in_dim3A : vector<16xi32>
    %swap3A_210 = arith.constant 320 : index
    %swap3A_211 = tpu.vector_load %arg6[%swap3A_210] {strides = array<i32>} : memref<768xi32, #tpu.memory_space<vmem>>, vector<16xi32>,
    %swap3A_212 = vector.shape_cast %swap3A_211 : vector<16xi32> to vector<16xi32>
    %swap3A_213 = vector.shape_cast %add3A_209 : vector<16xi32> to vector<16xi32>
    tpu.vector_store %arg6[%swap3A_210], %swap3A_213 {strides = array<i32>} : memref<768xi32, #tpu.memory_space<vmem>>, vector<16xi32>,
    %get3A_214 = arith.constant 336 : index
    %get3A_215 = tpu.vector_load %arg6[%get3A_214] {strides = array<i32>} : memref<768xi32, #tpu.memory_space<vmem>>, vector<16xi32>,
    %get3A_216 = vector.shape_cast %get3A_215 : vector<16xi32> to vector<16xi32>
    %add3A_217 = arith.addi %get3A_216, %broadcast_in_dim3A : vector<16xi32>
    %swap3A_218 = arith.constant 336 : index
    %swap3A_219 = tpu.vector_load %arg6[%swap3A_218] {strides = array<i32>} : memref<768xi32, #tpu.memory_space<vmem>>, vector<16xi32>,
    %swap3A_220 = vector.shape_cast %swap3A_219 : vector<16xi32> to vector<16xi32>
    %swap3A_221 = vector.shape_cast %add3A_217 : vector<16xi32> to vector<16xi32>
    tpu.vector_store %arg6[%swap3A_218], %swap3A_221 {strides = array<i32>} : memref<768xi32, #tpu.memory_space<vmem>>, vector<16xi32>,
    %get3A_222 = arith.constant 352 : index
    %get3A_223 = tpu.vector_load %arg6[%get3A_222] {strides = array<i32>} : memref<768xi32, #tpu.memory_space<vmem>>, vector<16xi32>,
    %get3A_224 = vector.shape_cast %get3A_223 : vector<16xi32> to vector<16xi32>
    %add3A_225 = arith.addi %get3A_224, %broadcast_in_dim3A : vector<16xi32>
    %swap3A_226 = arith.constant 352 : index
    %swap3A_227 = tpu.vector_load %arg6[%swap3A_226] {strides = array<i32>} : memref<768xi32, #tpu.memory_space<vmem>>, vector<16xi32>,
    %swap3A_228 = vector.shape_cast %swap3A_227 : vector<16xi32> to vector<16xi32>
    %swap3A_229 = vector.shape_cast %add3A_225 : vector<16xi32> to vector<16xi32>
    tpu.vector_store %arg6[%swap3A_226], %swap3A_229 {strides = array<i32>} : memref<768xi32, #tpu.memory_space<vmem>>, vector<16xi32>,
    %get3A_230 = arith.constant 368 : index
    %get3A_231 = tpu.vector_load %arg6[%get3A_230] {strides = array<i32>} : memref<768xi32, #tpu.memory_space<vmem>>, vector<16xi32>,
    %get3A_232 = vector.shape_cast %get3A_231 : vector<16xi32> to vector<16xi32>
    %add3A_233 = arith.addi %get3A_232, %broadcast_in_dim3A : vector<16xi32>
    %swap3A_234 = arith.constant 368 : index
    %swap3A_235 = tpu.vector_load %arg6[%swap3A_234] {strides = array<i32>} : memref<768xi32, #tpu.memory_space<vmem>>, vector<16xi32>,
    %swap3A_236 = vector.shape_cast %swap3A_235 : vector<16xi32> to vector<16xi32>
    %swap3A_237 = vector.shape_cast %add3A_233 : vector<16xi32> to vector<16xi32>
    tpu.vector_store %arg6[%swap3A_234], %swap3A_237 {strides = array<i32>} : memref<768xi32, #tpu.memory_space<vmem>>, vector<16xi32>,
    %get3A_238 = arith.constant 384 : index
    %get3A_239 = tpu.vector_load %arg6[%get3A_238] {strides = array<i32>} : memref<768xi32, #tpu.memory_space<vmem>>, vector<16xi32>,
    %get3A_240 = vector.shape_cast %get3A_239 : vector<16xi32> to vector<16xi32>
    %add3A_241 = arith.addi %get3A_240, %broadcast_in_dim3A : vector<16xi32>
    %swap3A_242 = arith.constant 384 : index
    %swap3A_243 = tpu.vector_load %arg6[%swap3A_242] {strides = array<i32>} : memref<768xi32, #tpu.memory_space<vmem>>, vector<16xi32>,
    %swap3A_244 = vector.shape_cast %swap3A_243 : vector<16xi32> to vector<16xi32>
    %swap3A_245 = vector.shape_cast %add3A_241 : vector<16xi32> to vector<16xi32>
    tpu.vector_store %arg6[%swap3A_242], %swap3A_245 {strides = array<i32>} : memref<768xi32, #tpu.memory_space<vmem>>, vector<16xi32>,
    %get3A_246 = arith.constant 400 : index
    %get3A_247 = tpu.vector_load %arg6[%get3A_246] {strides = array<i32>} : memref<768xi32, #tpu.memory_space<vmem>>, vector<16xi32>,
    %get3A_248 = vector.shape_cast %get3A_247 : vector<16xi32> to vector<16xi32>
    %add3A_249 = arith.addi %get3A_248, %broadcast_in_dim3A : vector<16xi32>
    %swap3A_250 = arith.constant 400 : index
    %swap3A_251 = tpu.vector_load %arg6[%swap3A_250] {strides = array<i32>} : memref<768xi32, #tpu.memory_space<vmem>>, vector<16xi32>,
    %swap3A_252 = vector.shape_cast %swap3A_251 : vector<16xi32> to vector<16xi32>
    %swap3A_253 = vector.shape_cast %add3A_249 : vector<16xi32> to vector<16xi32>
    tpu.vector_store %arg6[%swap3A_250], %swap3A_253 {strides = array<i32>} : memref<768xi32, #tpu.memory_space<vmem>>, vector<16xi32>,
    %get3A_254 = arith.constant 416 : index
    %get3A_255 = tpu.vector_load %arg6[%get3A_254] {strides = array<i32>} : memref<768xi32, #tpu.memory_space<vmem>>, vector<16xi32>,
    %get3A_256 = vector.shape_cast %get3A_255 : vector<16xi32> to vector<16xi32>
    %add3A_257 = arith.addi %get3A_256, %broadcast_in_dim3A : vector<16xi32>
    %swap3A_258 = arith.constant 416 : index
    %swap3A_259 = tpu.vector_load %arg6[%swap3A_258] {strides = array<i32>} : memref<768xi32, #tpu.memory_space<vmem>>, vector<16xi32>,
    %swap3A_260 = vector.shape_cast %swap3A_259 : vector<16xi32> to vector<16xi32>
    %swap3A_261 = vector.shape_cast %add3A_257 : vector<16xi32> to vector<16xi32>
    tpu.vector_store %arg6[%swap3A_258], %swap3A_261 {strides = array<i32>} : memref<768xi32, #tpu.memory_space<vmem>>, vector<16xi32>,
    %get3A_262 = arith.constant 432 : index
    %get3A_263 = tpu.vector_load %arg6[%get3A_262] {strides = array<i32>} : memref<768xi32, #tpu.memory_space<vmem>>, vector<16xi32>,
    %get3A_264 = vector.shape_cast %get3A_263 : vector<16xi32> to vector<16xi32>
    %add3A_265 = arith.addi %get3A_264, %broadcast_in_dim3A : vector<16xi32>
    %swap3A_266 = arith.constant 432 : index
    %swap3A_267 = tpu.vector_load %arg6[%swap3A_266] {strides = array<i32>} : memref<768xi32, #tpu.memory_space<vmem>>, vector<16xi32>,
    %swap3A_268 = vector.shape_cast %swap3A_267 : vector<16xi32> to vector<16xi32>
    %swap3A_269 = vector.shape_cast %add3A_265 : vector<16xi32> to vector<16xi32>
    tpu.vector_store %arg6[%swap3A_266], %swap3A_269 {strides = array<i32>} : memref<768xi32, #tpu.memory_space<vmem>>, vector<16xi32>,
    %get3A_270 = arith.constant 448 : index
    %get3A_271 = tpu.vector_load %arg6[%get3A_270] {strides = array<i32>} : memref<768xi32, #tpu.memory_space<vmem>>, vector<16xi32>,
    %get3A_272 = vector.shape_cast %get3A_271 : vector<16xi32> to vector<16xi32>
    %add3A_273 = arith.addi %get3A_272, %broadcast_in_dim3A : vector<16xi32>
    %swap3A_274 = arith.constant 448 : index
    %swap3A_275 = tpu.vector_load %arg6[%swap3A_274] {strides = array<i32>} : memref<768xi32, #tpu.memory_space<vmem>>, vector<16xi32>,
    %swap3A_276 = vector.shape_cast %swap3A_275 : vector<16xi32> to vector<16xi32>
    %swap3A_277 = vector.shape_cast %add3A_273 : vector<16xi32> to vector<16xi32>
    tpu.vector_store %arg6[%swap3A_274], %swap3A_277 {strides = array<i32>} : memref<768xi32, #tpu.memory_space<vmem>>, vector<16xi32>,
    %get3A_278 = arith.constant 464 : index
    %get3A_279 = tpu.vector_load %arg6[%get3A_278] {strides = array<i32>} : memref<768xi32, #tpu.memory_space<vmem>>, vector<16xi32>,
    %get3A_280 = vector.shape_cast %get3A_279 : vector<16xi32> to vector<16xi32>
    %add3A_281 = arith.addi %get3A_280, %broadcast_in_dim3A : vector<16xi32>
    %swap3A_282 = arith.constant 464 : index
    %swap3A_283 = tpu.vector_load %arg6[%swap3A_282] {strides = array<i32>} : memref<768xi32, #tpu.memory_space<vmem>>, vector<16xi32>,
    %swap3A_284 = vector.shape_cast %swap3A_283 : vector<16xi32> to vector<16xi32>
    %swap3A_285 = vector.shape_cast %add3A_281 : vector<16xi32> to vector<16xi32>
    tpu.vector_store %arg6[%swap3A_282], %swap3A_285 {strides = array<i32>} : memref<768xi32, #tpu.memory_space<vmem>>, vector<16xi32>,
    %get3A_286 = arith.constant 480 : index
    %get3A_287 = tpu.vector_load %arg6[%get3A_286] {strides = array<i32>} : memref<768xi32, #tpu.memory_space<vmem>>, vector<16xi32>,
    %get3A_288 = vector.shape_cast %get3A_287 : vector<16xi32> to vector<16xi32>
    %add3A_289 = arith.addi %get3A_288, %broadcast_in_dim3A : vector<16xi32>
    %swap3A_290 = arith.constant 480 : index
    %swap3A_291 = tpu.vector_load %arg6[%swap3A_290] {strides = array<i32>} : memref<768xi32, #tpu.memory_space<vmem>>, vector<16xi32>,
    %swap3A_292 = vector.shape_cast %swap3A_291 : vector<16xi32> to vector<16xi32>
    %swap3A_293 = vector.shape_cast %add3A_289 : vector<16xi32> to vector<16xi32>
    tpu.vector_store %arg6[%swap3A_290], %swap3A_293 {strides = array<i32>} : memref<768xi32, #tpu.memory_space<vmem>>, vector<16xi32>,
    %get3A_294 = arith.constant 496 : index
    %get3A_295 = tpu.vector_load %arg6[%get3A_294] {strides = array<i32>} : memref<768xi32, #tpu.memory_space<vmem>>, vector<16xi32>,
    %get3A_296 = vector.shape_cast %get3A_295 : vector<16xi32> to vector<16xi32>
    %add3A_297 = arith.addi %get3A_296, %broadcast_in_dim3A : vector<16xi32>
    %swap3A_298 = arith.constant 496 : index
    %swap3A_299 = tpu.vector_load %arg6[%swap3A_298] {strides = array<i32>} : memref<768xi32, #tpu.memory_space<vmem>>, vector<16xi32>,
    %swap3A_300 = vector.shape_cast %swap3A_299 : vector<16xi32> to vector<16xi32>
    %swap3A_301 = vector.shape_cast %add3A_297 : vector<16xi32> to vector<16xi32>
    tpu.vector_store %arg6[%swap3A_298], %swap3A_301 {strides = array<i32>} : memref<768xi32, #tpu.memory_space<vmem>>, vector<16xi32>,
    %get3A_302 = arith.constant 512 : index
    %get3A_303 = tpu.vector_load %arg6[%get3A_302] {strides = array<i32>} : memref<768xi32, #tpu.memory_space<vmem>>, vector<16xi32>,
    %get3A_304 = vector.shape_cast %get3A_303 : vector<16xi32> to vector<16xi32>
    %add3A_305 = arith.addi %get3A_304, %broadcast_in_dim3A : vector<16xi32>
    %swap3A_306 = arith.constant 512 : index
    %swap3A_307 = tpu.vector_load %arg6[%swap3A_306] {strides = array<i32>} : memref<768xi32, #tpu.memory_space<vmem>>, vector<16xi32>,
    %swap3A_308 = vector.shape_cast %swap3A_307 : vector<16xi32> to vector<16xi32>
    %swap3A_309 = vector.shape_cast %add3A_305 : vector<16xi32> to vector<16xi32>
    tpu.vector_store %arg6[%swap3A_306], %swap3A_309 {strides = array<i32>} : memref<768xi32, #tpu.memory_space<vmem>>, vector<16xi32>,
    %get3A_310 = arith.constant 528 : index
    %get3A_311 = tpu.vector_load %arg6[%get3A_310] {strides = array<i32>} : memref<768xi32, #tpu.memory_space<vmem>>, vector<16xi32>,
    %get3A_312 = vector.shape_cast %get3A_311 : vector<16xi32> to vector<16xi32>
    %add3A_313 = arith.addi %get3A_312, %broadcast_in_dim3A : vector<16xi32>
    %swap3A_314 = arith.constant 528 : index
    %swap3A_315 = tpu.vector_load %arg6[%swap3A_314] {strides = array<i32>} : memref<768xi32, #tpu.memory_space<vmem>>, vector<16xi32>,
    %swap3A_316 = vector.shape_cast %swap3A_315 : vector<16xi32> to vector<16xi32>
    %swap3A_317 = vector.shape_cast %add3A_313 : vector<16xi32> to vector<16xi32>
    tpu.vector_store %arg6[%swap3A_314], %swap3A_317 {strides = array<i32>} : memref<768xi32, #tpu.memory_space<vmem>>, vector<16xi32>,
    %get3A_318 = arith.constant 544 : index
    %get3A_319 = tpu.vector_load %arg6[%get3A_318] {strides = array<i32>} : memref<768xi32, #tpu.memory_space<vmem>>, vector<16xi32>,
    %get3A_320 = vector.shape_cast %get3A_319 : vector<16xi32> to vector<16xi32>
    %add3A_321 = arith.addi %get3A_320, %broadcast_in_dim3A : vector<16xi32>
    %swap3A_322 = arith.constant 544 : index
    %swap3A_323 = tpu.vector_load %arg6[%swap3A_322] {strides = array<i32>} : memref<768xi32, #tpu.memory_space<vmem>>, vector<16xi32>,
    %swap3A_324 = vector.shape_cast %swap3A_323 : vector<16xi32> to vector<16xi32>
    %swap3A_325 = vector.shape_cast %add3A_321 : vector<16xi32> to vector<16xi32>
    tpu.vector_store %arg6[%swap3A_322], %swap3A_325 {strides = array<i32>} : memref<768xi32, #tpu.memory_space<vmem>>, vector<16xi32>,
    %get3A_326 = arith.constant 560 : index
    %get3A_327 = tpu.vector_load %arg6[%get3A_326] {strides = array<i32>} : memref<768xi32, #tpu.memory_space<vmem>>, vector<16xi32>,
    %get3A_328 = vector.shape_cast %get3A_327 : vector<16xi32> to vector<16xi32>
    %add3A_329 = arith.addi %get3A_328, %broadcast_in_dim3A : vector<16xi32>
    %swap3A_330 = arith.constant 560 : index
    %swap3A_331 = tpu.vector_load %arg6[%swap3A_330] {strides = array<i32>} : memref<768xi32, #tpu.memory_space<vmem>>, vector<16xi32>,
    %swap3A_332 = vector.shape_cast %swap3A_331 : vector<16xi32> to vector<16xi32>
    %swap3A_333 = vector.shape_cast %add3A_329 : vector<16xi32> to vector<16xi32>
    tpu.vector_store %arg6[%swap3A_330], %swap3A_333 {strides = array<i32>} : memref<768xi32, #tpu.memory_space<vmem>>, vector<16xi32>,
    %get3A_334 = arith.constant 576 : index
    %get3A_335 = tpu.vector_load %arg6[%get3A_334] {strides = array<i32>} : memref<768xi32, #tpu.memory_space<vmem>>, vector<16xi32>,
    %get3A_336 = vector.shape_cast %get3A_335 : vector<16xi32> to vector<16xi32>
    %add3A_337 = arith.addi %get3A_336, %broadcast_in_dim3A : vector<16xi32>
    %swap3A_338 = arith.constant 576 : index
    %swap3A_339 = tpu.vector_load %arg6[%swap3A_338] {strides = array<i32>} : memref<768xi32, #tpu.memory_space<vmem>>, vector<16xi32>,
    %swap3A_340 = vector.shape_cast %swap3A_339 : vector<16xi32> to vector<16xi32>
    %swap3A_341 = vector.shape_cast %add3A_337 : vector<16xi32> to vector<16xi32>
    tpu.vector_store %arg6[%swap3A_338], %swap3A_341 {strides = array<i32>} : memref<768xi32, #tpu.memory_space<vmem>>, vector<16xi32>,
    %get3A_342 = arith.constant 592 : index
    %get3A_343 = tpu.vector_load %arg6[%get3A_342] {strides = array<i32>} : memref<768xi32, #tpu.memory_space<vmem>>, vector<16xi32>,
    %get3A_344 = vector.shape_cast %get3A_343 : vector<16xi32> to vector<16xi32>
    %add3A_345 = arith.addi %get3A_344, %broadcast_in_dim3A : vector<16xi32>
    %swap3A_346 = arith.constant 592 : index
    %swap3A_347 = tpu.vector_load %arg6[%swap3A_346] {strides = array<i32>} : memref<768xi32, #tpu.memory_space<vmem>>, vector<16xi32>,
    %swap3A_348 = vector.shape_cast %swap3A_347 : vector<16xi32> to vector<16xi32>
    %swap3A_349 = vector.shape_cast %add3A_345 : vector<16xi32> to vector<16xi32>
    tpu.vector_store %arg6[%swap3A_346], %swap3A_349 {strides = array<i32>} : memref<768xi32, #tpu.memory_space<vmem>>, vector<16xi32>,
    %get3A_350 = arith.constant 608 : index
    %get3A_351 = tpu.vector_load %arg6[%get3A_350] {strides = array<i32>} : memref<768xi32, #tpu.memory_space<vmem>>, vector<16xi32>,
    %get3A_352 = vector.shape_cast %get3A_351 : vector<16xi32> to vector<16xi32>
    %add3A_353 = arith.addi %get3A_352, %broadcast_in_dim3A : vector<16xi32>
    %swap3A_354 = arith.constant 608 : index
    %swap3A_355 = tpu.vector_load %arg6[%swap3A_354] {strides = array<i32>} : memref<768xi32, #tpu.memory_space<vmem>>, vector<16xi32>,
    %swap3A_356 = vector.shape_cast %swap3A_355 : vector<16xi32> to vector<16xi32>
    %swap3A_357 = vector.shape_cast %add3A_353 : vector<16xi32> to vector<16xi32>
    tpu.vector_store %arg6[%swap3A_354], %swap3A_357 {strides = array<i32>} : memref<768xi32, #tpu.memory_space<vmem>>, vector<16xi32>,
    %get3A_358 = arith.constant 624 : index
    %get3A_359 = tpu.vector_load %arg6[%get3A_358] {strides = array<i32>} : memref<768xi32, #tpu.memory_space<vmem>>, vector<16xi32>,
    %get3A_360 = vector.shape_cast %get3A_359 : vector<16xi32> to vector<16xi32>
    %add3A_361 = arith.addi %get3A_360, %broadcast_in_dim3A : vector<16xi32>
    %swap3A_362 = arith.constant 624 : index
    %swap3A_363 = tpu.vector_load %arg6[%swap3A_362] {strides = array<i32>} : memref<768xi32, #tpu.memory_space<vmem>>, vector<16xi32>,
    %swap3A_364 = vector.shape_cast %swap3A_363 : vector<16xi32> to vector<16xi32>
    %swap3A_365 = vector.shape_cast %add3A_361 : vector<16xi32> to vector<16xi32>
    tpu.vector_store %arg6[%swap3A_362], %swap3A_365 {strides = array<i32>} : memref<768xi32, #tpu.memory_space<vmem>>, vector<16xi32>,
    %get3A_366 = arith.constant 640 : index
    %get3A_367 = tpu.vector_load %arg6[%get3A_366] {strides = array<i32>} : memref<768xi32, #tpu.memory_space<vmem>>, vector<16xi32>,
    %get3A_368 = vector.shape_cast %get3A_367 : vector<16xi32> to vector<16xi32>
    %add3A_369 = arith.addi %get3A_368, %broadcast_in_dim3A : vector<16xi32>
    %swap3A_370 = arith.constant 640 : index
    %swap3A_371 = tpu.vector_load %arg6[%swap3A_370] {strides = array<i32>} : memref<768xi32, #tpu.memory_space<vmem>>, vector<16xi32>,
    %swap3A_372 = vector.shape_cast %swap3A_371 : vector<16xi32> to vector<16xi32>
    %swap3A_373 = vector.shape_cast %add3A_369 : vector<16xi32> to vector<16xi32>
    tpu.vector_store %arg6[%swap3A_370], %swap3A_373 {strides = array<i32>} : memref<768xi32, #tpu.memory_space<vmem>>, vector<16xi32>,
    %get3A_374 = arith.constant 656 : index
    %get3A_375 = tpu.vector_load %arg6[%get3A_374] {strides = array<i32>} : memref<768xi32, #tpu.memory_space<vmem>>, vector<16xi32>,
    %get3A_376 = vector.shape_cast %get3A_375 : vector<16xi32> to vector<16xi32>
    %add3A_377 = arith.addi %get3A_376, %broadcast_in_dim3A : vector<16xi32>
    %swap3A_378 = arith.constant 656 : index
    %swap3A_379 = tpu.vector_load %arg6[%swap3A_378] {strides = array<i32>} : memref<768xi32, #tpu.memory_space<vmem>>, vector<16xi32>,
    %swap3A_380 = vector.shape_cast %swap3A_379 : vector<16xi32> to vector<16xi32>
    %swap3A_381 = vector.shape_cast %add3A_377 : vector<16xi32> to vector<16xi32>
    tpu.vector_store %arg6[%swap3A_378], %swap3A_381 {strides = array<i32>} : memref<768xi32, #tpu.memory_space<vmem>>, vector<16xi32>,
    %get3A_382 = arith.constant 672 : index
    %get3A_383 = tpu.vector_load %arg6[%get3A_382] {strides = array<i32>} : memref<768xi32, #tpu.memory_space<vmem>>, vector<16xi32>,
    %get3A_384 = vector.shape_cast %get3A_383 : vector<16xi32> to vector<16xi32>
    %add3A_385 = arith.addi %get3A_384, %broadcast_in_dim3A : vector<16xi32>
    %swap3A_386 = arith.constant 672 : index
    %swap3A_387 = tpu.vector_load %arg6[%swap3A_386] {strides = array<i32>} : memref<768xi32, #tpu.memory_space<vmem>>, vector<16xi32>,
    %swap3A_388 = vector.shape_cast %swap3A_387 : vector<16xi32> to vector<16xi32>
    %swap3A_389 = vector.shape_cast %add3A_385 : vector<16xi32> to vector<16xi32>
    tpu.vector_store %arg6[%swap3A_386], %swap3A_389 {strides = array<i32>} : memref<768xi32, #tpu.memory_space<vmem>>, vector<16xi32>,
    %get3A_390 = arith.constant 688 : index
    %get3A_391 = tpu.vector_load %arg6[%get3A_390] {strides = array<i32>} : memref<768xi32, #tpu.memory_space<vmem>>, vector<16xi32>,
    %get3A_392 = vector.shape_cast %get3A_391 : vector<16xi32> to vector<16xi32>
    %add3A_393 = arith.addi %get3A_392, %broadcast_in_dim3A : vector<16xi32>
    %swap3A_394 = arith.constant 688 : index
    %swap3A_395 = tpu.vector_load %arg6[%swap3A_394] {strides = array<i32>} : memref<768xi32, #tpu.memory_space<vmem>>, vector<16xi32>,
    %swap3A_396 = vector.shape_cast %swap3A_395 : vector<16xi32> to vector<16xi32>
    %swap3A_397 = vector.shape_cast %add3A_393 : vector<16xi32> to vector<16xi32>
    tpu.vector_store %arg6[%swap3A_394], %swap3A_397 {strides = array<i32>} : memref<768xi32, #tpu.memory_space<vmem>>, vector<16xi32>,
    %get3A_398 = arith.constant 704 : index
    %get3A_399 = tpu.vector_load %arg6[%get3A_398] {strides = array<i32>} : memref<768xi32, #tpu.memory_space<vmem>>, vector<16xi32>,
    %get3A_400 = vector.shape_cast %get3A_399 : vector<16xi32> to vector<16xi32>
    %add3A_401 = arith.addi %get3A_400, %broadcast_in_dim3A : vector<16xi32>
    %swap3A_402 = arith.constant 704 : index
    %swap3A_403 = tpu.vector_load %arg6[%swap3A_402] {strides = array<i32>} : memref<768xi32, #tpu.memory_space<vmem>>, vector<16xi32>,
    %swap3A_404 = vector.shape_cast %swap3A_403 : vector<16xi32> to vector<16xi32>
    %swap3A_405 = vector.shape_cast %add3A_401 : vector<16xi32> to vector<16xi32>
    tpu.vector_store %arg6[%swap3A_402], %swap3A_405 {strides = array<i32>} : memref<768xi32, #tpu.memory_space<vmem>>, vector<16xi32>,
    %get3A_406 = arith.constant 720 : index
    %get3A_407 = tpu.vector_load %arg6[%get3A_406] {strides = array<i32>} : memref<768xi32, #tpu.memory_space<vmem>>, vector<16xi32>,
    %get3A_408 = vector.shape_cast %get3A_407 : vector<16xi32> to vector<16xi32>
    %add3A_409 = arith.addi %get3A_408, %broadcast_in_dim3A : vector<16xi32>
    %swap3A_410 = arith.constant 720 : index
    %swap3A_411 = tpu.vector_load %arg6[%swap3A_410] {strides = array<i32>} : memref<768xi32, #tpu.memory_space<vmem>>, vector<16xi32>,
    %swap3A_412 = vector.shape_cast %swap3A_411 : vector<16xi32> to vector<16xi32>
    %swap3A_413 = vector.shape_cast %add3A_409 : vector<16xi32> to vector<16xi32>
    tpu.vector_store %arg6[%swap3A_410], %swap3A_413 {strides = array<i32>} : memref<768xi32, #tpu.memory_space<vmem>>, vector<16xi32>,
    %get3A_414 = arith.constant 736 : index
    %get3A_415 = tpu.vector_load %arg6[%get3A_414] {strides = array<i32>} : memref<768xi32, #tpu.memory_space<vmem>>, vector<16xi32>,
    %get3A_416 = vector.shape_cast %get3A_415 : vector<16xi32> to vector<16xi32>
    %add3A_417 = arith.addi %get3A_416, %broadcast_in_dim3A : vector<16xi32>
    %swap3A_418 = arith.constant 736 : index
    %swap3A_419 = tpu.vector_load %arg6[%swap3A_418] {strides = array<i32>} : memref<768xi32, #tpu.memory_space<vmem>>, vector<16xi32>,
    %swap3A_420 = vector.shape_cast %swap3A_419 : vector<16xi32> to vector<16xi32>
    %swap3A_421 = vector.shape_cast %add3A_417 : vector<16xi32> to vector<16xi32>
    tpu.vector_store %arg6[%swap3A_418], %swap3A_421 {strides = array<i32>} : memref<768xi32, #tpu.memory_space<vmem>>, vector<16xi32>,
    %get3A_422 = arith.constant 752 : index
    %get3A_423 = tpu.vector_load %arg6[%get3A_422] {strides = array<i32>} : memref<768xi32, #tpu.memory_space<vmem>>, vector<16xi32>,
    %get3A_424 = vector.shape_cast %get3A_423 : vector<16xi32> to vector<16xi32>
    %add3A_425 = arith.addi %get3A_424, %broadcast_in_dim3A : vector<16xi32>
    %swap3A_426 = arith.constant 752 : index
    %swap3A_427 = tpu.vector_load %arg6[%swap3A_426] {strides = array<i32>} : memref<768xi32, #tpu.memory_space<vmem>>, vector<16xi32>,
    %swap3A_428 = vector.shape_cast %swap3A_427 : vector<16xi32> to vector<16xi32>
    %swap3A_429 = vector.shape_cast %add3A_425 : vector<16xi32> to vector<16xi32>
    tpu.vector_store %arg6[%swap3A_426], %swap3A_429 {strides = array<i32>} : memref<768xi32, #tpu.memory_space<vmem>>, vector<16xi32>,
    %dma_start3A = arith.constant 0 : i32
    %dma_start3A_430 = arith.constant 0 : i32
    %dma_start3A_431 = tpu.memref_slice %arg10[%dma_start3A, %dma_start3A_430] : memref<768x16xf32, #tpu.memory_space<vmem>> -> memref<128x16xf32, #tpu.memory_space<vmem>>
    %dma_start3A_432 = arith.constant 0 : i32
    %dma_start3A_433 = tpu.memref_slice %arg6[%dma_start3A_432] : memref<768xi32, #tpu.memory_space<vmem>> -> memref<128xi32, #tpu.memory_space<vmem>>
    %dma_start3A_434 = arith.constant 0 : i32
    %dma_start3A_435 = arith.constant 0 : i32
    %dma_start3A_436 = tpu.memref_slice %arg2[%dma_start3A_434, %dma_start3A_435] : memref<200512x16xf32, #tpu.memory_space<hbm>> -> memref<200512x16xf32, #tpu.memory_space<hbm>>
    tpu.enqueue_indirect_dma source(%dma_start3A_436 : memref<200512x16xf32, #tpu.memory_space<hbm>>) target(%dma_start3A_431 : memref<128x16xf32, #tpu.memory_space<vmem>>) offsets(%dma_start3A_433 : memref<128xi32, #tpu.memory_space<vmem>>) semaphore(%arg13 : memref<!tpu.dma_semaphore, #tpu.memory_space<semaphore_mem>>)
    %dma_start3A_437 = arith.constant 128 : i32
    %dma_start3A_438 = arith.constant 0 : i32
    %dma_start3A_439 = tpu.memref_slice %arg10[%dma_start3A_437, %dma_start3A_438] : memref<768x16xf32, #tpu.memory_space<vmem>> -> memref<128x16xf32, #tpu.memory_space<vmem>>
    %dma_start3A_440 = arith.constant 128 : i32
    %dma_start3A_441 = tpu.memref_slice %arg6[%dma_start3A_440] : memref<768xi32, #tpu.memory_space<vmem>> -> memref<128xi32, #tpu.memory_space<vmem>>
    %dma_start3A_442 = arith.constant 0 : i32
    %dma_start3A_443 = arith.constant 0 : i32
    %dma_start3A_444 = tpu.memref_slice %arg2[%dma_start3A_442, %dma_start3A_443] : memref<200512x16xf32, #tpu.memory_space<hbm>> -> memref<200512x16xf32, #tpu.memory_space<hbm>>
    tpu.enqueue_indirect_dma source(%dma_start3A_444 : memref<200512x16xf32, #tpu.memory_space<hbm>>) target(%dma_start3A_439 : memref<128x16xf32, #tpu.memory_space<vmem>>) offsets(%dma_start3A_441 : memref<128xi32, #tpu.memory_space<vmem>>) semaphore(%arg13 : memref<!tpu.dma_semaphore, #tpu.memory_space<semaphore_mem>>)
    %dma_start3A_445 = arith.constant 256 : i32
    %dma_start3A_446 = arith.constant 0 : i32
    %dma_start3A_447 = tpu.memref_slice %arg10[%dma_start3A_445, %dma_start3A_446] : memref<768x16xf32, #tpu.memory_space<vmem>> -> memref<128x16xf32, #tpu.memory_space<vmem>>
    %dma_start3A_448 = arith.constant 256 : i32
    %dma_start3A_449 = tpu.memref_slice %arg6[%dma_start3A_448] : memref<768xi32, #tpu.memory_space<vmem>> -> memref<128xi32, #tpu.memory_space<vmem>>
    %dma_start3A_450 = arith.constant 0 : i32
    %dma_start3A_451 = arith.constant 0 : i32
    %dma_start3A_452 = tpu.memref_slice %arg2[%dma_start3A_450, %dma_start3A_451] : memref<200512x16xf32, #tpu.memory_space<hbm>> -> memref<200512x16xf32, #tpu.memory_space<hbm>>
    tpu.enqueue_indirect_dma source(%dma_start3A_452 : memref<200512x16xf32, #tpu.memory_space<hbm>>) target(%dma_start3A_447 : memref<128x16xf32, #tpu.memory_space<vmem>>) offsets(%dma_start3A_449 : memref<128xi32, #tpu.memory_space<vmem>>) semaphore(%arg13 : memref<!tpu.dma_semaphore, #tpu.memory_space<semaphore_mem>>)
    %dma_start3A_453 = arith.constant 384 : i32
    %dma_start3A_454 = arith.constant 0 : i32
    %dma_start3A_455 = tpu.memref_slice %arg10[%dma_start3A_453, %dma_start3A_454] : memref<768x16xf32, #tpu.memory_space<vmem>> -> memref<128x16xf32, #tpu.memory_space<vmem>>
    %dma_start3A_456 = arith.constant 384 : i32
    %dma_start3A_457 = tpu.memref_slice %arg6[%dma_start3A_456] : memref<768xi32, #tpu.memory_space<vmem>> -> memref<128xi32, #tpu.memory_space<vmem>>
    %dma_start3A_458 = arith.constant 0 : i32
    %dma_start3A_459 = arith.constant 0 : i32
    %dma_start3A_460 = tpu.memref_slice %arg2[%dma_start3A_458, %dma_start3A_459] : memref<200512x16xf32, #tpu.memory_space<hbm>> -> memref<200512x16xf32, #tpu.memory_space<hbm>>
    tpu.enqueue_indirect_dma source(%dma_start3A_460 : memref<200512x16xf32, #tpu.memory_space<hbm>>) target(%dma_start3A_455 : memref<128x16xf32, #tpu.memory_space<vmem>>) offsets(%dma_start3A_457 : memref<128xi32, #tpu.memory_space<vmem>>) semaphore(%arg13 : memref<!tpu.dma_semaphore, #tpu.memory_space<semaphore_mem>>)
    %dma_start3A_461 = arith.constant 512 : i32
    %dma_start3A_462 = arith.constant 0 : i32
    %dma_start3A_463 = tpu.memref_slice %arg10[%dma_start3A_461, %dma_start3A_462] : memref<768x16xf32, #tpu.memory_space<vmem>> -> memref<128x16xf32, #tpu.memory_space<vmem>>
    %dma_start3A_464 = arith.constant 512 : i32
    %dma_start3A_465 = tpu.memref_slice %arg6[%dma_start3A_464] : memref<768xi32, #tpu.memory_space<vmem>> -> memref<128xi32, #tpu.memory_space<vmem>>
    %dma_start3A_466 = arith.constant 0 : i32
    %dma_start3A_467 = arith.constant 0 : i32
    %dma_start3A_468 = tpu.memref_slice %arg2[%dma_start3A_466, %dma_start3A_467] : memref<200512x16xf32, #tpu.memory_space<hbm>> -> memref<200512x16xf32, #tpu.memory_space<hbm>>
    tpu.enqueue_indirect_dma source(%dma_start3A_468 : memref<200512x16xf32, #tpu.memory_space<hbm>>) target(%dma_start3A_463 : memref<128x16xf32, #tpu.memory_space<vmem>>) offsets(%dma_start3A_465 : memref<128xi32, #tpu.memory_space<vmem>>) semaphore(%arg13 : memref<!tpu.dma_semaphore, #tpu.memory_space<semaphore_mem>>)
    %dma_start3A_469 = arith.constant 640 : i32
    %dma_start3A_470 = arith.constant 0 : i32
    %dma_start3A_471 = tpu.memref_slice %arg10[%dma_start3A_469, %dma_start3A_470] : memref<768x16xf32, #tpu.memory_space<vmem>> -> memref<128x16xf32, #tpu.memory_space<vmem>>
    %dma_start3A_472 = arith.constant 640 : i32
    %dma_start3A_473 = tpu.memref_slice %arg6[%dma_start3A_472] : memref<768xi32, #tpu.memory_space<vmem>> -> memref<128xi32, #tpu.memory_space<vmem>>
    %dma_start3A_474 = arith.constant 0 : i32
    %dma_start3A_475 = arith.constant 0 : i32
    %dma_start3A_476 = tpu.memref_slice %arg2[%dma_start3A_474, %dma_start3A_475] : memref<200512x16xf32, #tpu.memory_space<hbm>> -> memref<200512x16xf32, #tpu.memory_space<hbm>>
    tpu.enqueue_indirect_dma source(%dma_start3A_476 : memref<200512x16xf32, #tpu.memory_space<hbm>>) target(%dma_start3A_471 : memref<128x16xf32, #tpu.memory_space<vmem>>) offsets(%dma_start3A_473 : memref<128xi32, #tpu.memory_space<vmem>>) semaphore(%arg13 : memref<!tpu.dma_semaphore, #tpu.memory_space<semaphore_mem>>)
    %scan3A_477 = arith.constant 0 : i32
    %scan3A_478 = arith.constant 0 : i32
    %scan3A_479 = arith.constant 66 : i32
    %scan3A_480 = arith.addi %scan3A_478, %scan3A_479 : i32
    %scan3A_481 = arith.constant 1 : i32
    scf.for %scan3A_488 = %scan3A_478 to %scan3A_480 step %scan3A_481  : i32 {
      %mul3A_489 = arith.constant 2 : i32
      %mul3A_490 = arith.muli %mul3A_489, %scan3A_488 : i32
      %add3A_491 = arith.constant 1 : i32
      %add3A_492 = arith.addi %mul3A_490, %add3A_491 : i32
      %mul3A_493 = arith.constant 768 : i32
      %mul3A_494 = arith.muli %add3A_492, %mul3A_493 : i32
      %add3A_495 = arith.addi %mul3A_0, %mul3A_494 : i32
      "tpu.region"() ({
        %run_scoped3A = tpu.sem_alloc : memref<!tpu.dma_semaphore, #tpu.memory_space<semaphore_mem>>
        %dma_start3A_944 = tpu.memref_slice %arg3[%add3A_495] : memref<1622016xi32, #tpu.memory_space<hbm>> -> memref<768xi32, #tpu.memory_space<hbm>>
        %dma_start3A_945 = tpu.memref_slice %arg3[%add3A_495] : memref<1622016xi32, #tpu.memory_space<hbm>> -> memref<768xi32, #tpu.memory_space<hbm>>
        tpu.enqueue_dma source(%dma_start3A_945 : memref<768xi32, #tpu.memory_space<hbm>>) target(%arg7 : memref<768xi32, #tpu.memory_space<vmem>>) target_semaphore(%run_scoped3A : memref<!tpu.dma_semaphore, #tpu.memory_space<semaphore_mem>>)
        %dma_wait3A_946 = tpu.memref_slice %arg3[%add3A_495] : memref<1622016xi32, #tpu.memory_space<hbm>> -> memref<768xi32, #tpu.memory_space<hbm>>
        %dma_wait3A_947 = tpu.memref_slice %arg3[%add3A_495] : memref<1622016xi32, #tpu.memory_space<hbm>> -> memref<768xi32, #tpu.memory_space<hbm>>
        tpu.wait_dma2 semaphore(%run_scoped3A : memref<!tpu.dma_semaphore, #tpu.memory_space<semaphore_mem>>) src(%dma_wait3A_947 : memref<768xi32, #tpu.memory_space<hbm>>) dst(%arg7 : memref<768xi32, #tpu.memory_space<vmem>>)
        tpu.yield
      }) : () -> ()
      %mul3A_496 = arith.constant 768 : i32
      %mul3A_497 = arith.muli %add3A_492, %mul3A_496 : i32
      %add3A_498 = arith.addi %mul3A_0, %mul3A_497 : i32
      "tpu.region"() ({
        %run_scoped3A = tpu.sem_alloc : memref<!tpu.dma_semaphore, #tpu.memory_space<semaphore_mem>>
        %dma_start3A_944 = tpu.memref_slice %arg4[%add3A_498] : memref<1622016xi32, #tpu.memory_space<hbm>> -> memref<768xi32, #tpu.memory_space<hbm>>
        %dma_start3A_945 = tpu.memref_slice %arg4[%add3A_498] : memref<1622016xi32, #tpu.memory_space<hbm>> -> memref<768xi32, #tpu.memory_space<hbm>>
        tpu.enqueue_dma source(%dma_start3A_945 : memref<768xi32, #tpu.memory_space<hbm>>) target(%arg9 : memref<768xi32, #tpu.memory_space<vmem>>) target_semaphore(%run_scoped3A : memref<!tpu.dma_semaphore, #tpu.memory_space<semaphore_mem>>)
        %dma_wait3A_946 = tpu.memref_slice %arg4[%add3A_498] : memref<1622016xi32, #tpu.memory_space<hbm>> -> memref<768xi32, #tpu.memory_space<hbm>>
        %dma_wait3A_947 = tpu.memref_slice %arg4[%add3A_498] : memref<1622016xi32, #tpu.memory_space<hbm>> -> memref<768xi32, #tpu.memory_space<hbm>>
        tpu.wait_dma2 semaphore(%run_scoped3A : memref<!tpu.dma_semaphore, #tpu.memory_space<semaphore_mem>>) src(%dma_wait3A_947 : memref<768xi32, #tpu.memory_space<hbm>>) dst(%arg9 : memref<768xi32, #tpu.memory_space<vmem>>)
        tpu.yield
      }) : () -> ()
      %get3A_499 = arith.constant 0 : index
      %get3A_500 = tpu.vector_load %arg7[%get3A_499] {strides = array<i32>} : memref<768xi32, #tpu.memory_space<vmem>>, vector<16xi32>,
      %get3A_501 = vector.shape_cast %get3A_500 : vector<16xi32> to vector<16xi32>
      %add3A_502 = arith.addi %get3A_501, %broadcast_in_dim3A : vector<16xi32>
      %swap3A_503 = arith.constant 0 : index
      %swap3A_504 = tpu.vector_load %arg7[%swap3A_503] {strides = array<i32>} : memref<768xi32, #tpu.memory_space<vmem>>, vector<16xi32>,
      %swap3A_505 = vector.shape_cast %swap3A_504 : vector<16xi32> to vector<16xi32>
      %swap3A_506 = vector.shape_cast %add3A_502 : vector<16xi32> to vector<16xi32>
      tpu.vector_store %arg7[%swap3A_503], %swap3A_506 {strides = array<i32>} : memref<768xi32, #tpu.memory_space<vmem>>, vector<16xi32>,
      %get3A_507 = arith.constant 16 : index
      %get3A_508 = tpu.vector_load %arg7[%get3A_507] {strides = array<i32>} : memref<768xi32, #tpu.memory_space<vmem>>, vector<16xi32>,
      %get3A_509 = vector.shape_cast %get3A_508 : vector<16xi32> to vector<16xi32>
      %add3A_510 = arith.addi %get3A_509, %broadcast_in_dim3A : vector<16xi32>
      %swap3A_511 = arith.constant 16 : index
      %swap3A_512 = tpu.vector_load %arg7[%swap3A_511] {strides = array<i32>} : memref<768xi32, #tpu.memory_space<vmem>>, vector<16xi32>,
      %swap3A_513 = vector.shape_cast %swap3A_512 : vector<16xi32> to vector<16xi32>
      %swap3A_514 = vector.shape_cast %add3A_510 : vector<16xi32> to vector<16xi32>
      tpu.vector_store %arg7[%swap3A_511], %swap3A_514 {strides = array<i32>} : memref<768xi32, #tpu.memory_space<vmem>>, vector<16xi32>,
      %get3A_515 = arith.constant 32 : index
      %get3A_516 = tpu.vector_load %arg7[%get3A_515] {strides = array<i32>} : memref<768xi32, #tpu.memory_space<vmem>>, vector<16xi32>,
      %get3A_517 = vector.shape_cast %get3A_516 : vector<16xi32> to vector<16xi32>
      %add3A_518 = arith.addi %get3A_517, %broadcast_in_dim3A : vector<16xi32>
      %swap3A_519 = arith.constant 32 : index
      %swap3A_520 = tpu.vector_load %arg7[%swap3A_519] {strides = array<i32>} : memref<768xi32, #tpu.memory_space<vmem>>, vector<16xi32>,
      %swap3A_521 = vector.shape_cast %swap3A_520 : vector<16xi32> to vector<16xi32>
      %swap3A_522 = vector.shape_cast %add3A_518 : vector<16xi32> to vector<16xi32>
      tpu.vector_store %arg7[%swap3A_519], %swap3A_522 {strides = array<i32>} : memref<768xi32, #tpu.memory_space<vmem>>, vector<16xi32>,
      %get3A_523 = arith.constant 48 : index
      %get3A_524 = tpu.vector_load %arg7[%get3A_523] {strides = array<i32>} : memref<768xi32, #tpu.memory_space<vmem>>, vector<16xi32>,
      %get3A_525 = vector.shape_cast %get3A_524 : vector<16xi32> to vector<16xi32>
      %add3A_526 = arith.addi %get3A_525, %broadcast_in_dim3A : vector<16xi32>
      %swap3A_527 = arith.constant 48 : index
      %swap3A_528 = tpu.vector_load %arg7[%swap3A_527] {strides = array<i32>} : memref<768xi32, #tpu.memory_space<vmem>>, vector<16xi32>,
      %swap3A_529 = vector.shape_cast %swap3A_528 : vector<16xi32> to vector<16xi32>
      %swap3A_530 = vector.shape_cast %add3A_526 : vector<16xi32> to vector<16xi32>
      tpu.vector_store %arg7[%swap3A_527], %swap3A_530 {strides = array<i32>} : memref<768xi32, #tpu.memory_space<vmem>>, vector<16xi32>,
      %get3A_531 = arith.constant 64 : index
      %get3A_532 = tpu.vector_load %arg7[%get3A_531] {strides = array<i32>} : memref<768xi32, #tpu.memory_space<vmem>>, vector<16xi32>,
      %get3A_533 = vector.shape_cast %get3A_532 : vector<16xi32> to vector<16xi32>
      %add3A_534 = arith.addi %get3A_533, %broadcast_in_dim3A : vector<16xi32>
      %swap3A_535 = arith.constant 64 : index
      %swap3A_536 = tpu.vector_load %arg7[%swap3A_535] {strides = array<i32>} : memref<768xi32, #tpu.memory_space<vmem>>, vector<16xi32>,
      %swap3A_537 = vector.shape_cast %swap3A_536 : vector<16xi32> to vector<16xi32>
      %swap3A_538 = vector.shape_cast %add3A_534 : vector<16xi32> to vector<16xi32>
      tpu.vector_store %arg7[%swap3A_535], %swap3A_538 {strides = array<i32>} : memref<768xi32, #tpu.memory_space<vmem>>, vector<16xi32>,
      %get3A_539 = arith.constant 80 : index
      %get3A_540 = tpu.vector_load %arg7[%get3A_539] {strides = array<i32>} : memref<768xi32, #tpu.memory_space<vmem>>, vector<16xi32>,
      %get3A_541 = vector.shape_cast %get3A_540 : vector<16xi32> to vector<16xi32>
      %add3A_542 = arith.addi %get3A_541, %broadcast_in_dim3A : vector<16xi32>
      %swap3A_543 = arith.constant 80 : index
      %swap3A_544 = tpu.vector_load %arg7[%swap3A_543] {strides = array<i32>} : memref<768xi32, #tpu.memory_space<vmem>>, vector<16xi32>,
      %swap3A_545 = vector.shape_cast %swap3A_544 : vector<16xi32> to vector<16xi32>
      %swap3A_546 = vector.shape_cast %add3A_542 : vector<16xi32> to vector<16xi32>
      tpu.vector_store %arg7[%swap3A_543], %swap3A_546 {strides = array<i32>} : memref<768xi32, #tpu.memory_space<vmem>>, vector<16xi32>,
      %get3A_547 = arith.constant 96 : index
      %get3A_548 = tpu.vector_load %arg7[%get3A_547] {strides = array<i32>} : memref<768xi32, #tpu.memory_space<vmem>>, vector<16xi32>,
      %get3A_549 = vector.shape_cast %get3A_548 : vector<16xi32> to vector<16xi32>
      %add3A_550 = arith.addi %get3A_549, %broadcast_in_dim3A : vector<16xi32>
      %swap3A_551 = arith.constant 96 : index
      %swap3A_552 = tpu.vector_load %arg7[%swap3A_551] {strides = array<i32>} : memref<768xi32, #tpu.memory_space<vmem>>, vector<16xi32>,
      %swap3A_553 = vector.shape_cast %swap3A_552 : vector<16xi32> to vector<16xi32>
      %swap3A_554 = vector.shape_cast %add3A_550 : vector<16xi32> to vector<16xi32>
      tpu.vector_store %arg7[%swap3A_551], %swap3A_554 {strides = array<i32>} : memref<768xi32, #tpu.memory_space<vmem>>, vector<16xi32>,
      %get3A_555 = arith.constant 112 : index
      %get3A_556 = tpu.vector_load %arg7[%get3A_555] {strides = array<i32>} : memref<768xi32, #tpu.memory_space<vmem>>, vector<16xi32>,
      %get3A_557 = vector.shape_cast %get3A_556 : vector<16xi32> to vector<16xi32>
      %add3A_558 = arith.addi %get3A_557, %broadcast_in_dim3A : vector<16xi32>
      %swap3A_559 = arith.constant 112 : index
      %swap3A_560 = tpu.vector_load %arg7[%swap3A_559] {strides = array<i32>} : memref<768xi32, #tpu.memory_space<vmem>>, vector<16xi32>,
      %swap3A_561 = vector.shape_cast %swap3A_560 : vector<16xi32> to vector<16xi32>
      %swap3A_562 = vector.shape_cast %add3A_558 : vector<16xi32> to vector<16xi32>
      tpu.vector_store %arg7[%swap3A_559], %swap3A_562 {strides = array<i32>} : memref<768xi32, #tpu.memory_space<vmem>>, vector<16xi32>,
      %get3A_563 = arith.constant 128 : index
      %get3A_564 = tpu.vector_load %arg7[%get3A_563] {strides = array<i32>} : memref<768xi32, #tpu.memory_space<vmem>>, vector<16xi32>,
      %get3A_565 = vector.shape_cast %get3A_564 : vector<16xi32> to vector<16xi32>
      %add3A_566 = arith.addi %get3A_565, %broadcast_in_dim3A : vector<16xi32>
      %swap3A_567 = arith.constant 128 : index
      %swap3A_568 = tpu.vector_load %arg7[%swap3A_567] {strides = array<i32>} : memref<768xi32, #tpu.memory_space<vmem>>, vector<16xi32>,
      %swap3A_569 = vector.shape_cast %swap3A_568 : vector<16xi32> to vector<16xi32>
      %swap3A_570 = vector.shape_cast %add3A_566 : vector<16xi32> to vector<16xi32>
      tpu.vector_store %arg7[%swap3A_567], %swap3A_570 {strides = array<i32>} : memref<768xi32, #tpu.memory_space<vmem>>, vector<16xi32>,
      %get3A_571 = arith.constant 144 : index
      %get3A_572 = tpu.vector_load %arg7[%get3A_571] {strides = array<i32>} : memref<768xi32, #tpu.memory_space<vmem>>, vector<16xi32>,
      %get3A_573 = vector.shape_cast %get3A_572 : vector<16xi32> to vector<16xi32>
      %add3A_574 = arith.addi %get3A_573, %broadcast_in_dim3A : vector<16xi32>
      %swap3A_575 = arith.constant 144 : index
      %swap3A_576 = tpu.vector_load %arg7[%swap3A_575] {strides = array<i32>} : memref<768xi32, #tpu.memory_space<vmem>>, vector<16xi32>,
      %swap3A_577 = vector.shape_cast %swap3A_576 : vector<16xi32> to vector<16xi32>
      %swap3A_578 = vector.shape_cast %add3A_574 : vector<16xi32> to vector<16xi32>
      tpu.vector_store %arg7[%swap3A_575], %swap3A_578 {strides = array<i32>} : memref<768xi32, #tpu.memory_space<vmem>>, vector<16xi32>,
      %get3A_579 = arith.constant 160 : index
      %get3A_580 = tpu.vector_load %arg7[%get3A_579] {strides = array<i32>} : memref<768xi32, #tpu.memory_space<vmem>>, vector<16xi32>,
      %get3A_581 = vector.shape_cast %get3A_580 : vector<16xi32> to vector<16xi32>
      %add3A_582 = arith.addi %get3A_581, %broadcast_in_dim3A : vector<16xi32>
      %swap3A_583 = arith.constant 160 : index
      %swap3A_584 = tpu.vector_load %arg7[%swap3A_583] {strides = array<i32>} : memref<768xi32, #tpu.memory_space<vmem>>, vector<16xi32>,
      %swap3A_585 = vector.shape_cast %swap3A_584 : vector<16xi32> to vector<16xi32>
      %swap3A_586 = vector.shape_cast %add3A_582 : vector<16xi32> to vector<16xi32>
      tpu.vector_store %arg7[%swap3A_583], %swap3A_586 {strides = array<i32>} : memref<768xi32, #tpu.memory_space<vmem>>, vector<16xi32>,
      %get3A_587 = arith.constant 176 : index
      %get3A_588 = tpu.vector_load %arg7[%get3A_587] {strides = array<i32>} : memref<768xi32, #tpu.memory_space<vmem>>, vector<16xi32>,
      %get3A_589 = vector.shape_cast %get3A_588 : vector<16xi32> to vector<16xi32>
      %add3A_590 = arith.addi %get3A_589, %broadcast_in_dim3A : vector<16xi32>
      %swap3A_591 = arith.constant 176 : index
      %swap3A_592 = tpu.vector_load %arg7[%swap3A_591] {strides = array<i32>} : memref<768xi32, #tpu.memory_space<vmem>>, vector<16xi32>,
      %swap3A_593 = vector.shape_cast %swap3A_592 : vector<16xi32> to vector<16xi32>
      %swap3A_594 = vector.shape_cast %add3A_590 : vector<16xi32> to vector<16xi32>
      tpu.vector_store %arg7[%swap3A_591], %swap3A_594 {strides = array<i32>} : memref<768xi32, #tpu.memory_space<vmem>>, vector<16xi32>,
      %get3A_595 = arith.constant 192 : index
      %get3A_596 = tpu.vector_load %arg7[%get3A_595] {strides = array<i32>} : memref<768xi32, #tpu.memory_space<vmem>>, vector<16xi32>,
      %get3A_597 = vector.shape_cast %get3A_596 : vector<16xi32> to vector<16xi32>
      %add3A_598 = arith.addi %get3A_597, %broadcast_in_dim3A : vector<16xi32>
      %swap3A_599 = arith.constant 192 : index
      %swap3A_600 = tpu.vector_load %arg7[%swap3A_599] {strides = array<i32>} : memref<768xi32, #tpu.memory_space<vmem>>, vector<16xi32>,
      %swap3A_601 = vector.shape_cast %swap3A_600 : vector<16xi32> to vector<16xi32>
      %swap3A_602 = vector.shape_cast %add3A_598 : vector<16xi32> to vector<16xi32>
      tpu.vector_store %arg7[%swap3A_599], %swap3A_602 {strides = array<i32>} : memref<768xi32, #tpu.memory_space<vmem>>, vector<16xi32>,
      %get3A_603 = arith.constant 208 : index
      %get3A_604 = tpu.vector_load %arg7[%get3A_603] {strides = array<i32>} : memref<768xi32, #tpu.memory_space<vmem>>, vector<16xi32>,
      %get3A_605 = vector.shape_cast %get3A_604 : vector<16xi32> to vector<16xi32>
      %add3A_606 = arith.addi %get3A_605, %broadcast_in_dim3A : vector<16xi32>
      %swap3A_607 = arith.constant 208 : index
      %swap3A_608 = tpu.vector_load %arg7[%swap3A_607] {strides = array<i32>} : memref<768xi32, #tpu.memory_space<vmem>>, vector<16xi32>,
      %swap3A_609 = vector.shape_cast %swap3A_608 : vector<16xi32> to vector<16xi32>
      %swap3A_610 = vector.shape_cast %add3A_606 : vector<16xi32> to vector<16xi32>
      tpu.vector_store %arg7[%swap3A_607], %swap3A_610 {strides = array<i32>} : memref<768xi32, #tpu.memory_space<vmem>>, vector<16xi32>,
      %get3A_611 = arith.constant 224 : index
      %get3A_612 = tpu.vector_load %arg7[%get3A_611] {strides = array<i32>} : memref<768xi32, #tpu.memory_space<vmem>>, vector<16xi32>,
      %get3A_613 = vector.shape_cast %get3A_612 : vector<16xi32> to vector<16xi32>
      %add3A_614 = arith.addi %get3A_613, %broadcast_in_dim3A : vector<16xi32>
      %swap3A_615 = arith.constant 224 : index
      %swap3A_616 = tpu.vector_load %arg7[%swap3A_615] {strides = array<i32>} : memref<768xi32, #tpu.memory_space<vmem>>, vector<16xi32>,
      %swap3A_617 = vector.shape_cast %swap3A_616 : vector<16xi32> to vector<16xi32>
      %swap3A_618 = vector.shape_cast %add3A_614 : vector<16xi32> to vector<16xi32>
      tpu.vector_store %arg7[%swap3A_615], %swap3A_618 {strides = array<i32>} : memref<768xi32, #tpu.memory_space<vmem>>, vector<16xi32>,
      %get3A_619 = arith.constant 240 : index
      %get3A_620 = tpu.vector_load %arg7[%get3A_619] {strides = array<i32>} : memref<768xi32, #tpu.memory_space<vmem>>, vector<16xi32>,
      %get3A_621 = vector.shape_cast %get3A_620 : vector<16xi32> to vector<16xi32>
      %add3A_622 = arith.addi %get3A_621, %broadcast_in_dim3A : vector<16xi32>
      %swap3A_623 = arith.constant 240 : index
      %swap3A_624 = tpu.vector_load %arg7[%swap3A_623] {strides = array<i32>} : memref<768xi32, #tpu.memory_space<vmem>>, vector<16xi32>,
      %swap3A_625 = vector.shape_cast %swap3A_624 : vector<16xi32> to vector<16xi32>
      %swap3A_626 = vector.shape_cast %add3A_622 : vector<16xi32> to vector<16xi32>
      tpu.vector_store %arg7[%swap3A_623], %swap3A_626 {strides = array<i32>} : memref<768xi32, #tpu.memory_space<vmem>>, vector<16xi32>,
      %get3A_627 = arith.constant 256 : index
      %get3A_628 = tpu.vector_load %arg7[%get3A_627] {strides = array<i32>} : memref<768xi32, #tpu.memory_space<vmem>>, vector<16xi32>,
      %get3A_629 = vector.shape_cast %get3A_628 : vector<16xi32> to vector<16xi32>
      %add3A_630 = arith.addi %get3A_629, %broadcast_in_dim3A : vector<16xi32>
      %swap3A_631 = arith.constant 256 : index
      %swap3A_632 = tpu.vector_load %arg7[%swap3A_631] {strides = array<i32>} : memref<768xi32, #tpu.memory_space<vmem>>, vector<16xi32>,
      %swap3A_633 = vector.shape_cast %swap3A_632 : vector<16xi32> to vector<16xi32>
      %swap3A_634 = vector.shape_cast %add3A_630 : vector<16xi32> to vector<16xi32>
      tpu.vector_store %arg7[%swap3A_631], %swap3A_634 {strides = array<i32>} : memref<768xi32, #tpu.memory_space<vmem>>, vector<16xi32>,
      %get3A_635 = arith.constant 272 : index
      %get3A_636 = tpu.vector_load %arg7[%get3A_635] {strides = array<i32>} : memref<768xi32, #tpu.memory_space<vmem>>, vector<16xi32>,
      %get3A_637 = vector.shape_cast %get3A_636 : vector<16xi32> to vector<16xi32>
      %add3A_638 = arith.addi %get3A_637, %broadcast_in_dim3A : vector<16xi32>
      %swap3A_639 = arith.constant 272 : index
      %swap3A_640 = tpu.vector_load %arg7[%swap3A_639] {strides = array<i32>} : memref<768xi32, #tpu.memory_space<vmem>>, vector<16xi32>,
      %swap3A_641 = vector.shape_cast %swap3A_640 : vector<16xi32> to vector<16xi32>
      %swap3A_642 = vector.shape_cast %add3A_638 : vector<16xi32> to vector<16xi32>
      tpu.vector_store %arg7[%swap3A_639], %swap3A_642 {strides = array<i32>} : memref<768xi32, #tpu.memory_space<vmem>>, vector<16xi32>,
      %get3A_643 = arith.constant 288 : index
      %get3A_644 = tpu.vector_load %arg7[%get3A_643] {strides = array<i32>} : memref<768xi32, #tpu.memory_space<vmem>>, vector<16xi32>,
      %get3A_645 = vector.shape_cast %get3A_644 : vector<16xi32> to vector<16xi32>
      %add3A_646 = arith.addi %get3A_645, %broadcast_in_dim3A : vector<16xi32>
      %swap3A_647 = arith.constant 288 : index
      %swap3A_648 = tpu.vector_load %arg7[%swap3A_647] {strides = array<i32>} : memref<768xi32, #tpu.memory_space<vmem>>, vector<16xi32>,
      %swap3A_649 = vector.shape_cast %swap3A_648 : vector<16xi32> to vector<16xi32>
      %swap3A_650 = vector.shape_cast %add3A_646 : vector<16xi32> to vector<16xi32>
      tpu.vector_store %arg7[%swap3A_647], %swap3A_650 {strides = array<i32>} : memref<768xi32, #tpu.memory_space<vmem>>, vector<16xi32>,
      %get3A_651 = arith.constant 304 : index
      %get3A_652 = tpu.vector_load %arg7[%get3A_651] {strides = array<i32>} : memref<768xi32, #tpu.memory_space<vmem>>, vector<16xi32>,
      %get3A_653 = vector.shape_cast %get3A_652 : vector<16xi32> to vector<16xi32>
      %add3A_654 = arith.addi %get3A_653, %broadcast_in_dim3A : vector<16xi32>
      %swap3A_655 = arith.constant 304 : index
      %swap3A_656 = tpu.vector_load %arg7[%swap3A_655] {strides = array<i32>} : memref<768xi32, #tpu.memory_space<vmem>>, vector<16xi32>,
      %swap3A_657 = vector.shape_cast %swap3A_656 : vector<16xi32> to vector<16xi32>
      %swap3A_658 = vector.shape_cast %add3A_654 : vector<16xi32> to vector<16xi32>
      tpu.vector_store %arg7[%swap3A_655], %swap3A_658 {strides = array<i32>} : memref<768xi32, #tpu.memory_space<vmem>>, vector<16xi32>,
      %get3A_659 = arith.constant 320 : index
      %get3A_660 = tpu.vector_load %arg7[%get3A_659] {strides = array<i32>} : memref<768xi32, #tpu.memory_space<vmem>>, vector<16xi32>,
      %get3A_661 = vector.shape_cast %get3A_660 : vector<16xi32> to vector<16xi32>
      %add3A_662 = arith.addi %get3A_661, %broadcast_in_dim3A : vector<16xi32>
      %swap3A_663 = arith.constant 320 : index
      %swap3A_664 = tpu.vector_load %arg7[%swap3A_663] {strides = array<i32>} : memref<768xi32, #tpu.memory_space<vmem>>, vector<16xi32>,
      %swap3A_665 = vector.shape_cast %swap3A_664 : vector<16xi32> to vector<16xi32>
      %swap3A_666 = vector.shape_cast %add3A_662 : vector<16xi32> to vector<16xi32>
      tpu.vector_store %arg7[%swap3A_663], %swap3A_666 {strides = array<i32>} : memref<768xi32, #tpu.memory_space<vmem>>, vector<16xi32>,
      %get3A_667 = arith.constant 336 : index
      %get3A_668 = tpu.vector_load %arg7[%get3A_667] {strides = array<i32>} : memref<768xi32, #tpu.memory_space<vmem>>, vector<16xi32>,
      %get3A_669 = vector.shape_cast %get3A_668 : vector<16xi32> to vector<16xi32>
      %add3A_670 = arith.addi %get3A_669, %broadcast_in_dim3A : vector<16xi32>
      %swap3A_671 = arith.constant 336 : index
      %swap3A_672 = tpu.vector_load %arg7[%swap3A_671] {strides = array<i32>} : memref<768xi32, #tpu.memory_space<vmem>>, vector<16xi32>,
      %swap3A_673 = vector.shape_cast %swap3A_672 : vector<16xi32> to vector<16xi32>
      %swap3A_674 = vector.shape_cast %add3A_670 : vector<16xi32> to vector<16xi32>
      tpu.vector_store %arg7[%swap3A_671], %swap3A_674 {strides = array<i32>} : memref<768xi32, #tpu.memory_space<vmem>>, vector<16xi32>,
      %get3A_675 = arith.constant 352 : index
      %get3A_676 = tpu.vector_load %arg7[%get3A_675] {strides = array<i32>} : memref<768xi32, #tpu.memory_space<vmem>>, vector<16xi32>,
      %get3A_677 = vector.shape_cast %get3A_676 : vector<16xi32> to vector<16xi32>
      %add3A_678 = arith.addi %get3A_677, %broadcast_in_dim3A : vector<16xi32>
      %swap3A_679 = arith.constant 352 : index
      %swap3A_680 = tpu.vector_load %arg7[%swap3A_679] {strides = array<i32>} : memref<768xi32, #tpu.memory_space<vmem>>, vector<16xi32>,
      %swap3A_681 = vector.shape_cast %swap3A_680 : vector<16xi32> to vector<16xi32>
      %swap3A_682 = vector.shape_cast %add3A_678 : vector<16xi32> to vector<16xi32>
      tpu.vector_store %arg7[%swap3A_679], %swap3A_682 {strides = array<i32>} : memref<768xi32, #tpu.memory_space<vmem>>, vector<16xi32>,
      %get3A_683 = arith.constant 368 : index
      %get3A_684 = tpu.vector_load %arg7[%get3A_683] {strides = array<i32>} : memref<768xi32, #tpu.memory_space<vmem>>, vector<16xi32>,
      %get3A_685 = vector.shape_cast %get3A_684 : vector<16xi32> to vector<16xi32>
      %add3A_686 = arith.addi %get3A_685, %broadcast_in_dim3A : vector<16xi32>
      %swap3A_687 = arith.constant 368 : index
      %swap3A_688 = tpu.vector_load %arg7[%swap3A_687] {strides = array<i32>} : memref<768xi32, #tpu.memory_space<vmem>>, vector<16xi32>,
      %swap3A_689 = vector.shape_cast %swap3A_688 : vector<16xi32> to vector<16xi32>
      %swap3A_690 = vector.shape_cast %add3A_686 : vector<16xi32> to vector<16xi32>
      tpu.vector_store %arg7[%swap3A_687], %swap3A_690 {strides = array<i32>} : memref<768xi32, #tpu.memory_space<vmem>>, vector<16xi32>,
      %get3A_691 = arith.constant 384 : index
      %get3A_692 = tpu.vector_load %arg7[%get3A_691] {strides = array<i32>} : memref<768xi32, #tpu.memory_space<vmem>>, vector<16xi32>,
      %get3A_693 = vector.shape_cast %get3A_692 : vector<16xi32> to vector<16xi32>
      %add3A_694 = arith.addi %get3A_693, %broadcast_in_dim3A : vector<16xi32>
      %swap3A_695 = arith.constant 384 : index
      %swap3A_696 = tpu.vector_load %arg7[%swap3A_695] {strides = array<i32>} : memref<768xi32, #tpu.memory_space<vmem>>, vector<16xi32>,
      %swap3A_697 = vector.shape_cast %swap3A_696 : vector<16xi32> to vector<16xi32>
      %swap3A_698 = vector.shape_cast %add3A_694 : vector<16xi32> to vector<16xi32>
      tpu.vector_store %arg7[%swap3A_695], %swap3A_698 {strides = array<i32>} : memref<768xi32, #tpu.memory_space<vmem>>, vector<16xi32>,
      %get3A_699 = arith.constant 400 : index
      %get3A_700 = tpu.vector_load %arg7[%get3A_699] {strides = array<i32>} : memref<768xi32, #tpu.memory_space<vmem>>, vector<16xi32>,
      %get3A_701 = vector.shape_cast %get3A_700 : vector<16xi32> to vector<16xi32>
      %add3A_702 = arith.addi %get3A_701, %broadcast_in_dim3A : vector<16xi32>
      %swap3A_703 = arith.constant 400 : index
      %swap3A_704 = tpu.vector_load %arg7[%swap3A_703] {strides = array<i32>} : memref<768xi32, #tpu.memory_space<vmem>>, vector<16xi32>,
      %swap3A_705 = vector.shape_cast %swap3A_704 : vector<16xi32> to vector<16xi32>
      %swap3A_706 = vector.shape_cast %add3A_702 : vector<16xi32> to vector<16xi32>
      tpu.vector_store %arg7[%swap3A_703], %swap3A_706 {strides = array<i32>} : memref<768xi32, #tpu.memory_space<vmem>>, vector<16xi32>,
      %get3A_707 = arith.constant 416 : index
      %get3A_708 = tpu.vector_load %arg7[%get3A_707] {strides = array<i32>} : memref<768xi32, #tpu.memory_space<vmem>>, vector<16xi32>,
      %get3A_709 = vector.shape_cast %get3A_708 : vector<16xi32> to vector<16xi32>
      %add3A_710 = arith.addi %get3A_709, %broadcast_in_dim3A : vector<16xi32>
      %swap3A_711 = arith.constant 416 : index
      %swap3A_712 = tpu.vector_load %arg7[%swap3A_711] {strides = array<i32>} : memref<768xi32, #tpu.memory_space<vmem>>, vector<16xi32>,
      %swap3A_713 = vector.shape_cast %swap3A_712 : vector<16xi32> to vector<16xi32>
      %swap3A_714 = vector.shape_cast %add3A_710 : vector<16xi32> to vector<16xi32>
      tpu.vector_store %arg7[%swap3A_711], %swap3A_714 {strides = array<i32>} : memref<768xi32, #tpu.memory_space<vmem>>, vector<16xi32>,
      %get3A_715 = arith.constant 432 : index
      %get3A_716 = tpu.vector_load %arg7[%get3A_715] {strides = array<i32>} : memref<768xi32, #tpu.memory_space<vmem>>, vector<16xi32>,
      %get3A_717 = vector.shape_cast %get3A_716 : vector<16xi32> to vector<16xi32>
      %add3A_718 = arith.addi %get3A_717, %broadcast_in_dim3A : vector<16xi32>
      %swap3A_719 = arith.constant 432 : index
      %swap3A_720 = tpu.vector_load %arg7[%swap3A_719] {strides = array<i32>} : memref<768xi32, #tpu.memory_space<vmem>>, vector<16xi32>,
      %swap3A_721 = vector.shape_cast %swap3A_720 : vector<16xi32> to vector<16xi32>
      %swap3A_722 = vector.shape_cast %add3A_718 : vector<16xi32> to vector<16xi32>
      tpu.vector_store %arg7[%swap3A_719], %swap3A_722 {strides = array<i32>} : memref<768xi32, #tpu.memory_space<vmem>>, vector<16xi32>,
      %get3A_723 = arith.constant 448 : index
      %get3A_724 = tpu.vector_load %arg7[%get3A_723] {strides = array<i32>} : memref<768xi32, #tpu.memory_space<vmem>>, vector<16xi32>,
      %get3A_725 = vector.shape_cast %get3A_724 : vector<16xi32> to vector<16xi32>
      %add3A_726 = arith.addi %get3A_725, %broadcast_in_dim3A : vector<16xi32>
      %swap3A_727 = arith.constant 448 : index
      %swap3A_728 = tpu.vector_load %arg7[%swap3A_727] {strides = array<i32>} : memref<768xi32, #tpu.memory_space<vmem>>, vector<16xi32>,
      %swap3A_729 = vector.shape_cast %swap3A_728 : vector<16xi32> to vector<16xi32>
      %swap3A_730 = vector.shape_cast %add3A_726 : vector<16xi32> to vector<16xi32>
      tpu.vector_store %arg7[%swap3A_727], %swap3A_730 {strides = array<i32>} : memref<768xi32, #tpu.memory_space<vmem>>, vector<16xi32>,
      %get3A_731 = arith.constant 464 : index
      %get3A_732 = tpu.vector_load %arg7[%get3A_731] {strides = array<i32>} : memref<768xi32, #tpu.memory_space<vmem>>, vector<16xi32>,
      %get3A_733 = vector.shape_cast %get3A_732 : vector<16xi32> to vector<16xi32>
      %add3A_734 = arith.addi %get3A_733, %broadcast_in_dim3A : vector<16xi32>
      %swap3A_735 = arith.constant 464 : index
      %swap3A_736 = tpu.vector_load %arg7[%swap3A_735] {strides = array<i32>} : memref<768xi32, #tpu.memory_space<vmem>>, vector<16xi32>,
      %swap3A_737 = vector.shape_cast %swap3A_736 : vector<16xi32> to vector<16xi32>
      %swap3A_738 = vector.shape_cast %add3A_734 : vector<16xi32> to vector<16xi32>
      tpu.vector_store %arg7[%swap3A_735], %swap3A_738 {strides = array<i32>} : memref<768xi32, #tpu.memory_space<vmem>>, vector<16xi32>,
      %get3A_739 = arith.constant 480 : index
      %get3A_740 = tpu.vector_load %arg7[%get3A_739] {strides = array<i32>} : memref<768xi32, #tpu.memory_space<vmem>>, vector<16xi32>,
      %get3A_741 = vector.shape_cast %get3A_740 : vector<16xi32> to vector<16xi32>
      %add3A_742 = arith.addi %get3A_741, %broadcast_in_dim3A : vector<16xi32>
      %swap3A_743 = arith.constant 480 : index
      %swap3A_744 = tpu.vector_load %arg7[%swap3A_743] {strides = array<i32>} : memref<768xi32, #tpu.memory_space<vmem>>, vector<16xi32>,
      %swap3A_745 = vector.shape_cast %swap3A_744 : vector<16xi32> to vector<16xi32>
      %swap3A_746 = vector.shape_cast %add3A_742 : vector<16xi32> to vector<16xi32>
      tpu.vector_store %arg7[%swap3A_743], %swap3A_746 {strides = array<i32>} : memref<768xi32, #tpu.memory_space<vmem>>, vector<16xi32>,
      %get3A_747 = arith.constant 496 : index
      %get3A_748 = tpu.vector_load %arg7[%get3A_747] {strides = array<i32>} : memref<768xi32, #tpu.memory_space<vmem>>, vector<16xi32>,
      %get3A_749 = vector.shape_cast %get3A_748 : vector<16xi32> to vector<16xi32>
      %add3A_750 = arith.addi %get3A_749, %broadcast_in_dim3A : vector<16xi32>
      %swap3A_751 = arith.constant 496 : index
      %swap3A_752 = tpu.vector_load %arg7[%swap3A_751] {strides = array<i32>} : memref<768xi32, #tpu.memory_space<vmem>>, vector<16xi32>,
      %swap3A_753 = vector.shape_cast %swap3A_752 : vector<16xi32> to vector<16xi32>
      %swap3A_754 = vector.shape_cast %add3A_750 : vector<16xi32> to vector<16xi32>
      tpu.vector_store %arg7[%swap3A_751], %swap3A_754 {strides = array<i32>} : memref<768xi32, #tpu.memory_space<vmem>>, vector<16xi32>,
      %get3A_755 = arith.constant 512 : index
      %get3A_756 = tpu.vector_load %arg7[%get3A_755] {strides = array<i32>} : memref<768xi32, #tpu.memory_space<vmem>>, vector<16xi32>,
      %get3A_757 = vector.shape_cast %get3A_756 : vector<16xi32> to vector<16xi32>
      %add3A_758 = arith.addi %get3A_757, %broadcast_in_dim3A : vector<16xi32>
      %swap3A_759 = arith.constant 512 : index
      %swap3A_760 = tpu.vector_load %arg7[%swap3A_759] {strides = array<i32>} : memref<768xi32, #tpu.memory_space<vmem>>, vector<16xi32>,
      %swap3A_761 = vector.shape_cast %swap3A_760 : vector<16xi32> to vector<16xi32>
      %swap3A_762 = vector.shape_cast %add3A_758 : vector<16xi32> to vector<16xi32>
      tpu.vector_store %arg7[%swap3A_759], %swap3A_762 {strides = array<i32>} : memref<768xi32, #tpu.memory_space<vmem>>, vector<16xi32>,
      %get3A_763 = arith.constant 528 : index
      %get3A_764 = tpu.vector_load %arg7[%get3A_763] {strides = array<i32>} : memref<768xi32, #tpu.memory_space<vmem>>, vector<16xi32>,
      %get3A_765 = vector.shape_cast %get3A_764 : vector<16xi32> to vector<16xi32>
      %add3A_766 = arith.addi %get3A_765, %broadcast_in_dim3A : vector<16xi32>
      %swap3A_767 = arith.constant 528 : index
      %swap3A_768 = tpu.vector_load %arg7[%swap3A_767] {strides = array<i32>} : memref<768xi32, #tpu.memory_space<vmem>>, vector<16xi32>,
      %swap3A_769 = vector.shape_cast %swap3A_768 : vector<16xi32> to vector<16xi32>
      %swap3A_770 = vector.shape_cast %add3A_766 : vector<16xi32> to vector<16xi32>
      tpu.vector_store %arg7[%swap3A_767], %swap3A_770 {strides = array<i32>} : memref<768xi32, #tpu.memory_space<vmem>>, vector<16xi32>,
      %get3A_771 = arith.constant 544 : index
      %get3A_772 = tpu.vector_load %arg7[%get3A_771] {strides = array<i32>} : memref<768xi32, #tpu.memory_space<vmem>>, vector<16xi32>,
      %get3A_773 = vector.shape_cast %get3A_772 : vector<16xi32> to vector<16xi32>
      %add3A_774 = arith.addi %get3A_773, %broadcast_in_dim3A : vector<16xi32>
      %swap3A_775 = arith.constant 544 : index
      %swap3A_776 = tpu.vector_load %arg7[%swap3A_775] {strides = array<i32>} : memref<768xi32, #tpu.memory_space<vmem>>, vector<16xi32>,
      %swap3A_777 = vector.shape_cast %swap3A_776 : vector<16xi32> to vector<16xi32>
      %swap3A_778 = vector.shape_cast %add3A_774 : vector<16xi32> to vector<16xi32>
      tpu.vector_store %arg7[%swap3A_775], %swap3A_778 {strides = array<i32>} : memref<768xi32, #tpu.memory_space<vmem>>, vector<16xi32>,
      %get3A_779 = arith.constant 560 : index
      %get3A_780 = tpu.vector_load %arg7[%get3A_779] {strides = array<i32>} : memref<768xi32, #tpu.memory_space<vmem>>, vector<16xi32>,
      %get3A_781 = vector.shape_cast %get3A_780 : vector<16xi32> to vector<16xi32>
      %add3A_782 = arith.addi %get3A_781, %broadcast_in_dim3A : vector<16xi32>
      %swap3A_783 = arith.constant 560 : index
      %swap3A_784 = tpu.vector_load %arg7[%swap3A_783] {strides = array<i32>} : memref<768xi32, #tpu.memory_space<vmem>>, vector<16xi32>,
      %swap3A_785 = vector.shape_cast %swap3A_784 : vector<16xi32> to vector<16xi32>
      %swap3A_786 = vector.shape_cast %add3A_782 : vector<16xi32> to vector<16xi32>
      tpu.vector_store %arg7[%swap3A_783], %swap3A_786 {strides = array<i32>} : memref<768xi32, #tpu.memory_space<vmem>>, vector<16xi32>,
      %get3A_787 = arith.constant 576 : index
      %get3A_788 = tpu.vector_load %arg7[%get3A_787] {strides = array<i32>} : memref<768xi32, #tpu.memory_space<vmem>>, vector<16xi32>,
      %get3A_789 = vector.shape_cast %get3A_788 : vector<16xi32> to vector<16xi32>
      %add3A_790 = arith.addi %get3A_789, %broadcast_in_dim3A : vector<16xi32>
      %swap3A_791 = arith.constant 576 : index
      %swap3A_792 = tpu.vector_load %arg7[%swap3A_791] {strides = array<i32>} : memref<768xi32, #tpu.memory_space<vmem>>, vector<16xi32>,
      %swap3A_793 = vector.shape_cast %swap3A_792 : vector<16xi32> to vector<16xi32>
      %swap3A_794 = vector.shape_cast %add3A_790 : vector<16xi32> to vector<16xi32>
      tpu.vector_store %arg7[%swap3A_791], %swap3A_794 {strides = array<i32>} : memref<768xi32, #tpu.memory_space<vmem>>, vector<16xi32>,
      %get3A_795 = arith.constant 592 : index
      %get3A_796 = tpu.vector_load %arg7[%get3A_795] {strides = array<i32>} : memref<768xi32, #tpu.memory_space<vmem>>, vector<16xi32>,
      %get3A_797 = vector.shape_cast %get3A_796 : vector<16xi32> to vector<16xi32>
      %add3A_798 = arith.addi %get3A_797, %broadcast_in_dim3A : vector<16xi32>
      %swap3A_799 = arith.constant 592 : index
      %swap3A_800 = tpu.vector_load %arg7[%swap3A_799] {strides = array<i32>} : memref<768xi32, #tpu.memory_space<vmem>>, vector<16xi32>,
      %swap3A_801 = vector.shape_cast %swap3A_800 : vector<16xi32> to vector<16xi32>
      %swap3A_802 = vector.shape_cast %add3A_798 : vector<16xi32> to vector<16xi32>
      tpu.vector_store %arg7[%swap3A_799], %swap3A_802 {strides = array<i32>} : memref<768xi32, #tpu.memory_space<vmem>>, vector<16xi32>,
      %get3A_803 = arith.constant 608 : index
      %get3A_804 = tpu.vector_load %arg7[%get3A_803] {strides = array<i32>} : memref<768xi32, #tpu.memory_space<vmem>>, vector<16xi32>,
      %get3A_805 = vector.shape_cast %get3A_804 : vector<16xi32> to vector<16xi32>
      %add3A_806 = arith.addi %get3A_805, %broadcast_in_dim3A : vector<16xi32>
      %swap3A_807 = arith.constant 608 : index
      %swap3A_808 = tpu.vector_load %arg7[%swap3A_807] {strides = array<i32>} : memref<768xi32, #tpu.memory_space<vmem>>, vector<16xi32>,
      %swap3A_809 = vector.shape_cast %swap3A_808 : vector<16xi32> to vector<16xi32>
      %swap3A_810 = vector.shape_cast %add3A_806 : vector<16xi32> to vector<16xi32>
      tpu.vector_store %arg7[%swap3A_807], %swap3A_810 {strides = array<i32>} : memref<768xi32, #tpu.memory_space<vmem>>, vector<16xi32>,
      %get3A_811 = arith.constant 624 : index
      %get3A_812 = tpu.vector_load %arg7[%get3A_811] {strides = array<i32>} : memref<768xi32, #tpu.memory_space<vmem>>, vector<16xi32>,
      %get3A_813 = vector.shape_cast %get3A_812 : vector<16xi32> to vector<16xi32>
      %add3A_814 = arith.addi %get3A_813, %broadcast_in_dim3A : vector<16xi32>
      %swap3A_815 = arith.constant 624 : index
      %swap3A_816 = tpu.vector_load %arg7[%swap3A_815] {strides = array<i32>} : memref<768xi32, #tpu.memory_space<vmem>>, vector<16xi32>,
      %swap3A_817 = vector.shape_cast %swap3A_816 : vector<16xi32> to vector<16xi32>
      %swap3A_818 = vector.shape_cast %add3A_814 : vector<16xi32> to vector<16xi32>
      tpu.vector_store %arg7[%swap3A_815], %swap3A_818 {strides = array<i32>} : memref<768xi32, #tpu.memory_space<vmem>>, vector<16xi32>,
      %get3A_819 = arith.constant 640 : index
      %get3A_820 = tpu.vector_load %arg7[%get3A_819] {strides = array<i32>} : memref<768xi32, #tpu.memory_space<vmem>>, vector<16xi32>,
      %get3A_821 = vector.shape_cast %get3A_820 : vector<16xi32> to vector<16xi32>
      %add3A_822 = arith.addi %get3A_821, %broadcast_in_dim3A : vector<16xi32>
      %swap3A_823 = arith.constant 640 : index
      %swap3A_824 = tpu.vector_load %arg7[%swap3A_823] {strides = array<i32>} : memref<768xi32, #tpu.memory_space<vmem>>, vector<16xi32>,
      %swap3A_825 = vector.shape_cast %swap3A_824 : vector<16xi32> to vector<16xi32>
      %swap3A_826 = vector.shape_cast %add3A_822 : vector<16xi32> to vector<16xi32>
      tpu.vector_store %arg7[%swap3A_823], %swap3A_826 {strides = array<i32>} : memref<768xi32, #tpu.memory_space<vmem>>, vector<16xi32>,
      %get3A_827 = arith.constant 656 : index
      %get3A_828 = tpu.vector_load %arg7[%get3A_827] {strides = array<i32>} : memref<768xi32, #tpu.memory_space<vmem>>, vector<16xi32>,
      %get3A_829 = vector.shape_cast %get3A_828 : vector<16xi32> to vector<16xi32>
      %add3A_830 = arith.addi %get3A_829, %broadcast_in_dim3A : vector<16xi32>
      %swap3A_831 = arith.constant 656 : index
      %swap3A_832 = tpu.vector_load %arg7[%swap3A_831] {strides = array<i32>} : memref<768xi32, #tpu.memory_space<vmem>>, vector<16xi32>,
      %swap3A_833 = vector.shape_cast %swap3A_832 : vector<16xi32> to vector<16xi32>
      %swap3A_834 = vector.shape_cast %add3A_830 : vector<16xi32> to vector<16xi32>
      tpu.vector_store %arg7[%swap3A_831], %swap3A_834 {strides = array<i32>} : memref<768xi32, #tpu.memory_space<vmem>>, vector<16xi32>,
      %get3A_835 = arith.constant 672 : index
      %get3A_836 = tpu.vector_load %arg7[%get3A_835] {strides = array<i32>} : memref<768xi32, #tpu.memory_space<vmem>>, vector<16xi32>,
      %get3A_837 = vector.shape_cast %get3A_836 : vector<16xi32> to vector<16xi32>
      %add3A_838 = arith.addi %get3A_837, %broadcast_in_dim3A : vector<16xi32>
      %swap3A_839 = arith.constant 672 : index
      %swap3A_840 = tpu.vector_load %arg7[%swap3A_839] {strides = array<i32>} : memref<768xi32, #tpu.memory_space<vmem>>, vector<16xi32>,
      %swap3A_841 = vector.shape_cast %swap3A_840 : vector<16xi32> to vector<16xi32>
      %swap3A_842 = vector.shape_cast %add3A_838 : vector<16xi32> to vector<16xi32>
      tpu.vector_store %arg7[%swap3A_839], %swap3A_842 {strides = array<i32>} : memref<768xi32, #tpu.memory_space<vmem>>, vector<16xi32>,
      %get3A_843 = arith.constant 688 : index
      %get3A_844 = tpu.vector_load %arg7[%get3A_843] {strides = array<i32>} : memref<768xi32, #tpu.memory_space<vmem>>, vector<16xi32>,
      %get3A_845 = vector.shape_cast %get3A_844 : vector<16xi32> to vector<16xi32>
      %add3A_846 = arith.addi %get3A_845, %broadcast_in_dim3A : vector<16xi32>
      %swap3A_847 = arith.constant 688 : index
      %swap3A_848 = tpu.vector_load %arg7[%swap3A_847] {strides = array<i32>} : memref<768xi32, #tpu.memory_space<vmem>>, vector<16xi32>,
      %swap3A_849 = vector.shape_cast %swap3A_848 : vector<16xi32> to vector<16xi32>
      %swap3A_850 = vector.shape_cast %add3A_846 : vector<16xi32> to vector<16xi32>
      tpu.vector_store %arg7[%swap3A_847], %swap3A_850 {strides = array<i32>} : memref<768xi32, #tpu.memory_space<vmem>>, vector<16xi32>,
      %get3A_851 = arith.constant 704 : index
      %get3A_852 = tpu.vector_load %arg7[%get3A_851] {strides = array<i32>} : memref<768xi32, #tpu.memory_space<vmem>>, vector<16xi32>,
      %get3A_853 = vector.shape_cast %get3A_852 : vector<16xi32> to vector<16xi32>
      %add3A_854 = arith.addi %get3A_853, %broadcast_in_dim3A : vector<16xi32>
      %swap3A_855 = arith.constant 704 : index
      %swap3A_856 = tpu.vector_load %arg7[%swap3A_855] {strides = array<i32>} : memref<768xi32, #tpu.memory_space<vmem>>, vector<16xi32>,
      %swap3A_857 = vector.shape_cast %swap3A_856 : vector<16xi32> to vector<16xi32>
      %swap3A_858 = vector.shape_cast %add3A_854 : vector<16xi32> to vector<16xi32>
      tpu.vector_store %arg7[%swap3A_855], %swap3A_858 {strides = array<i32>} : memref<768xi32, #tpu.memory_space<vmem>>, vector<16xi32>,
      %get3A_859 = arith.constant 720 : index
      %get3A_860 = tpu.vector_load %arg7[%get3A_859] {strides = array<i32>} : memref<768xi32, #tpu.memory_space<vmem>>, vector<16xi32>,
      %get3A_861 = vector.shape_cast %get3A_860 : vector<16xi32> to vector<16xi32>
      %add3A_862 = arith.addi %get3A_861, %broadcast_in_dim3A : vector<16xi32>
      %swap3A_863 = arith.constant 720 : index
      %swap3A_864 = tpu.vector_load %arg7[%swap3A_863] {strides = array<i32>} : memref<768xi32, #tpu.memory_space<vmem>>, vector<16xi32>,
      %swap3A_865 = vector.shape_cast %swap3A_864 : vector<16xi32> to vector<16xi32>
      %swap3A_866 = vector.shape_cast %add3A_862 : vector<16xi32> to vector<16xi32>
      tpu.vector_store %arg7[%swap3A_863], %swap3A_866 {strides = array<i32>} : memref<768xi32, #tpu.memory_space<vmem>>, vector<16xi32>,
      %get3A_867 = arith.constant 736 : index
      %get3A_868 = tpu.vector_load %arg7[%get3A_867] {strides = array<i32>} : memref<768xi32, #tpu.memory_space<vmem>>, vector<16xi32>,
      %get3A_869 = vector.shape_cast %get3A_868 : vector<16xi32> to vector<16xi32>
      %add3A_870 = arith.addi %get3A_869, %broadcast_in_dim3A : vector<16xi32>
      %swap3A_871 = arith.constant 736 : index
      %swap3A_872 = tpu.vector_load %arg7[%swap3A_871] {strides = array<i32>} : memref<768xi32, #tpu.memory_space<vmem>>, vector<16xi32>,
      %swap3A_873 = vector.shape_cast %swap3A_872 : vector<16xi32> to vector<16xi32>
      %swap3A_874 = vector.shape_cast %add3A_870 : vector<16xi32> to vector<16xi32>
      tpu.vector_store %arg7[%swap3A_871], %swap3A_874 {strides = array<i32>} : memref<768xi32, #tpu.memory_space<vmem>>, vector<16xi32>,
      %get3A_875 = arith.constant 752 : index
      %get3A_876 = tpu.vector_load %arg7[%get3A_875] {strides = array<i32>} : memref<768xi32, #tpu.memory_space<vmem>>, vector<16xi32>,
      %get3A_877 = vector.shape_cast %get3A_876 : vector<16xi32> to vector<16xi32>
      %add3A_878 = arith.addi %get3A_877, %broadcast_in_dim3A : vector<16xi32>
      %swap3A_879 = arith.constant 752 : index
      %swap3A_880 = tpu.vector_load %arg7[%swap3A_879] {strides = array<i32>} : memref<768xi32, #tpu.memory_space<vmem>>, vector<16xi32>,
      %swap3A_881 = vector.shape_cast %swap3A_880 : vector<16xi32> to vector<16xi32>
      %swap3A_882 = vector.shape_cast %add3A_878 : vector<16xi32> to vector<16xi32>
      tpu.vector_store %arg7[%swap3A_879], %swap3A_882 {strides = array<i32>} : memref<768xi32, #tpu.memory_space<vmem>>, vector<16xi32>,
      %dma_start3A_883 = arith.constant 0 : i32
      %dma_start3A_884 = arith.constant 0 : i32
      %dma_start3A_885 = tpu.memref_slice %arg11[%dma_start3A_883, %dma_start3A_884] : memref<768x16xf32, #tpu.memory_space<vmem>> -> memref<128x16xf32, #tpu.memory_space<vmem>>
      %dma_start3A_886 = arith.constant 0 : i32
      %dma_start3A_887 = tpu.memref_slice %arg7[%dma_start3A_886] : memref<768xi32, #tpu.memory_space<vmem>> -> memref<128xi32, #tpu.memory_space<vmem>>
      %dma_start3A_888 = arith.constant 0 : i32
      %dma_start3A_889 = arith.constant 0 : i32
      %dma_start3A_890 = tpu.memref_slice %arg2[%dma_start3A_888, %dma_start3A_889] : memref<200512x16xf32, #tpu.memory_space<hbm>> -> memref<200512x16xf32, #tpu.memory_space<hbm>>
      tpu.enqueue_indirect_dma source(%dma_start3A_890 : memref<200512x16xf32, #tpu.memory_space<hbm>>) target(%dma_start3A_885 : memref<128x16xf32, #tpu.memory_space<vmem>>) offsets(%dma_start3A_887 : memref<128xi32, #tpu.memory_space<vmem>>) semaphore(%arg14 : memref<!tpu.dma_semaphore, #tpu.memory_space<semaphore_mem>>)
      %dma_start3A_891 = arith.constant 128 : i32
      %dma_start3A_892 = arith.constant 0 : i32
      %dma_start3A_893 = tpu.memref_slice %arg11[%dma_start3A_891, %dma_start3A_892] : memref<768x16xf32, #tpu.memory_space<vmem>> -> memref<128x16xf32, #tpu.memory_space<vmem>>
      %dma_start3A_894 = arith.constant 128 : i32
      %dma_start3A_895 = tpu.memref_slice %arg7[%dma_start3A_894] : memref<768xi32, #tpu.memory_space<vmem>> -> memref<128xi32, #tpu.memory_space<vmem>>
      %dma_start3A_896 = arith.constant 0 : i32
      %dma_start3A_897 = arith.constant 0 : i32
      %dma_start3A_898 = tpu.memref_slice %arg2[%dma_start3A_896, %dma_start3A_897] : memref<200512x16xf32, #tpu.memory_space<hbm>> -> memref<200512x16xf32, #tpu.memory_space<hbm>>
      tpu.enqueue_indirect_dma source(%dma_start3A_898 : memref<200512x16xf32, #tpu.memory_space<hbm>>) target(%dma_start3A_893 : memref<128x16xf32, #tpu.memory_space<vmem>>) offsets(%dma_start3A_895 : memref<128xi32, #tpu.memory_space<vmem>>) semaphore(%arg14 : memref<!tpu.dma_semaphore, #tpu.memory_space<semaphore_mem>>)
      %dma_start3A_899 = arith.constant 256 : i32
      %dma_start3A_900 = arith.constant 0 : i32
      %dma_start3A_901 = tpu.memref_slice %arg11[%dma_start3A_899, %dma_start3A_900] : memref<768x16xf32, #tpu.memory_space<vmem>> -> memref<128x16xf32, #tpu.memory_space<vmem>>
      %dma_start3A_902 = arith.constant 256 : i32
      %dma_start3A_903 = tpu.memref_slice %arg7[%dma_start3A_902] : memref<768xi32, #tpu.memory_space<vmem>> -> memref<128xi32, #tpu.memory_space<vmem>>
      %dma_start3A_904 = arith.constant 0 : i32
      %dma_start3A_905 = arith.constant 0 : i32
      %dma_start3A_906 = tpu.memref_slice %arg2[%dma_start3A_904, %dma_start3A_905] : memref<200512x16xf32, #tpu.memory_space<hbm>> -> memref<200512x16xf32, #tpu.memory_space<hbm>>
      tpu.enqueue_indirect_dma source(%dma_start3A_906 : memref<200512x16xf32, #tpu.memory_space<hbm>>) target(%dma_start3A_901 : memref<128x16xf32, #tpu.memory_space<vmem>>) offsets(%dma_start3A_903 : memref<128xi32, #tpu.memory_space<vmem>>) semaphore(%arg14 : memref<!tpu.dma_semaphore, #tpu.memory_space<semaphore_mem>>)
      %dma_start3A_907 = arith.constant 384 : i32
      %dma_start3A_908 = arith.constant 0 : i32
      %dma_start3A_909 = tpu.memref_slice %arg11[%dma_start3A_907, %dma_start3A_908] : memref<768x16xf32, #tpu.memory_space<vmem>> -> memref<128x16xf32, #tpu.memory_space<vmem>>
      %dma_start3A_910 = arith.constant 384 : i32
      %dma_start3A_911 = tpu.memref_slice %arg7[%dma_start3A_910] : memref<768xi32, #tpu.memory_space<vmem>> -> memref<128xi32, #tpu.memory_space<vmem>>
      %dma_start3A_912 = arith.constant 0 : i32
      %dma_start3A_913 = arith.constant 0 : i32
      %dma_start3A_914 = tpu.memref_slice %arg2[%dma_start3A_912, %dma_start3A_913] : memref<200512x16xf32, #tpu.memory_space<hbm>> -> memref<200512x16xf32, #tpu.memory_space<hbm>>
      tpu.enqueue_indirect_dma source(%dma_start3A_914 : memref<200512x16xf32, #tpu.memory_space<hbm>>) target(%dma_start3A_909 : memref<128x16xf32, #tpu.memory_space<vmem>>) offsets(%dma_start3A_911 : memref<128xi32, #tpu.memory_space<vmem>>) semaphore(%arg14 : memref<!tpu.dma_semaphore, #tpu.memory_space<semaphore_mem>>)
      %dma_start3A_915 = arith.constant 512 : i32
      %dma_start3A_916 = arith.constant 0 : i32
      %dma_start3A_917 = tpu.memref_slice %arg11[%dma_start3A_915, %dma_start3A_916] : memref<768x16xf32, #tpu.memory_space<vmem>> -> memref<128x16xf32, #tpu.memory_space<vmem>>
      %dma_start3A_918 = arith.constant 512 : i32
      %dma_start3A_919 = tpu.memref_slice %arg7[%dma_start3A_918] : memref<768xi32, #tpu.memory_space<vmem>> -> memref<128xi32, #tpu.memory_space<vmem>>
      %dma_start3A_920 = arith.constant 0 : i32
      %dma_start3A_921 = arith.constant 0 : i32
      %dma_start3A_922 = tpu.memref_slice %arg2[%dma_start3A_920, %dma_start3A_921] : memref<200512x16xf32, #tpu.memory_space<hbm>> -> memref<200512x16xf32, #tpu.memory_space<hbm>>
      tpu.enqueue_indirect_dma source(%dma_start3A_922 : memref<200512x16xf32, #tpu.memory_space<hbm>>) target(%dma_start3A_917 : memref<128x16xf32, #tpu.memory_space<vmem>>) offsets(%dma_start3A_919 : memref<128xi32, #tpu.memory_space<vmem>>) semaphore(%arg14 : memref<!tpu.dma_semaphore, #tpu.memory_space<semaphore_mem>>)
      %dma_start3A_923 = arith.constant 640 : i32
      %dma_start3A_924 = arith.constant 0 : i32
      %dma_start3A_925 = tpu.memref_slice %arg11[%dma_start3A_923, %dma_start3A_924] : memref<768x16xf32, #tpu.memory_space<vmem>> -> memref<128x16xf32, #tpu.memory_space<vmem>>
      %dma_start3A_926 = arith.constant 640 : i32
      %dma_start3A_927 = tpu.memref_slice %arg7[%dma_start3A_926] : memref<768xi32, #tpu.memory_space<vmem>> -> memref<128xi32, #tpu.memory_space<vmem>>
      %dma_start3A_928 = arith.constant 0 : i32
      %dma_start3A_929 = arith.constant 0 : i32
      %dma_start3A_930 = tpu.memref_slice %arg2[%dma_start3A_928, %dma_start3A_929] : memref<200512x16xf32, #tpu.memory_space<hbm>> -> memref<200512x16xf32, #tpu.memory_space<hbm>>
      tpu.enqueue_indirect_dma source(%dma_start3A_930 : memref<200512x16xf32, #tpu.memory_space<hbm>>) target(%dma_start3A_925 : memref<128x16xf32, #tpu.memory_space<vmem>>) offsets(%dma_start3A_927 : memref<128xi32, #tpu.memory_space<vmem>>) semaphore(%arg14 : memref<!tpu.dma_semaphore, #tpu.memory_space<semaphore_mem>>)
      %dma_wait3A = arith.constant 0 : i32
      %dma_wait3A_931 = arith.constant 0 : i32
      %dma_wait3A_932 = tpu.memref_slice %arg2[%dma_wait3A, %dma_wait3A_931] : memref<200512x16xf32, #tpu.memory_space<hbm>> -> memref<768x16xf32, #tpu.memory_space<hbm>>
      %dma_wait3A_933 = arith.constant 0 : i32
      %dma_wait3A_934 = arith.constant 0 : i32
      %dma_wait3A_935 = tpu.memref_slice %arg2[%dma_wait3A_933, %dma_wait3A_934] : memref<200512x16xf32, #tpu.memory_space<hbm>> -> memref<768x16xf32, #tpu.memory_space<hbm>>
      tpu.wait_dma2 semaphore(%arg13 : memref<!tpu.dma_semaphore, #tpu.memory_space<semaphore_mem>>) src(%dma_wait3A_935 : memref<768x16xf32, #tpu.memory_space<hbm>>) dst(%arg10 : memref<768x16xf32, #tpu.memory_space<vmem>>)
      "tpu.region"() ({
        %run_scoped3A = tpu.sem_alloc : memref<!tpu.dma_semaphore, #tpu.memory_space<semaphore_mem>>
        %dma_start3A_944 = arith.constant 0 : i32
        %dma_start3A_945 = arith.constant 0 : i32
        %dma_start3A_946 = tpu.memref_slice %arg10[%dma_start3A_944, %dma_start3A_945] : memref<768x16xf32, #tpu.memory_space<vmem>> -> memref<128x16xf32, #tpu.memory_space<vmem>>
        %dma_start3A_947 = arith.constant 0 : i32
        %dma_start3A_948 = tpu.memref_slice %arg8[%dma_start3A_947] : memref<768xi32, #tpu.memory_space<vmem>> -> memref<128xi32, #tpu.memory_space<vmem>>
        %dma_start3A_949 = arith.constant 0 : i32
        %dma_start3A_950 = arith.constant 0 : i32
        %dma_start3A_951 = tpu.memref_slice %arg12[%dma_start3A_949, %dma_start3A_950] : memref<100096x16xf32, #tpu.memory_space<vmem_shared>> -> memref<100096x16xf32, #tpu.memory_space<vmem_shared>>
        tpu.enqueue_indirect_dma source(%dma_start3A_946 : memref<128x16xf32, #tpu.memory_space<vmem>>) target(%dma_start3A_951 : memref<100096x16xf32, #tpu.memory_space<vmem_shared>>) offsets(%dma_start3A_948 : memref<128xi32, #tpu.memory_space<vmem>>) semaphore(%run_scoped3A : memref<!tpu.dma_semaphore, #tpu.memory_space<semaphore_mem>>) {add = true}
        %dma_wait3A_952 = arith.constant 0 : i32
        %dma_wait3A_953 = arith.constant 0 : i32
        %dma_wait3A_954 = tpu.memref_slice %arg10[%dma_wait3A_952, %dma_wait3A_953] : memref<768x16xf32, #tpu.memory_space<vmem>> -> memref<128x16xf32, #tpu.memory_space<vmem>>
        %dma_wait3A_955 = arith.constant 0 : i32
        %dma_wait3A_956 = tpu.memref_slice %arg8[%dma_wait3A_955] : memref<768xi32, #tpu.memory_space<vmem>> -> memref<128xi32, #tpu.memory_space<vmem>>
        %dma_wait3A_957 = arith.constant 0 : i32
        %dma_wait3A_958 = arith.constant 0 : i32
        %dma_wait3A_959 = tpu.memref_slice %arg12[%dma_wait3A_957, %dma_wait3A_958] : memref<100096x16xf32, #tpu.memory_space<vmem_shared>> -> memref<100096x16xf32, #tpu.memory_space<vmem_shared>>
        tpu.wait_indirect_dma semaphore(%run_scoped3A : memref<!tpu.dma_semaphore, #tpu.memory_space<semaphore_mem>>) src(%dma_wait3A_954 : memref<128x16xf32, #tpu.memory_space<vmem>>) dst(%dma_wait3A_959 : memref<100096x16xf32, #tpu.memory_space<vmem_shared>>)
        tpu.yield
      }) : () -> ()
      "tpu.region"() ({
        %run_scoped3A = tpu.sem_alloc : memref<!tpu.dma_semaphore, #tpu.memory_space<semaphore_mem>>
        %dma_start3A_944 = arith.constant 128 : i32
        %dma_start3A_945 = arith.constant 0 : i32
        %dma_start3A_946 = tpu.memref_slice %arg10[%dma_start3A_944, %dma_start3A_945] : memref<768x16xf32, #tpu.memory_space<vmem>> -> memref<128x16xf32, #tpu.memory_space<vmem>>
        %dma_start3A_947 = arith.constant 128 : i32
        %dma_start3A_948 = tpu.memref_slice %arg8[%dma_start3A_947] : memref<768xi32, #tpu.memory_space<vmem>> -> memref<128xi32, #tpu.memory_space<vmem>>
        %dma_start3A_949 = arith.constant 0 : i32
        %dma_start3A_950 = arith.constant 0 : i32
        %dma_start3A_951 = tpu.memref_slice %arg12[%dma_start3A_949, %dma_start3A_950] : memref<100096x16xf32, #tpu.memory_space<vmem_shared>> -> memref<100096x16xf32, #tpu.memory_space<vmem_shared>>
        tpu.enqueue_indirect_dma source(%dma_start3A_946 : memref<128x16xf32, #tpu.memory_space<vmem>>) target(%dma_start3A_951 : memref<100096x16xf32, #tpu.memory_space<vmem_shared>>) offsets(%dma_start3A_948 : memref<128xi32, #tpu.memory_space<vmem>>) semaphore(%run_scoped3A : memref<!tpu.dma_semaphore, #tpu.memory_space<semaphore_mem>>) {add = true}
        %dma_wait3A_952 = arith.constant 128 : i32
        %dma_wait3A_953 = arith.constant 0 : i32
        %dma_wait3A_954 = tpu.memref_slice %arg10[%dma_wait3A_952, %dma_wait3A_953] : memref<768x16xf32, #tpu.memory_space<vmem>> -> memref<128x16xf32, #tpu.memory_space<vmem>>
        %dma_wait3A_955 = arith.constant 128 : i32
        %dma_wait3A_956 = tpu.memref_slice %arg8[%dma_wait3A_955] : memref<768xi32, #tpu.memory_space<vmem>> -> memref<128xi32, #tpu.memory_space<vmem>>
        %dma_wait3A_957 = arith.constant 0 : i32
        %dma_wait3A_958 = arith.constant 0 : i32
        %dma_wait3A_959 = tpu.memref_slice %arg12[%dma_wait3A_957, %dma_wait3A_958] : memref<100096x16xf32, #tpu.memory_space<vmem_shared>> -> memref<100096x16xf32, #tpu.memory_space<vmem_shared>>
        tpu.wait_indirect_dma semaphore(%run_scoped3A : memref<!tpu.dma_semaphore, #tpu.memory_space<semaphore_mem>>) src(%dma_wait3A_954 : memref<128x16xf32, #tpu.memory_space<vmem>>) dst(%dma_wait3A_959 : memref<100096x16xf32, #tpu.memory_space<vmem_shared>>)
        tpu.yield
      }) : () -> ()
      "tpu.region"() ({
        %run_scoped3A = tpu.sem_alloc : memref<!tpu.dma_semaphore, #tpu.memory_space<semaphore_mem>>
        %dma_start3A_944 = arith.constant 256 : i32
        %dma_start3A_945 = arith.constant 0 : i32
        %dma_start3A_946 = tpu.memref_slice %arg10[%dma_start3A_944, %dma_start3A_945] : memref<768x16xf32, #tpu.memory_space<vmem>> -> memref<128x16xf32, #tpu.memory_space<vmem>>
        %dma_start3A_947 = arith.constant 256 : i32
        %dma_start3A_948 = tpu.memref_slice %arg8[%dma_start3A_947] : memref<768xi32, #tpu.memory_space<vmem>> -> memref<128xi32, #tpu.memory_space<vmem>>
        %dma_start3A_949 = arith.constant 0 : i32
        %dma_start3A_950 = arith.constant 0 : i32
        %dma_start3A_951 = tpu.memref_slice %arg12[%dma_start3A_949, %dma_start3A_950] : memref<100096x16xf32, #tpu.memory_space<vmem_shared>> -> memref<100096x16xf32, #tpu.memory_space<vmem_shared>>
        tpu.enqueue_indirect_dma source(%dma_start3A_946 : memref<128x16xf32, #tpu.memory_space<vmem>>) target(%dma_start3A_951 : memref<100096x16xf32, #tpu.memory_space<vmem_shared>>) offsets(%dma_start3A_948 : memref<128xi32, #tpu.memory_space<vmem>>) semaphore(%run_scoped3A : memref<!tpu.dma_semaphore, #tpu.memory_space<semaphore_mem>>) {add = true}
        %dma_wait3A_952 = arith.constant 256 : i32
        %dma_wait3A_953 = arith.constant 0 : i32
        %dma_wait3A_954 = tpu.memref_slice %arg10[%dma_wait3A_952, %dma_wait3A_953] : memref<768x16xf32, #tpu.memory_space<vmem>> -> memref<128x16xf32, #tpu.memory_space<vmem>>
        %dma_wait3A_955 = arith.constant 256 : i32
        %dma_wait3A_956 = tpu.memref_slice %arg8[%dma_wait3A_955] : memref<768xi32, #tpu.memory_space<vmem>> -> memref<128xi32, #tpu.memory_space<vmem>>
        %dma_wait3A_957 = arith.constant 0 : i32
        %dma_wait3A_958 = arith.constant 0 : i32
        %dma_wait3A_959 = tpu.memref_slice %arg12[%dma_wait3A_957, %dma_wait3A_958] : memref<100096x16xf32, #tpu.memory_space<vmem_shared>> -> memref<100096x16xf32, #tpu.memory_space<vmem_shared>>
        tpu.wait_indirect_dma semaphore(%run_scoped3A : memref<!tpu.dma_semaphore, #tpu.memory_space<semaphore_mem>>) src(%dma_wait3A_954 : memref<128x16xf32, #tpu.memory_space<vmem>>) dst(%dma_wait3A_959 : memref<100096x16xf32, #tpu.memory_space<vmem_shared>>)
        tpu.yield
      }) : () -> ()
      "tpu.region"() ({
        %run_scoped3A = tpu.sem_alloc : memref<!tpu.dma_semaphore, #tpu.memory_space<semaphore_mem>>
        %dma_start3A_944 = arith.constant 384 : i32
        %dma_start3A_945 = arith.constant 0 : i32
        %dma_start3A_946 = tpu.memref_slice %arg10[%dma_start3A_944, %dma_start3A_945] : memref<768x16xf32, #tpu.memory_space<vmem>> -> memref<128x16xf32, #tpu.memory_space<vmem>>
        %dma_start3A_947 = arith.constant 384 : i32
        %dma_start3A_948 = tpu.memref_slice %arg8[%dma_start3A_947] : memref<768xi32, #tpu.memory_space<vmem>> -> memref<128xi32, #tpu.memory_space<vmem>>
        %dma_start3A_949 = arith.constant 0 : i32
        %dma_start3A_950 = arith.constant 0 : i32
        %dma_start3A_951 = tpu.memref_slice %arg12[%dma_start3A_949, %dma_start3A_950] : memref<100096x16xf32, #tpu.memory_space<vmem_shared>> -> memref<100096x16xf32, #tpu.memory_space<vmem_shared>>
        tpu.enqueue_indirect_dma source(%dma_start3A_946 : memref<128x16xf32, #tpu.memory_space<vmem>>) target(%dma_start3A_951 : memref<100096x16xf32, #tpu.memory_space<vmem_shared>>) offsets(%dma_start3A_948 : memref<128xi32, #tpu.memory_space<vmem>>) semaphore(%run_scoped3A : memref<!tpu.dma_semaphore, #tpu.memory_space<semaphore_mem>>) {add = true}
        %dma_wait3A_952 = arith.constant 384 : i32
        %dma_wait3A_953 = arith.constant 0 : i32
        %dma_wait3A_954 = tpu.memref_slice %arg10[%dma_wait3A_952, %dma_wait3A_953] : memref<768x16xf32, #tpu.memory_space<vmem>> -> memref<128x16xf32, #tpu.memory_space<vmem>>
        %dma_wait3A_955 = arith.constant 384 : i32
        %dma_wait3A_956 = tpu.memref_slice %arg8[%dma_wait3A_955] : memref<768xi32, #tpu.memory_space<vmem>> -> memref<128xi32, #tpu.memory_space<vmem>>
        %dma_wait3A_957 = arith.constant 0 : i32
        %dma_wait3A_958 = arith.constant 0 : i32
        %dma_wait3A_959 = tpu.memref_slice %arg12[%dma_wait3A_957, %dma_wait3A_958] : memref<100096x16xf32, #tpu.memory_space<vmem_shared>> -> memref<100096x16xf32, #tpu.memory_space<vmem_shared>>
        tpu.wait_indirect_dma semaphore(%run_scoped3A : memref<!tpu.dma_semaphore, #tpu.memory_space<semaphore_mem>>) src(%dma_wait3A_954 : memref<128x16xf32, #tpu.memory_space<vmem>>) dst(%dma_wait3A_959 : memref<100096x16xf32, #tpu.memory_space<vmem_shared>>)
        tpu.yield
      }) : () -> ()
      "tpu.region"() ({
        %run_scoped3A = tpu.sem_alloc : memref<!tpu.dma_semaphore, #tpu.memory_space<semaphore_mem>>
        %dma_start3A_944 = arith.constant 512 : i32
        %dma_start3A_945 = arith.constant 0 : i32
        %dma_start3A_946 = tpu.memref_slice %arg10[%dma_start3A_944, %dma_start3A_945] : memref<768x16xf32, #tpu.memory_space<vmem>> -> memref<128x16xf32, #tpu.memory_space<vmem>>
        %dma_start3A_947 = arith.constant 512 : i32
        %dma_start3A_948 = tpu.memref_slice %arg8[%dma_start3A_947] : memref<768xi32, #tpu.memory_space<vmem>> -> memref<128xi32, #tpu.memory_space<vmem>>
        %dma_start3A_949 = arith.constant 0 : i32
        %dma_start3A_950 = arith.constant 0 : i32
        %dma_start3A_951 = tpu.memref_slice %arg12[%dma_start3A_949, %dma_start3A_950] : memref<100096x16xf32, #tpu.memory_space<vmem_shared>> -> memref<100096x16xf32, #tpu.memory_space<vmem_shared>>
        tpu.enqueue_indirect_dma source(%dma_start3A_946 : memref<128x16xf32, #tpu.memory_space<vmem>>) target(%dma_start3A_951 : memref<100096x16xf32, #tpu.memory_space<vmem_shared>>) offsets(%dma_start3A_948 : memref<128xi32, #tpu.memory_space<vmem>>) semaphore(%run_scoped3A : memref<!tpu.dma_semaphore, #tpu.memory_space<semaphore_mem>>) {add = true}
        %dma_wait3A_952 = arith.constant 512 : i32
        %dma_wait3A_953 = arith.constant 0 : i32
        %dma_wait3A_954 = tpu.memref_slice %arg10[%dma_wait3A_952, %dma_wait3A_953] : memref<768x16xf32, #tpu.memory_space<vmem>> -> memref<128x16xf32, #tpu.memory_space<vmem>>
        %dma_wait3A_955 = arith.constant 512 : i32
        %dma_wait3A_956 = tpu.memref_slice %arg8[%dma_wait3A_955] : memref<768xi32, #tpu.memory_space<vmem>> -> memref<128xi32, #tpu.memory_space<vmem>>
        %dma_wait3A_957 = arith.constant 0 : i32
        %dma_wait3A_958 = arith.constant 0 : i32
        %dma_wait3A_959 = tpu.memref_slice %arg12[%dma_wait3A_957, %dma_wait3A_958] : memref<100096x16xf32, #tpu.memory_space<vmem_shared>> -> memref<100096x16xf32, #tpu.memory_space<vmem_shared>>
        tpu.wait_indirect_dma semaphore(%run_scoped3A : memref<!tpu.dma_semaphore, #tpu.memory_space<semaphore_mem>>) src(%dma_wait3A_954 : memref<128x16xf32, #tpu.memory_space<vmem>>) dst(%dma_wait3A_959 : memref<100096x16xf32, #tpu.memory_space<vmem_shared>>)
        tpu.yield
      }) : () -> ()
      "tpu.region"() ({
        %run_scoped3A = tpu.sem_alloc : memref<!tpu.dma_semaphore, #tpu.memory_space<semaphore_mem>>
        %dma_start3A_944 = arith.constant 640 : i32
        %dma_start3A_945 = arith.constant 0 : i32
        %dma_start3A_946 = tpu.memref_slice %arg10[%dma_start3A_944, %dma_start3A_945] : memref<768x16xf32, #tpu.memory_space<vmem>> -> memref<128x16xf32, #tpu.memory_space<vmem>>
        %dma_start3A_947 = arith.constant 640 : i32
        %dma_start3A_948 = tpu.memref_slice %arg8[%dma_start3A_947] : memref<768xi32, #tpu.memory_space<vmem>> -> memref<128xi32, #tpu.memory_space<vmem>>
        %dma_start3A_949 = arith.constant 0 : i32
        %dma_start3A_950 = arith.constant 0 : i32
        %dma_start3A_951 = tpu.memref_slice %arg12[%dma_start3A_949, %dma_start3A_950] : memref<100096x16xf32, #tpu.memory_space<vmem_shared>> -> memref<100096x16xf32, #tpu.memory_space<vmem_shared>>
        tpu.enqueue_indirect_dma source(%dma_start3A_946 : memref<128x16xf32, #tpu.memory_space<vmem>>) target(%dma_start3A_951 : memref<100096x16xf32, #tpu.memory_space<vmem_shared>>) offsets(%dma_start3A_948 : memref<128xi32, #tpu.memory_space<vmem>>) semaphore(%run_scoped3A : memref<!tpu.dma_semaphore, #tpu.memory_space<semaphore_mem>>) {add = true}
        %dma_wait3A_952 = arith.constant 640 : i32
        %dma_wait3A_953 = arith.constant 0 : i32
        %dma_wait3A_954 = tpu.memref_slice %arg10[%dma_wait3A_952, %dma_wait3A_953] : memref<768x16xf32, #tpu.memory_space<vmem>> -> memref<128x16xf32, #tpu.memory_space<vmem>>
        %dma_wait3A_955 = arith.constant 640 : i32
        %dma_wait3A_956 = tpu.memref_slice %arg8[%dma_wait3A_955] : memref<768xi32, #tpu.memory_space<vmem>> -> memref<128xi32, #tpu.memory_space<vmem>>
        %dma_wait3A_957 = arith.constant 0 : i32
        %dma_wait3A_958 = arith.constant 0 : i32
        %dma_wait3A_959 = tpu.memref_slice %arg12[%dma_wait3A_957, %dma_wait3A_958] : memref<100096x16xf32, #tpu.memory_space<vmem_shared>> -> memref<100096x16xf32, #tpu.memory_space<vmem_shared>>
        tpu.wait_indirect_dma semaphore(%run_scoped3A : memref<!tpu.dma_semaphore, #tpu.memory_space<semaphore_mem>>) src(%dma_wait3A_954 : memref<128x16xf32, #tpu.memory_space<vmem>>) dst(%dma_wait3A_959 : memref<100096x16xf32, #tpu.memory_space<vmem_shared>>)
        tpu.yield
      }) : () -> ()
      %lt3A = arith.constant 65 : i32
      %lt3A_936 = arith.cmpi slt, %scan3A_488, %lt3A : i32
      %convert_element_type3A = arith.extui %lt3A_936 : i1 to i32
      %cond3A = arith.constant 0 : i32
      %cond3A_937 = arith.cmpi ne, %convert_element_type3A, %cond3A : i32
      scf.if %cond3A_937 {
        %add3A_944 = arith.constant 2 : i32
        %add3A_945 = arith.addi %mul3A_490, %add3A_944 : i32
        %mul3A_946 = arith.constant 768 : i32
        %mul3A_947 = arith.muli %add3A_945, %mul3A_946 : i32
        %add3A_948 = arith.addi %mul3A_0, %mul3A_947 : i32
        "tpu.region"() ({
          %run_scoped3A = tpu.sem_alloc : memref<!tpu.dma_semaphore, #tpu.memory_space<semaphore_mem>>
          %dma_start3A_1384 = tpu.memref_slice %arg3[%add3A_948] : memref<1622016xi32, #tpu.memory_space<hbm>> -> memref<768xi32, #tpu.memory_space<hbm>>
          %dma_start3A_1385 = tpu.memref_slice %arg3[%add3A_948] : memref<1622016xi32, #tpu.memory_space<hbm>> -> memref<768xi32, #tpu.memory_space<hbm>>
          tpu.enqueue_dma source(%dma_start3A_1385 : memref<768xi32, #tpu.memory_space<hbm>>) target(%arg6 : memref<768xi32, #tpu.memory_space<vmem>>) target_semaphore(%run_scoped3A : memref<!tpu.dma_semaphore, #tpu.memory_space<semaphore_mem>>)
          %dma_wait3A_1386 = tpu.memref_slice %arg3[%add3A_948] : memref<1622016xi32, #tpu.memory_space<hbm>> -> memref<768xi32, #tpu.memory_space<hbm>>
          %dma_wait3A_1387 = tpu.memref_slice %arg3[%add3A_948] : memref<1622016xi32, #tpu.memory_space<hbm>> -> memref<768xi32, #tpu.memory_space<hbm>>
          tpu.wait_dma2 semaphore(%run_scoped3A : memref<!tpu.dma_semaphore, #tpu.memory_space<semaphore_mem>>) src(%dma_wait3A_1387 : memref<768xi32, #tpu.memory_space<hbm>>) dst(%arg6 : memref<768xi32, #tpu.memory_space<vmem>>)
          tpu.yield
        }) : () -> ()
        %mul3A_949 = arith.constant 768 : i32
        %mul3A_950 = arith.muli %add3A_945, %mul3A_949 : i32
        %add3A_951 = arith.addi %mul3A_0, %mul3A_950 : i32
        "tpu.region"() ({
          %run_scoped3A = tpu.sem_alloc : memref<!tpu.dma_semaphore, #tpu.memory_space<semaphore_mem>>
          %dma_start3A_1384 = tpu.memref_slice %arg4[%add3A_951] : memref<1622016xi32, #tpu.memory_space<hbm>> -> memref<768xi32, #tpu.memory_space<hbm>>
          %dma_start3A_1385 = tpu.memref_slice %arg4[%add3A_951] : memref<1622016xi32, #tpu.memory_space<hbm>> -> memref<768xi32, #tpu.memory_space<hbm>>
          tpu.enqueue_dma source(%dma_start3A_1385 : memref<768xi32, #tpu.memory_space<hbm>>) target(%arg8 : memref<768xi32, #tpu.memory_space<vmem>>) target_semaphore(%run_scoped3A : memref<!tpu.dma_semaphore, #tpu.memory_space<semaphore_mem>>)
          %dma_wait3A_1386 = tpu.memref_slice %arg4[%add3A_951] : memref<1622016xi32, #tpu.memory_space<hbm>> -> memref<768xi32, #tpu.memory_space<hbm>>
          %dma_wait3A_1387 = tpu.memref_slice %arg4[%add3A_951] : memref<1622016xi32, #tpu.memory_space<hbm>> -> memref<768xi32, #tpu.memory_space<hbm>>
          tpu.wait_dma2 semaphore(%run_scoped3A : memref<!tpu.dma_semaphore, #tpu.memory_space<semaphore_mem>>) src(%dma_wait3A_1387 : memref<768xi32, #tpu.memory_space<hbm>>) dst(%arg8 : memref<768xi32, #tpu.memory_space<vmem>>)
          tpu.yield
        }) : () -> ()
        %get3A_952 = arith.constant 0 : index
        %get3A_953 = tpu.vector_load %arg6[%get3A_952] {strides = array<i32>} : memref<768xi32, #tpu.memory_space<vmem>>, vector<16xi32>,
        %get3A_954 = vector.shape_cast %get3A_953 : vector<16xi32> to vector<16xi32>
        %add3A_955 = arith.addi %get3A_954, %broadcast_in_dim3A : vector<16xi32>
        %swap3A_956 = arith.constant 0 : index
        %swap3A_957 = tpu.vector_load %arg6[%swap3A_956] {strides = array<i32>} : memref<768xi32, #tpu.memory_space<vmem>>, vector<16xi32>,
        %swap3A_958 = vector.shape_cast %swap3A_957 : vector<16xi32> to vector<16xi32>
        %swap3A_959 = vector.shape_cast %add3A_955 : vector<16xi32> to vector<16xi32>
        tpu.vector_store %arg6[%swap3A_956], %swap3A_959 {strides = array<i32>} : memref<768xi32, #tpu.memory_space<vmem>>, vector<16xi32>,
        %get3A_960 = arith.constant 16 : index
        %get3A_961 = tpu.vector_load %arg6[%get3A_960] {strides = array<i32>} : memref<768xi32, #tpu.memory_space<vmem>>, vector<16xi32>,
        %get3A_962 = vector.shape_cast %get3A_961 : vector<16xi32> to vector<16xi32>
        %add3A_963 = arith.addi %get3A_962, %broadcast_in_dim3A : vector<16xi32>
        %swap3A_964 = arith.constant 16 : index
        %swap3A_965 = tpu.vector_load %arg6[%swap3A_964] {strides = array<i32>} : memref<768xi32, #tpu.memory_space<vmem>>, vector<16xi32>,
        %swap3A_966 = vector.shape_cast %swap3A_965 : vector<16xi32> to vector<16xi32>
        %swap3A_967 = vector.shape_cast %add3A_963 : vector<16xi32> to vector<16xi32>
        tpu.vector_store %arg6[%swap3A_964], %swap3A_967 {strides = array<i32>} : memref<768xi32, #tpu.memory_space<vmem>>, vector<16xi32>,
        %get3A_968 = arith.constant 32 : index
        %get3A_969 = tpu.vector_load %arg6[%get3A_968] {strides = array<i32>} : memref<768xi32, #tpu.memory_space<vmem>>, vector<16xi32>,
        %get3A_970 = vector.shape_cast %get3A_969 : vector<16xi32> to vector<16xi32>
        %add3A_971 = arith.addi %get3A_970, %broadcast_in_dim3A : vector<16xi32>
        %swap3A_972 = arith.constant 32 : index
        %swap3A_973 = tpu.vector_load %arg6[%swap3A_972] {strides = array<i32>} : memref<768xi32, #tpu.memory_space<vmem>>, vector<16xi32>,
        %swap3A_974 = vector.shape_cast %swap3A_973 : vector<16xi32> to vector<16xi32>
        %swap3A_975 = vector.shape_cast %add3A_971 : vector<16xi32> to vector<16xi32>
        tpu.vector_store %arg6[%swap3A_972], %swap3A_975 {strides = array<i32>} : memref<768xi32, #tpu.memory_space<vmem>>, vector<16xi32>,
        %get3A_976 = arith.constant 48 : index
        %get3A_977 = tpu.vector_load %arg6[%get3A_976] {strides = array<i32>} : memref<768xi32, #tpu.memory_space<vmem>>, vector<16xi32>,
        %get3A_978 = vector.shape_cast %get3A_977 : vector<16xi32> to vector<16xi32>
        %add3A_979 = arith.addi %get3A_978, %broadcast_in_dim3A : vector<16xi32>
        %swap3A_980 = arith.constant 48 : index
        %swap3A_981 = tpu.vector_load %arg6[%swap3A_980] {strides = array<i32>} : memref<768xi32, #tpu.memory_space<vmem>>, vector<16xi32>,
        %swap3A_982 = vector.shape_cast %swap3A_981 : vector<16xi32> to vector<16xi32>
        %swap3A_983 = vector.shape_cast %add3A_979 : vector<16xi32> to vector<16xi32>
        tpu.vector_store %arg6[%swap3A_980], %swap3A_983 {strides = array<i32>} : memref<768xi32, #tpu.memory_space<vmem>>, vector<16xi32>,
        %get3A_984 = arith.constant 64 : index
        %get3A_985 = tpu.vector_load %arg6[%get3A_984] {strides = array<i32>} : memref<768xi32, #tpu.memory_space<vmem>>, vector<16xi32>,
        %get3A_986 = vector.shape_cast %get3A_985 : vector<16xi32> to vector<16xi32>
        %add3A_987 = arith.addi %get3A_986, %broadcast_in_dim3A : vector<16xi32>
        %swap3A_988 = arith.constant 64 : index
        %swap3A_989 = tpu.vector_load %arg6[%swap3A_988] {strides = array<i32>} : memref<768xi32, #tpu.memory_space<vmem>>, vector<16xi32>,
        %swap3A_990 = vector.shape_cast %swap3A_989 : vector<16xi32> to vector<16xi32>
        %swap3A_991 = vector.shape_cast %add3A_987 : vector<16xi32> to vector<16xi32>
        tpu.vector_store %arg6[%swap3A_988], %swap3A_991 {strides = array<i32>} : memref<768xi32, #tpu.memory_space<vmem>>, vector<16xi32>,
        %get3A_992 = arith.constant 80 : index
        %get3A_993 = tpu.vector_load %arg6[%get3A_992] {strides = array<i32>} : memref<768xi32, #tpu.memory_space<vmem>>, vector<16xi32>,
        %get3A_994 = vector.shape_cast %get3A_993 : vector<16xi32> to vector<16xi32>
        %add3A_995 = arith.addi %get3A_994, %broadcast_in_dim3A : vector<16xi32>
        %swap3A_996 = arith.constant 80 : index
        %swap3A_997 = tpu.vector_load %arg6[%swap3A_996] {strides = array<i32>} : memref<768xi32, #tpu.memory_space<vmem>>, vector<16xi32>,
        %swap3A_998 = vector.shape_cast %swap3A_997 : vector<16xi32> to vector<16xi32>
        %swap3A_999 = vector.shape_cast %add3A_995 : vector<16xi32> to vector<16xi32>
        tpu.vector_store %arg6[%swap3A_996], %swap3A_999 {strides = array<i32>} : memref<768xi32, #tpu.memory_space<vmem>>, vector<16xi32>,
        %get3A_1000 = arith.constant 96 : index
        %get3A_1001 = tpu.vector_load %arg6[%get3A_1000] {strides = array<i32>} : memref<768xi32, #tpu.memory_space<vmem>>, vector<16xi32>,
        %get3A_1002 = vector.shape_cast %get3A_1001 : vector<16xi32> to vector<16xi32>
        %add3A_1003 = arith.addi %get3A_1002, %broadcast_in_dim3A : vector<16xi32>
        %swap3A_1004 = arith.constant 96 : index
        %swap3A_1005 = tpu.vector_load %arg6[%swap3A_1004] {strides = array<i32>} : memref<768xi32, #tpu.memory_space<vmem>>, vector<16xi32>,
        %swap3A_1006 = vector.shape_cast %swap3A_1005 : vector<16xi32> to vector<16xi32>
        %swap3A_1007 = vector.shape_cast %add3A_1003 : vector<16xi32> to vector<16xi32>
        tpu.vector_store %arg6[%swap3A_1004], %swap3A_1007 {strides = array<i32>} : memref<768xi32, #tpu.memory_space<vmem>>, vector<16xi32>,
        %get3A_1008 = arith.constant 112 : index
        %get3A_1009 = tpu.vector_load %arg6[%get3A_1008] {strides = array<i32>} : memref<768xi32, #tpu.memory_space<vmem>>, vector<16xi32>,
        %get3A_1010 = vector.shape_cast %get3A_1009 : vector<16xi32> to vector<16xi32>
        %add3A_1011 = arith.addi %get3A_1010, %broadcast_in_dim3A : vector<16xi32>
        %swap3A_1012 = arith.constant 112 : index
        %swap3A_1013 = tpu.vector_load %arg6[%swap3A_1012] {strides = array<i32>} : memref<768xi32, #tpu.memory_space<vmem>>, vector<16xi32>,
        %swap3A_1014 = vector.shape_cast %swap3A_1013 : vector<16xi32> to vector<16xi32>
        %swap3A_1015 = vector.shape_cast %add3A_1011 : vector<16xi32> to vector<16xi32>
        tpu.vector_store %arg6[%swap3A_1012], %swap3A_1015 {strides = array<i32>} : memref<768xi32, #tpu.memory_space<vmem>>, vector<16xi32>,
        %get3A_1016 = arith.constant 128 : index
        %get3A_1017 = tpu.vector_load %arg6[%get3A_1016] {strides = array<i32>} : memref<768xi32, #tpu.memory_space<vmem>>, vector<16xi32>,
        %get3A_1018 = vector.shape_cast %get3A_1017 : vector<16xi32> to vector<16xi32>
        %add3A_1019 = arith.addi %get3A_1018, %broadcast_in_dim3A : vector<16xi32>
        %swap3A_1020 = arith.constant 128 : index
        %swap3A_1021 = tpu.vector_load %arg6[%swap3A_1020] {strides = array<i32>} : memref<768xi32, #tpu.memory_space<vmem>>, vector<16xi32>,
        %swap3A_1022 = vector.shape_cast %swap3A_1021 : vector<16xi32> to vector<16xi32>
        %swap3A_1023 = vector.shape_cast %add3A_1019 : vector<16xi32> to vector<16xi32>
        tpu.vector_store %arg6[%swap3A_1020], %swap3A_1023 {strides = array<i32>} : memref<768xi32, #tpu.memory_space<vmem>>, vector<16xi32>,
        %get3A_1024 = arith.constant 144 : index
        %get3A_1025 = tpu.vector_load %arg6[%get3A_1024] {strides = array<i32>} : memref<768xi32, #tpu.memory_space<vmem>>, vector<16xi32>,
        %get3A_1026 = vector.shape_cast %get3A_1025 : vector<16xi32> to vector<16xi32>
        %add3A_1027 = arith.addi %get3A_1026, %broadcast_in_dim3A : vector<16xi32>
        %swap3A_1028 = arith.constant 144 : index
        %swap3A_1029 = tpu.vector_load %arg6[%swap3A_1028] {strides = array<i32>} : memref<768xi32, #tpu.memory_space<vmem>>, vector<16xi32>,
        %swap3A_1030 = vector.shape_cast %swap3A_1029 : vector<16xi32> to vector<16xi32>
        %swap3A_1031 = vector.shape_cast %add3A_1027 : vector<16xi32> to vector<16xi32>
        tpu.vector_store %arg6[%swap3A_1028], %swap3A_1031 {strides = array<i32>} : memref<768xi32, #tpu.memory_space<vmem>>, vector<16xi32>,
        %get3A_1032 = arith.constant 160 : index
        %get3A_1033 = tpu.vector_load %arg6[%get3A_1032] {strides = array<i32>} : memref<768xi32, #tpu.memory_space<vmem>>, vector<16xi32>,
        %get3A_1034 = vector.shape_cast %get3A_1033 : vector<16xi32> to vector<16xi32>
        %add3A_1035 = arith.addi %get3A_1034, %broadcast_in_dim3A : vector<16xi32>
        %swap3A_1036 = arith.constant 160 : index
        %swap3A_1037 = tpu.vector_load %arg6[%swap3A_1036] {strides = array<i32>} : memref<768xi32, #tpu.memory_space<vmem>>, vector<16xi32>,
        %swap3A_1038 = vector.shape_cast %swap3A_1037 : vector<16xi32> to vector<16xi32>
        %swap3A_1039 = vector.shape_cast %add3A_1035 : vector<16xi32> to vector<16xi32>
        tpu.vector_store %arg6[%swap3A_1036], %swap3A_1039 {strides = array<i32>} : memref<768xi32, #tpu.memory_space<vmem>>, vector<16xi32>,
        %get3A_1040 = arith.constant 176 : index
        %get3A_1041 = tpu.vector_load %arg6[%get3A_1040] {strides = array<i32>} : memref<768xi32, #tpu.memory_space<vmem>>, vector<16xi32>,
        %get3A_1042 = vector.shape_cast %get3A_1041 : vector<16xi32> to vector<16xi32>
        %add3A_1043 = arith.addi %get3A_1042, %broadcast_in_dim3A : vector<16xi32>
        %swap3A_1044 = arith.constant 176 : index
        %swap3A_1045 = tpu.vector_load %arg6[%swap3A_1044] {strides = array<i32>} : memref<768xi32, #tpu.memory_space<vmem>>, vector<16xi32>,
        %swap3A_1046 = vector.shape_cast %swap3A_1045 : vector<16xi32> to vector<16xi32>
        %swap3A_1047 = vector.shape_cast %add3A_1043 : vector<16xi32> to vector<16xi32>
        tpu.vector_store %arg6[%swap3A_1044], %swap3A_1047 {strides = array<i32>} : memref<768xi32, #tpu.memory_space<vmem>>, vector<16xi32>,
        %get3A_1048 = arith.constant 192 : index
        %get3A_1049 = tpu.vector_load %arg6[%get3A_1048] {strides = array<i32>} : memref<768xi32, #tpu.memory_space<vmem>>, vector<16xi32>,
        %get3A_1050 = vector.shape_cast %get3A_1049 : vector<16xi32> to vector<16xi32>
        %add3A_1051 = arith.addi %get3A_1050, %broadcast_in_dim3A : vector<16xi32>
        %swap3A_1052 = arith.constant 192 : index
        %swap3A_1053 = tpu.vector_load %arg6[%swap3A_1052] {strides = array<i32>} : memref<768xi32, #tpu.memory_space<vmem>>, vector<16xi32>,
        %swap3A_1054 = vector.shape_cast %swap3A_1053 : vector<16xi32> to vector<16xi32>
        %swap3A_1055 = vector.shape_cast %add3A_1051 : vector<16xi32> to vector<16xi32>
        tpu.vector_store %arg6[%swap3A_1052], %swap3A_1055 {strides = array<i32>} : memref<768xi32, #tpu.memory_space<vmem>>, vector<16xi32>,
        %get3A_1056 = arith.constant 208 : index
        %get3A_1057 = tpu.vector_load %arg6[%get3A_1056] {strides = array<i32>} : memref<768xi32, #tpu.memory_space<vmem>>, vector<16xi32>,
        %get3A_1058 = vector.shape_cast %get3A_1057 : vector<16xi32> to vector<16xi32>
        %add3A_1059 = arith.addi %get3A_1058, %broadcast_in_dim3A : vector<16xi32>
        %swap3A_1060 = arith.constant 208 : index
        %swap3A_1061 = tpu.vector_load %arg6[%swap3A_1060] {strides = array<i32>} : memref<768xi32, #tpu.memory_space<vmem>>, vector<16xi32>,
        %swap3A_1062 = vector.shape_cast %swap3A_1061 : vector<16xi32> to vector<16xi32>
        %swap3A_1063 = vector.shape_cast %add3A_1059 : vector<16xi32> to vector<16xi32>
        tpu.vector_store %arg6[%swap3A_1060], %swap3A_1063 {strides = array<i32>} : memref<768xi32, #tpu.memory_space<vmem>>, vector<16xi32>,
        %get3A_1064 = arith.constant 224 : index
        %get3A_1065 = tpu.vector_load %arg6[%get3A_1064] {strides = array<i32>} : memref<768xi32, #tpu.memory_space<vmem>>, vector<16xi32>,
        %get3A_1066 = vector.shape_cast %get3A_1065 : vector<16xi32> to vector<16xi32>
        %add3A_1067 = arith.addi %get3A_1066, %broadcast_in_dim3A : vector<16xi32>
        %swap3A_1068 = arith.constant 224 : index
        %swap3A_1069 = tpu.vector_load %arg6[%swap3A_1068] {strides = array<i32>} : memref<768xi32, #tpu.memory_space<vmem>>, vector<16xi32>,
        %swap3A_1070 = vector.shape_cast %swap3A_1069 : vector<16xi32> to vector<16xi32>
        %swap3A_1071 = vector.shape_cast %add3A_1067 : vector<16xi32> to vector<16xi32>
        tpu.vector_store %arg6[%swap3A_1068], %swap3A_1071 {strides = array<i32>} : memref<768xi32, #tpu.memory_space<vmem>>, vector<16xi32>,
        %get3A_1072 = arith.constant 240 : index
        %get3A_1073 = tpu.vector_load %arg6[%get3A_1072] {strides = array<i32>} : memref<768xi32, #tpu.memory_space<vmem>>, vector<16xi32>,
        %get3A_1074 = vector.shape_cast %get3A_1073 : vector<16xi32> to vector<16xi32>
        %add3A_1075 = arith.addi %get3A_1074, %broadcast_in_dim3A : vector<16xi32>
        %swap3A_1076 = arith.constant 240 : index
        %swap3A_1077 = tpu.vector_load %arg6[%swap3A_1076] {strides = array<i32>} : memref<768xi32, #tpu.memory_space<vmem>>, vector<16xi32>,
        %swap3A_1078 = vector.shape_cast %swap3A_1077 : vector<16xi32> to vector<16xi32>
        %swap3A_1079 = vector.shape_cast %add3A_1075 : vector<16xi32> to vector<16xi32>
        tpu.vector_store %arg6[%swap3A_1076], %swap3A_1079 {strides = array<i32>} : memref<768xi32, #tpu.memory_space<vmem>>, vector<16xi32>,
        %get3A_1080 = arith.constant 256 : index
        %get3A_1081 = tpu.vector_load %arg6[%get3A_1080] {strides = array<i32>} : memref<768xi32, #tpu.memory_space<vmem>>, vector<16xi32>,
        %get3A_1082 = vector.shape_cast %get3A_1081 : vector<16xi32> to vector<16xi32>
        %add3A_1083 = arith.addi %get3A_1082, %broadcast_in_dim3A : vector<16xi32>
        %swap3A_1084 = arith.constant 256 : index
        %swap3A_1085 = tpu.vector_load %arg6[%swap3A_1084] {strides = array<i32>} : memref<768xi32, #tpu.memory_space<vmem>>, vector<16xi32>,
        %swap3A_1086 = vector.shape_cast %swap3A_1085 : vector<16xi32> to vector<16xi32>
        %swap3A_1087 = vector.shape_cast %add3A_1083 : vector<16xi32> to vector<16xi32>
        tpu.vector_store %arg6[%swap3A_1084], %swap3A_1087 {strides = array<i32>} : memref<768xi32, #tpu.memory_space<vmem>>, vector<16xi32>,
        %get3A_1088 = arith.constant 272 : index
        %get3A_1089 = tpu.vector_load %arg6[%get3A_1088] {strides = array<i32>} : memref<768xi32, #tpu.memory_space<vmem>>, vector<16xi32>,
        %get3A_1090 = vector.shape_cast %get3A_1089 : vector<16xi32> to vector<16xi32>
        %add3A_1091 = arith.addi %get3A_1090, %broadcast_in_dim3A : vector<16xi32>
        %swap3A_1092 = arith.constant 272 : index
        %swap3A_1093 = tpu.vector_load %arg6[%swap3A_1092] {strides = array<i32>} : memref<768xi32, #tpu.memory_space<vmem>>, vector<16xi32>,
        %swap3A_1094 = vector.shape_cast %swap3A_1093 : vector<16xi32> to vector<16xi32>
        %swap3A_1095 = vector.shape_cast %add3A_1091 : vector<16xi32> to vector<16xi32>
        tpu.vector_store %arg6[%swap3A_1092], %swap3A_1095 {strides = array<i32>} : memref<768xi32, #tpu.memory_space<vmem>>, vector<16xi32>,
        %get3A_1096 = arith.constant 288 : index
        %get3A_1097 = tpu.vector_load %arg6[%get3A_1096] {strides = array<i32>} : memref<768xi32, #tpu.memory_space<vmem>>, vector<16xi32>,
        %get3A_1098 = vector.shape_cast %get3A_1097 : vector<16xi32> to vector<16xi32>
        %add3A_1099 = arith.addi %get3A_1098, %broadcast_in_dim3A : vector<16xi32>
        %swap3A_1100 = arith.constant 288 : index
        %swap3A_1101 = tpu.vector_load %arg6[%swap3A_1100] {strides = array<i32>} : memref<768xi32, #tpu.memory_space<vmem>>, vector<16xi32>,
        %swap3A_1102 = vector.shape_cast %swap3A_1101 : vector<16xi32> to vector<16xi32>
        %swap3A_1103 = vector.shape_cast %add3A_1099 : vector<16xi32> to vector<16xi32>
        tpu.vector_store %arg6[%swap3A_1100], %swap3A_1103 {strides = array<i32>} : memref<768xi32, #tpu.memory_space<vmem>>, vector<16xi32>,
        %get3A_1104 = arith.constant 304 : index
        %get3A_1105 = tpu.vector_load %arg6[%get3A_1104] {strides = array<i32>} : memref<768xi32, #tpu.memory_space<vmem>>, vector<16xi32>,
        %get3A_1106 = vector.shape_cast %get3A_1105 : vector<16xi32> to vector<16xi32>
        %add3A_1107 = arith.addi %get3A_1106, %broadcast_in_dim3A : vector<16xi32>
        %swap3A_1108 = arith.constant 304 : index
        %swap3A_1109 = tpu.vector_load %arg6[%swap3A_1108] {strides = array<i32>} : memref<768xi32, #tpu.memory_space<vmem>>, vector<16xi32>,
        %swap3A_1110 = vector.shape_cast %swap3A_1109 : vector<16xi32> to vector<16xi32>
        %swap3A_1111 = vector.shape_cast %add3A_1107 : vector<16xi32> to vector<16xi32>
        tpu.vector_store %arg6[%swap3A_1108], %swap3A_1111 {strides = array<i32>} : memref<768xi32, #tpu.memory_space<vmem>>, vector<16xi32>,
        %get3A_1112 = arith.constant 320 : index
        %get3A_1113 = tpu.vector_load %arg6[%get3A_1112] {strides = array<i32>} : memref<768xi32, #tpu.memory_space<vmem>>, vector<16xi32>,
        %get3A_1114 = vector.shape_cast %get3A_1113 : vector<16xi32> to vector<16xi32>
        %add3A_1115 = arith.addi %get3A_1114, %broadcast_in_dim3A : vector<16xi32>
        %swap3A_1116 = arith.constant 320 : index
        %swap3A_1117 = tpu.vector_load %arg6[%swap3A_1116] {strides = array<i32>} : memref<768xi32, #tpu.memory_space<vmem>>, vector<16xi32>,
        %swap3A_1118 = vector.shape_cast %swap3A_1117 : vector<16xi32> to vector<16xi32>
        %swap3A_1119 = vector.shape_cast %add3A_1115 : vector<16xi32> to vector<16xi32>
        tpu.vector_store %arg6[%swap3A_1116], %swap3A_1119 {strides = array<i32>} : memref<768xi32, #tpu.memory_space<vmem>>, vector<16xi32>,
        %get3A_1120 = arith.constant 336 : index
        %get3A_1121 = tpu.vector_load %arg6[%get3A_1120] {strides = array<i32>} : memref<768xi32, #tpu.memory_space<vmem>>, vector<16xi32>,
        %get3A_1122 = vector.shape_cast %get3A_1121 : vector<16xi32> to vector<16xi32>
        %add3A_1123 = arith.addi %get3A_1122, %broadcast_in_dim3A : vector<16xi32>
        %swap3A_1124 = arith.constant 336 : index
        %swap3A_1125 = tpu.vector_load %arg6[%swap3A_1124] {strides = array<i32>} : memref<768xi32, #tpu.memory_space<vmem>>, vector<16xi32>,
        %swap3A_1126 = vector.shape_cast %swap3A_1125 : vector<16xi32> to vector<16xi32>
        %swap3A_1127 = vector.shape_cast %add3A_1123 : vector<16xi32> to vector<16xi32>
        tpu.vector_store %arg6[%swap3A_1124], %swap3A_1127 {strides = array<i32>} : memref<768xi32, #tpu.memory_space<vmem>>, vector<16xi32>,
        %get3A_1128 = arith.constant 352 : index
        %get3A_1129 = tpu.vector_load %arg6[%get3A_1128] {strides = array<i32>} : memref<768xi32, #tpu.memory_space<vmem>>, vector<16xi32>,
        %get3A_1130 = vector.shape_cast %get3A_1129 : vector<16xi32> to vector<16xi32>
        %add3A_1131 = arith.addi %get3A_1130, %broadcast_in_dim3A : vector<16xi32>
        %swap3A_1132 = arith.constant 352 : index
        %swap3A_1133 = tpu.vector_load %arg6[%swap3A_1132] {strides = array<i32>} : memref<768xi32, #tpu.memory_space<vmem>>, vector<16xi32>,
        %swap3A_1134 = vector.shape_cast %swap3A_1133 : vector<16xi32> to vector<16xi32>
        %swap3A_1135 = vector.shape_cast %add3A_1131 : vector<16xi32> to vector<16xi32>
        tpu.vector_store %arg6[%swap3A_1132], %swap3A_1135 {strides = array<i32>} : memref<768xi32, #tpu.memory_space<vmem>>, vector<16xi32>,
        %get3A_1136 = arith.constant 368 : index
        %get3A_1137 = tpu.vector_load %arg6[%get3A_1136] {strides = array<i32>} : memref<768xi32, #tpu.memory_space<vmem>>, vector<16xi32>,
        %get3A_1138 = vector.shape_cast %get3A_1137 : vector<16xi32> to vector<16xi32>
        %add3A_1139 = arith.addi %get3A_1138, %broadcast_in_dim3A : vector<16xi32>
        %swap3A_1140 = arith.constant 368 : index
        %swap3A_1141 = tpu.vector_load %arg6[%swap3A_1140] {strides = array<i32>} : memref<768xi32, #tpu.memory_space<vmem>>, vector<16xi32>,
        %swap3A_1142 = vector.shape_cast %swap3A_1141 : vector<16xi32> to vector<16xi32>
        %swap3A_1143 = vector.shape_cast %add3A_1139 : vector<16xi32> to vector<16xi32>
        tpu.vector_store %arg6[%swap3A_1140], %swap3A_1143 {strides = array<i32>} : memref<768xi32, #tpu.memory_space<vmem>>, vector<16xi32>,
        %get3A_1144 = arith.constant 384 : index
        %get3A_1145 = tpu.vector_load %arg6[%get3A_1144] {strides = array<i32>} : memref<768xi32, #tpu.memory_space<vmem>>, vector<16xi32>,
        %get3A_1146 = vector.shape_cast %get3A_1145 : vector<16xi32> to vector<16xi32>
        %add3A_1147 = arith.addi %get3A_1146, %broadcast_in_dim3A : vector<16xi32>
        %swap3A_1148 = arith.constant 384 : index
        %swap3A_1149 = tpu.vector_load %arg6[%swap3A_1148] {strides = array<i32>} : memref<768xi32, #tpu.memory_space<vmem>>, vector<16xi32>,
        %swap3A_1150 = vector.shape_cast %swap3A_1149 : vector<16xi32> to vector<16xi32>
        %swap3A_1151 = vector.shape_cast %add3A_1147 : vector<16xi32> to vector<16xi32>
        tpu.vector_store %arg6[%swap3A_1148], %swap3A_1151 {strides = array<i32>} : memref<768xi32, #tpu.memory_space<vmem>>, vector<16xi32>,
        %get3A_1152 = arith.constant 400 : index
        %get3A_1153 = tpu.vector_load %arg6[%get3A_1152] {strides = array<i32>} : memref<768xi32, #tpu.memory_space<vmem>>, vector<16xi32>,
        %get3A_1154 = vector.shape_cast %get3A_1153 : vector<16xi32> to vector<16xi32>
        %add3A_1155 = arith.addi %get3A_1154, %broadcast_in_dim3A : vector<16xi32>
        %swap3A_1156 = arith.constant 400 : index
        %swap3A_1157 = tpu.vector_load %arg6[%swap3A_1156] {strides = array<i32>} : memref<768xi32, #tpu.memory_space<vmem>>, vector<16xi32>,
        %swap3A_1158 = vector.shape_cast %swap3A_1157 : vector<16xi32> to vector<16xi32>
        %swap3A_1159 = vector.shape_cast %add3A_1155 : vector<16xi32> to vector<16xi32>
        tpu.vector_store %arg6[%swap3A_1156], %swap3A_1159 {strides = array<i32>} : memref<768xi32, #tpu.memory_space<vmem>>, vector<16xi32>,
        %get3A_1160 = arith.constant 416 : index
        %get3A_1161 = tpu.vector_load %arg6[%get3A_1160] {strides = array<i32>} : memref<768xi32, #tpu.memory_space<vmem>>, vector<16xi32>,
        %get3A_1162 = vector.shape_cast %get3A_1161 : vector<16xi32> to vector<16xi32>
        %add3A_1163 = arith.addi %get3A_1162, %broadcast_in_dim3A : vector<16xi32>
        %swap3A_1164 = arith.constant 416 : index
        %swap3A_1165 = tpu.vector_load %arg6[%swap3A_1164] {strides = array<i32>} : memref<768xi32, #tpu.memory_space<vmem>>, vector<16xi32>,
        %swap3A_1166 = vector.shape_cast %swap3A_1165 : vector<16xi32> to vector<16xi32>
        %swap3A_1167 = vector.shape_cast %add3A_1163 : vector<16xi32> to vector<16xi32>
        tpu.vector_store %arg6[%swap3A_1164], %swap3A_1167 {strides = array<i32>} : memref<768xi32, #tpu.memory_space<vmem>>, vector<16xi32>,
        %get3A_1168 = arith.constant 432 : index
        %get3A_1169 = tpu.vector_load %arg6[%get3A_1168] {strides = array<i32>} : memref<768xi32, #tpu.memory_space<vmem>>, vector<16xi32>,
        %get3A_1170 = vector.shape_cast %get3A_1169 : vector<16xi32> to vector<16xi32>
        %add3A_1171 = arith.addi %get3A_1170, %broadcast_in_dim3A : vector<16xi32>
        %swap3A_1172 = arith.constant 432 : index
        %swap3A_1173 = tpu.vector_load %arg6[%swap3A_1172] {strides = array<i32>} : memref<768xi32, #tpu.memory_space<vmem>>, vector<16xi32>,
        %swap3A_1174 = vector.shape_cast %swap3A_1173 : vector<16xi32> to vector<16xi32>
        %swap3A_1175 = vector.shape_cast %add3A_1171 : vector<16xi32> to vector<16xi32>
        tpu.vector_store %arg6[%swap3A_1172], %swap3A_1175 {strides = array<i32>} : memref<768xi32, #tpu.memory_space<vmem>>, vector<16xi32>,
        %get3A_1176 = arith.constant 448 : index
        %get3A_1177 = tpu.vector_load %arg6[%get3A_1176] {strides = array<i32>} : memref<768xi32, #tpu.memory_space<vmem>>, vector<16xi32>,
        %get3A_1178 = vector.shape_cast %get3A_1177 : vector<16xi32> to vector<16xi32>
        %add3A_1179 = arith.addi %get3A_1178, %broadcast_in_dim3A : vector<16xi32>
        %swap3A_1180 = arith.constant 448 : index
        %swap3A_1181 = tpu.vector_load %arg6[%swap3A_1180] {strides = array<i32>} : memref<768xi32, #tpu.memory_space<vmem>>, vector<16xi32>,
        %swap3A_1182 = vector.shape_cast %swap3A_1181 : vector<16xi32> to vector<16xi32>
        %swap3A_1183 = vector.shape_cast %add3A_1179 : vector<16xi32> to vector<16xi32>
        tpu.vector_store %arg6[%swap3A_1180], %swap3A_1183 {strides = array<i32>} : memref<768xi32, #tpu.memory_space<vmem>>, vector<16xi32>,
        %get3A_1184 = arith.constant 464 : index
        %get3A_1185 = tpu.vector_load %arg6[%get3A_1184] {strides = array<i32>} : memref<768xi32, #tpu.memory_space<vmem>>, vector<16xi32>,
        %get3A_1186 = vector.shape_cast %get3A_1185 : vector<16xi32> to vector<16xi32>
        %add3A_1187 = arith.addi %get3A_1186, %broadcast_in_dim3A : vector<16xi32>
        %swap3A_1188 = arith.constant 464 : index
        %swap3A_1189 = tpu.vector_load %arg6[%swap3A_1188] {strides = array<i32>} : memref<768xi32, #tpu.memory_space<vmem>>, vector<16xi32>,
        %swap3A_1190 = vector.shape_cast %swap3A_1189 : vector<16xi32> to vector<16xi32>
        %swap3A_1191 = vector.shape_cast %add3A_1187 : vector<16xi32> to vector<16xi32>
        tpu.vector_store %arg6[%swap3A_1188], %swap3A_1191 {strides = array<i32>} : memref<768xi32, #tpu.memory_space<vmem>>, vector<16xi32>,
        %get3A_1192 = arith.constant 480 : index
        %get3A_1193 = tpu.vector_load %arg6[%get3A_1192] {strides = array<i32>} : memref<768xi32, #tpu.memory_space<vmem>>, vector<16xi32>,
        %get3A_1194 = vector.shape_cast %get3A_1193 : vector<16xi32> to vector<16xi32>
        %add3A_1195 = arith.addi %get3A_1194, %broadcast_in_dim3A : vector<16xi32>
        %swap3A_1196 = arith.constant 480 : index
        %swap3A_1197 = tpu.vector_load %arg6[%swap3A_1196] {strides = array<i32>} : memref<768xi32, #tpu.memory_space<vmem>>, vector<16xi32>,
        %swap3A_1198 = vector.shape_cast %swap3A_1197 : vector<16xi32> to vector<16xi32>
        %swap3A_1199 = vector.shape_cast %add3A_1195 : vector<16xi32> to vector<16xi32>
        tpu.vector_store %arg6[%swap3A_1196], %swap3A_1199 {strides = array<i32>} : memref<768xi32, #tpu.memory_space<vmem>>, vector<16xi32>,
        %get3A_1200 = arith.constant 496 : index
        %get3A_1201 = tpu.vector_load %arg6[%get3A_1200] {strides = array<i32>} : memref<768xi32, #tpu.memory_space<vmem>>, vector<16xi32>,
        %get3A_1202 = vector.shape_cast %get3A_1201 : vector<16xi32> to vector<16xi32>
        %add3A_1203 = arith.addi %get3A_1202, %broadcast_in_dim3A : vector<16xi32>
        %swap3A_1204 = arith.constant 496 : index
        %swap3A_1205 = tpu.vector_load %arg6[%swap3A_1204] {strides = array<i32>} : memref<768xi32, #tpu.memory_space<vmem>>, vector<16xi32>,
        %swap3A_1206 = vector.shape_cast %swap3A_1205 : vector<16xi32> to vector<16xi32>
        %swap3A_1207 = vector.shape_cast %add3A_1203 : vector<16xi32> to vector<16xi32>
        tpu.vector_store %arg6[%swap3A_1204], %swap3A_1207 {strides = array<i32>} : memref<768xi32, #tpu.memory_space<vmem>>, vector<16xi32>,
        %get3A_1208 = arith.constant 512 : index
        %get3A_1209 = tpu.vector_load %arg6[%get3A_1208] {strides = array<i32>} : memref<768xi32, #tpu.memory_space<vmem>>, vector<16xi32>,
        %get3A_1210 = vector.shape_cast %get3A_1209 : vector<16xi32> to vector<16xi32>
        %add3A_1211 = arith.addi %get3A_1210, %broadcast_in_dim3A : vector<16xi32>
        %swap3A_1212 = arith.constant 512 : index
        %swap3A_1213 = tpu.vector_load %arg6[%swap3A_1212] {strides = array<i32>} : memref<768xi32, #tpu.memory_space<vmem>>, vector<16xi32>,
        %swap3A_1214 = vector.shape_cast %swap3A_1213 : vector<16xi32> to vector<16xi32>
        %swap3A_1215 = vector.shape_cast %add3A_1211 : vector<16xi32> to vector<16xi32>
        tpu.vector_store %arg6[%swap3A_1212], %swap3A_1215 {strides = array<i32>} : memref<768xi32, #tpu.memory_space<vmem>>, vector<16xi32>,
        %get3A_1216 = arith.constant 528 : index
        %get3A_1217 = tpu.vector_load %arg6[%get3A_1216] {strides = array<i32>} : memref<768xi32, #tpu.memory_space<vmem>>, vector<16xi32>,
        %get3A_1218 = vector.shape_cast %get3A_1217 : vector<16xi32> to vector<16xi32>
        %add3A_1219 = arith.addi %get3A_1218, %broadcast_in_dim3A : vector<16xi32>
        %swap3A_1220 = arith.constant 528 : index
        %swap3A_1221 = tpu.vector_load %arg6[%swap3A_1220] {strides = array<i32>} : memref<768xi32, #tpu.memory_space<vmem>>, vector<16xi32>,
        %swap3A_1222 = vector.shape_cast %swap3A_1221 : vector<16xi32> to vector<16xi32>
        %swap3A_1223 = vector.shape_cast %add3A_1219 : vector<16xi32> to vector<16xi32>
        tpu.vector_store %arg6[%swap3A_1220], %swap3A_1223 {strides = array<i32>} : memref<768xi32, #tpu.memory_space<vmem>>, vector<16xi32>,
        %get3A_1224 = arith.constant 544 : index
        %get3A_1225 = tpu.vector_load %arg6[%get3A_1224] {strides = array<i32>} : memref<768xi32, #tpu.memory_space<vmem>>, vector<16xi32>,
        %get3A_1226 = vector.shape_cast %get3A_1225 : vector<16xi32> to vector<16xi32>
        %add3A_1227 = arith.addi %get3A_1226, %broadcast_in_dim3A : vector<16xi32>
        %swap3A_1228 = arith.constant 544 : index
        %swap3A_1229 = tpu.vector_load %arg6[%swap3A_1228] {strides = array<i32>} : memref<768xi32, #tpu.memory_space<vmem>>, vector<16xi32>,
        %swap3A_1230 = vector.shape_cast %swap3A_1229 : vector<16xi32> to vector<16xi32>
        %swap3A_1231 = vector.shape_cast %add3A_1227 : vector<16xi32> to vector<16xi32>
        tpu.vector_store %arg6[%swap3A_1228], %swap3A_1231 {strides = array<i32>} : memref<768xi32, #tpu.memory_space<vmem>>, vector<16xi32>,
        %get3A_1232 = arith.constant 560 : index
        %get3A_1233 = tpu.vector_load %arg6[%get3A_1232] {strides = array<i32>} : memref<768xi32, #tpu.memory_space<vmem>>, vector<16xi32>,
        %get3A_1234 = vector.shape_cast %get3A_1233 : vector<16xi32> to vector<16xi32>
        %add3A_1235 = arith.addi %get3A_1234, %broadcast_in_dim3A : vector<16xi32>
        %swap3A_1236 = arith.constant 560 : index
        %swap3A_1237 = tpu.vector_load %arg6[%swap3A_1236] {strides = array<i32>} : memref<768xi32, #tpu.memory_space<vmem>>, vector<16xi32>,
        %swap3A_1238 = vector.shape_cast %swap3A_1237 : vector<16xi32> to vector<16xi32>
        %swap3A_1239 = vector.shape_cast %add3A_1235 : vector<16xi32> to vector<16xi32>
        tpu.vector_store %arg6[%swap3A_1236], %swap3A_1239 {strides = array<i32>} : memref<768xi32, #tpu.memory_space<vmem>>, vector<16xi32>,
        %get3A_1240 = arith.constant 576 : index
        %get3A_1241 = tpu.vector_load %arg6[%get3A_1240] {strides = array<i32>} : memref<768xi32, #tpu.memory_space<vmem>>, vector<16xi32>,
        %get3A_1242 = vector.shape_cast %get3A_1241 : vector<16xi32> to vector<16xi32>
        %add3A_1243 = arith.addi %get3A_1242, %broadcast_in_dim3A : vector<16xi32>
        %swap3A_1244 = arith.constant 576 : index
        %swap3A_1245 = tpu.vector_load %arg6[%swap3A_1244] {strides = array<i32>} : memref<768xi32, #tpu.memory_space<vmem>>, vector<16xi32>,
        %swap3A_1246 = vector.shape_cast %swap3A_1245 : vector<16xi32> to vector<16xi32>
        %swap3A_1247 = vector.shape_cast %add3A_1243 : vector<16xi32> to vector<16xi32>
        tpu.vector_store %arg6[%swap3A_1244], %swap3A_1247 {strides = array<i32>} : memref<768xi32, #tpu.memory_space<vmem>>, vector<16xi32>,
        %get3A_1248 = arith.constant 592 : index
        %get3A_1249 = tpu.vector_load %arg6[%get3A_1248] {strides = array<i32>} : memref<768xi32, #tpu.memory_space<vmem>>, vector<16xi32>,
        %get3A_1250 = vector.shape_cast %get3A_1249 : vector<16xi32> to vector<16xi32>
        %add3A_1251 = arith.addi %get3A_1250, %broadcast_in_dim3A : vector<16xi32>
        %swap3A_1252 = arith.constant 592 : index
        %swap3A_1253 = tpu.vector_load %arg6[%swap3A_1252] {strides = array<i32>} : memref<768xi32, #tpu.memory_space<vmem>>, vector<16xi32>,
        %swap3A_1254 = vector.shape_cast %swap3A_1253 : vector<16xi32> to vector<16xi32>
        %swap3A_1255 = vector.shape_cast %add3A_1251 : vector<16xi32> to vector<16xi32>
        tpu.vector_store %arg6[%swap3A_1252], %swap3A_1255 {strides = array<i32>} : memref<768xi32, #tpu.memory_space<vmem>>, vector<16xi32>,
        %get3A_1256 = arith.constant 608 : index
        %get3A_1257 = tpu.vector_load %arg6[%get3A_1256] {strides = array<i32>} : memref<768xi32, #tpu.memory_space<vmem>>, vector<16xi32>,
        %get3A_1258 = vector.shape_cast %get3A_1257 : vector<16xi32> to vector<16xi32>
        %add3A_1259 = arith.addi %get3A_1258, %broadcast_in_dim3A : vector<16xi32>
        %swap3A_1260 = arith.constant 608 : index
        %swap3A_1261 = tpu.vector_load %arg6[%swap3A_1260] {strides = array<i32>} : memref<768xi32, #tpu.memory_space<vmem>>, vector<16xi32>,
        %swap3A_1262 = vector.shape_cast %swap3A_1261 : vector<16xi32> to vector<16xi32>
        %swap3A_1263 = vector.shape_cast %add3A_1259 : vector<16xi32> to vector<16xi32>
        tpu.vector_store %arg6[%swap3A_1260], %swap3A_1263 {strides = array<i32>} : memref<768xi32, #tpu.memory_space<vmem>>, vector<16xi32>,
        %get3A_1264 = arith.constant 624 : index
        %get3A_1265 = tpu.vector_load %arg6[%get3A_1264] {strides = array<i32>} : memref<768xi32, #tpu.memory_space<vmem>>, vector<16xi32>,
        %get3A_1266 = vector.shape_cast %get3A_1265 : vector<16xi32> to vector<16xi32>
        %add3A_1267 = arith.addi %get3A_1266, %broadcast_in_dim3A : vector<16xi32>
        %swap3A_1268 = arith.constant 624 : index
        %swap3A_1269 = tpu.vector_load %arg6[%swap3A_1268] {strides = array<i32>} : memref<768xi32, #tpu.memory_space<vmem>>, vector<16xi32>,
        %swap3A_1270 = vector.shape_cast %swap3A_1269 : vector<16xi32> to vector<16xi32>
        %swap3A_1271 = vector.shape_cast %add3A_1267 : vector<16xi32> to vector<16xi32>
        tpu.vector_store %arg6[%swap3A_1268], %swap3A_1271 {strides = array<i32>} : memref<768xi32, #tpu.memory_space<vmem>>, vector<16xi32>,
        %get3A_1272 = arith.constant 640 : index
        %get3A_1273 = tpu.vector_load %arg6[%get3A_1272] {strides = array<i32>} : memref<768xi32, #tpu.memory_space<vmem>>, vector<16xi32>,
        %get3A_1274 = vector.shape_cast %get3A_1273 : vector<16xi32> to vector<16xi32>
        %add3A_1275 = arith.addi %get3A_1274, %broadcast_in_dim3A : vector<16xi32>
        %swap3A_1276 = arith.constant 640 : index
        %swap3A_1277 = tpu.vector_load %arg6[%swap3A_1276] {strides = array<i32>} : memref<768xi32, #tpu.memory_space<vmem>>, vector<16xi32>,
        %swap3A_1278 = vector.shape_cast %swap3A_1277 : vector<16xi32> to vector<16xi32>
        %swap3A_1279 = vector.shape_cast %add3A_1275 : vector<16xi32> to vector<16xi32>
        tpu.vector_store %arg6[%swap3A_1276], %swap3A_1279 {strides = array<i32>} : memref<768xi32, #tpu.memory_space<vmem>>, vector<16xi32>,
        %get3A_1280 = arith.constant 656 : index
        %get3A_1281 = tpu.vector_load %arg6[%get3A_1280] {strides = array<i32>} : memref<768xi32, #tpu.memory_space<vmem>>, vector<16xi32>,
        %get3A_1282 = vector.shape_cast %get3A_1281 : vector<16xi32> to vector<16xi32>
        %add3A_1283 = arith.addi %get3A_1282, %broadcast_in_dim3A : vector<16xi32>
        %swap3A_1284 = arith.constant 656 : index
        %swap3A_1285 = tpu.vector_load %arg6[%swap3A_1284] {strides = array<i32>} : memref<768xi32, #tpu.memory_space<vmem>>, vector<16xi32>,
        %swap3A_1286 = vector.shape_cast %swap3A_1285 : vector<16xi32> to vector<16xi32>
        %swap3A_1287 = vector.shape_cast %add3A_1283 : vector<16xi32> to vector<16xi32>
        tpu.vector_store %arg6[%swap3A_1284], %swap3A_1287 {strides = array<i32>} : memref<768xi32, #tpu.memory_space<vmem>>, vector<16xi32>,
        %get3A_1288 = arith.constant 672 : index
        %get3A_1289 = tpu.vector_load %arg6[%get3A_1288] {strides = array<i32>} : memref<768xi32, #tpu.memory_space<vmem>>, vector<16xi32>,
        %get3A_1290 = vector.shape_cast %get3A_1289 : vector<16xi32> to vector<16xi32>
        %add3A_1291 = arith.addi %get3A_1290, %broadcast_in_dim3A : vector<16xi32>
        %swap3A_1292 = arith.constant 672 : index
        %swap3A_1293 = tpu.vector_load %arg6[%swap3A_1292] {strides = array<i32>} : memref<768xi32, #tpu.memory_space<vmem>>, vector<16xi32>,
        %swap3A_1294 = vector.shape_cast %swap3A_1293 : vector<16xi32> to vector<16xi32>
        %swap3A_1295 = vector.shape_cast %add3A_1291 : vector<16xi32> to vector<16xi32>
        tpu.vector_store %arg6[%swap3A_1292], %swap3A_1295 {strides = array<i32>} : memref<768xi32, #tpu.memory_space<vmem>>, vector<16xi32>,
        %get3A_1296 = arith.constant 688 : index
        %get3A_1297 = tpu.vector_load %arg6[%get3A_1296] {strides = array<i32>} : memref<768xi32, #tpu.memory_space<vmem>>, vector<16xi32>,
        %get3A_1298 = vector.shape_cast %get3A_1297 : vector<16xi32> to vector<16xi32>
        %add3A_1299 = arith.addi %get3A_1298, %broadcast_in_dim3A : vector<16xi32>
        %swap3A_1300 = arith.constant 688 : index
        %swap3A_1301 = tpu.vector_load %arg6[%swap3A_1300] {strides = array<i32>} : memref<768xi32, #tpu.memory_space<vmem>>, vector<16xi32>,
        %swap3A_1302 = vector.shape_cast %swap3A_1301 : vector<16xi32> to vector<16xi32>
        %swap3A_1303 = vector.shape_cast %add3A_1299 : vector<16xi32> to vector<16xi32>
        tpu.vector_store %arg6[%swap3A_1300], %swap3A_1303 {strides = array<i32>} : memref<768xi32, #tpu.memory_space<vmem>>, vector<16xi32>,
        %get3A_1304 = arith.constant 704 : index
        %get3A_1305 = tpu.vector_load %arg6[%get3A_1304] {strides = array<i32>} : memref<768xi32, #tpu.memory_space<vmem>>, vector<16xi32>,
        %get3A_1306 = vector.shape_cast %get3A_1305 : vector<16xi32> to vector<16xi32>
        %add3A_1307 = arith.addi %get3A_1306, %broadcast_in_dim3A : vector<16xi32>
        %swap3A_1308 = arith.constant 704 : index
        %swap3A_1309 = tpu.vector_load %arg6[%swap3A_1308] {strides = array<i32>} : memref<768xi32, #tpu.memory_space<vmem>>, vector<16xi32>,
        %swap3A_1310 = vector.shape_cast %swap3A_1309 : vector<16xi32> to vector<16xi32>
        %swap3A_1311 = vector.shape_cast %add3A_1307 : vector<16xi32> to vector<16xi32>
        tpu.vector_store %arg6[%swap3A_1308], %swap3A_1311 {strides = array<i32>} : memref<768xi32, #tpu.memory_space<vmem>>, vector<16xi32>,
        %get3A_1312 = arith.constant 720 : index
        %get3A_1313 = tpu.vector_load %arg6[%get3A_1312] {strides = array<i32>} : memref<768xi32, #tpu.memory_space<vmem>>, vector<16xi32>,
        %get3A_1314 = vector.shape_cast %get3A_1313 : vector<16xi32> to vector<16xi32>
        %add3A_1315 = arith.addi %get3A_1314, %broadcast_in_dim3A : vector<16xi32>
        %swap3A_1316 = arith.constant 720 : index
        %swap3A_1317 = tpu.vector_load %arg6[%swap3A_1316] {strides = array<i32>} : memref<768xi32, #tpu.memory_space<vmem>>, vector<16xi32>,
        %swap3A_1318 = vector.shape_cast %swap3A_1317 : vector<16xi32> to vector<16xi32>
        %swap3A_1319 = vector.shape_cast %add3A_1315 : vector<16xi32> to vector<16xi32>
        tpu.vector_store %arg6[%swap3A_1316], %swap3A_1319 {strides = array<i32>} : memref<768xi32, #tpu.memory_space<vmem>>, vector<16xi32>,
        %get3A_1320 = arith.constant 736 : index
        %get3A_1321 = tpu.vector_load %arg6[%get3A_1320] {strides = array<i32>} : memref<768xi32, #tpu.memory_space<vmem>>, vector<16xi32>,
        %get3A_1322 = vector.shape_cast %get3A_1321 : vector<16xi32> to vector<16xi32>
        %add3A_1323 = arith.addi %get3A_1322, %broadcast_in_dim3A : vector<16xi32>
        %swap3A_1324 = arith.constant 736 : index
        %swap3A_1325 = tpu.vector_load %arg6[%swap3A_1324] {strides = array<i32>} : memref<768xi32, #tpu.memory_space<vmem>>, vector<16xi32>,
        %swap3A_1326 = vector.shape_cast %swap3A_1325 : vector<16xi32> to vector<16xi32>
        %swap3A_1327 = vector.shape_cast %add3A_1323 : vector<16xi32> to vector<16xi32>
        tpu.vector_store %arg6[%swap3A_1324], %swap3A_1327 {strides = array<i32>} : memref<768xi32, #tpu.memory_space<vmem>>, vector<16xi32>,
        %get3A_1328 = arith.constant 752 : index
        %get3A_1329 = tpu.vector_load %arg6[%get3A_1328] {strides = array<i32>} : memref<768xi32, #tpu.memory_space<vmem>>, vector<16xi32>,
        %get3A_1330 = vector.shape_cast %get3A_1329 : vector<16xi32> to vector<16xi32>
        %add3A_1331 = arith.addi %get3A_1330, %broadcast_in_dim3A : vector<16xi32>
        %swap3A_1332 = arith.constant 752 : index
        %swap3A_1333 = tpu.vector_load %arg6[%swap3A_1332] {strides = array<i32>} : memref<768xi32, #tpu.memory_space<vmem>>, vector<16xi32>,
        %swap3A_1334 = vector.shape_cast %swap3A_1333 : vector<16xi32> to vector<16xi32>
        %swap3A_1335 = vector.shape_cast %add3A_1331 : vector<16xi32> to vector<16xi32>
        tpu.vector_store %arg6[%swap3A_1332], %swap3A_1335 {strides = array<i32>} : memref<768xi32, #tpu.memory_space<vmem>>, vector<16xi32>,
        %dma_start3A_1336 = arith.constant 0 : i32
        %dma_start3A_1337 = arith.constant 0 : i32
        %dma_start3A_1338 = tpu.memref_slice %arg10[%dma_start3A_1336, %dma_start3A_1337] : memref<768x16xf32, #tpu.memory_space<vmem>> -> memref<128x16xf32, #tpu.memory_space<vmem>>
        %dma_start3A_1339 = arith.constant 0 : i32
        %dma_start3A_1340 = tpu.memref_slice %arg6[%dma_start3A_1339] : memref<768xi32, #tpu.memory_space<vmem>> -> memref<128xi32, #tpu.memory_space<vmem>>
        %dma_start3A_1341 = arith.constant 0 : i32
        %dma_start3A_1342 = arith.constant 0 : i32
        %dma_start3A_1343 = tpu.memref_slice %arg2[%dma_start3A_1341, %dma_start3A_1342] : memref<200512x16xf32, #tpu.memory_space<hbm>> -> memref<200512x16xf32, #tpu.memory_space<hbm>>
        tpu.enqueue_indirect_dma source(%dma_start3A_1343 : memref<200512x16xf32, #tpu.memory_space<hbm>>) target(%dma_start3A_1338 : memref<128x16xf32, #tpu.memory_space<vmem>>) offsets(%dma_start3A_1340 : memref<128xi32, #tpu.memory_space<vmem>>) semaphore(%arg13 : memref<!tpu.dma_semaphore, #tpu.memory_space<semaphore_mem>>)
        %dma_start3A_1344 = arith.constant 128 : i32
        %dma_start3A_1345 = arith.constant 0 : i32
        %dma_start3A_1346 = tpu.memref_slice %arg10[%dma_start3A_1344, %dma_start3A_1345] : memref<768x16xf32, #tpu.memory_space<vmem>> -> memref<128x16xf32, #tpu.memory_space<vmem>>
        %dma_start3A_1347 = arith.constant 128 : i32
        %dma_start3A_1348 = tpu.memref_slice %arg6[%dma_start3A_1347] : memref<768xi32, #tpu.memory_space<vmem>> -> memref<128xi32, #tpu.memory_space<vmem>>
        %dma_start3A_1349 = arith.constant 0 : i32
        %dma_start3A_1350 = arith.constant 0 : i32
        %dma_start3A_1351 = tpu.memref_slice %arg2[%dma_start3A_1349, %dma_start3A_1350] : memref<200512x16xf32, #tpu.memory_space<hbm>> -> memref<200512x16xf32, #tpu.memory_space<hbm>>
        tpu.enqueue_indirect_dma source(%dma_start3A_1351 : memref<200512x16xf32, #tpu.memory_space<hbm>>) target(%dma_start3A_1346 : memref<128x16xf32, #tpu.memory_space<vmem>>) offsets(%dma_start3A_1348 : memref<128xi32, #tpu.memory_space<vmem>>) semaphore(%arg13 : memref<!tpu.dma_semaphore, #tpu.memory_space<semaphore_mem>>)
        %dma_start3A_1352 = arith.constant 256 : i32
        %dma_start3A_1353 = arith.constant 0 : i32
        %dma_start3A_1354 = tpu.memref_slice %arg10[%dma_start3A_1352, %dma_start3A_1353] : memref<768x16xf32, #tpu.memory_space<vmem>> -> memref<128x16xf32, #tpu.memory_space<vmem>>
        %dma_start3A_1355 = arith.constant 256 : i32
        %dma_start3A_1356 = tpu.memref_slice %arg6[%dma_start3A_1355] : memref<768xi32, #tpu.memory_space<vmem>> -> memref<128xi32, #tpu.memory_space<vmem>>
        %dma_start3A_1357 = arith.constant 0 : i32
        %dma_start3A_1358 = arith.constant 0 : i32
        %dma_start3A_1359 = tpu.memref_slice %arg2[%dma_start3A_1357, %dma_start3A_1358] : memref<200512x16xf32, #tpu.memory_space<hbm>> -> memref<200512x16xf32, #tpu.memory_space<hbm>>
        tpu.enqueue_indirect_dma source(%dma_start3A_1359 : memref<200512x16xf32, #tpu.memory_space<hbm>>) target(%dma_start3A_1354 : memref<128x16xf32, #tpu.memory_space<vmem>>) offsets(%dma_start3A_1356 : memref<128xi32, #tpu.memory_space<vmem>>) semaphore(%arg13 : memref<!tpu.dma_semaphore, #tpu.memory_space<semaphore_mem>>)
        %dma_start3A_1360 = arith.constant 384 : i32
        %dma_start3A_1361 = arith.constant 0 : i32
        %dma_start3A_1362 = tpu.memref_slice %arg10[%dma_start3A_1360, %dma_start3A_1361] : memref<768x16xf32, #tpu.memory_space<vmem>> -> memref<128x16xf32, #tpu.memory_space<vmem>>
        %dma_start3A_1363 = arith.constant 384 : i32
        %dma_start3A_1364 = tpu.memref_slice %arg6[%dma_start3A_1363] : memref<768xi32, #tpu.memory_space<vmem>> -> memref<128xi32, #tpu.memory_space<vmem>>
        %dma_start3A_1365 = arith.constant 0 : i32
        %dma_start3A_1366 = arith.constant 0 : i32
        %dma_start3A_1367 = tpu.memref_slice %arg2[%dma_start3A_1365, %dma_start3A_1366] : memref<200512x16xf32, #tpu.memory_space<hbm>> -> memref<200512x16xf32, #tpu.memory_space<hbm>>
        tpu.enqueue_indirect_dma source(%dma_start3A_1367 : memref<200512x16xf32, #tpu.memory_space<hbm>>) target(%dma_start3A_1362 : memref<128x16xf32, #tpu.memory_space<vmem>>) offsets(%dma_start3A_1364 : memref<128xi32, #tpu.memory_space<vmem>>) semaphore(%arg13 : memref<!tpu.dma_semaphore, #tpu.memory_space<semaphore_mem>>)
        %dma_start3A_1368 = arith.constant 512 : i32
        %dma_start3A_1369 = arith.constant 0 : i32
        %dma_start3A_1370 = tpu.memref_slice %arg10[%dma_start3A_1368, %dma_start3A_1369] : memref<768x16xf32, #tpu.memory_space<vmem>> -> memref<128x16xf32, #tpu.memory_space<vmem>>
        %dma_start3A_1371 = arith.constant 512 : i32
        %dma_start3A_1372 = tpu.memref_slice %arg6[%dma_start3A_1371] : memref<768xi32, #tpu.memory_space<vmem>> -> memref<128xi32, #tpu.memory_space<vmem>>
        %dma_start3A_1373 = arith.constant 0 : i32
        %dma_start3A_1374 = arith.constant 0 : i32
        %dma_start3A_1375 = tpu.memref_slice %arg2[%dma_start3A_1373, %dma_start3A_1374] : memref<200512x16xf32, #tpu.memory_space<hbm>> -> memref<200512x16xf32, #tpu.memory_space<hbm>>
        tpu.enqueue_indirect_dma source(%dma_start3A_1375 : memref<200512x16xf32, #tpu.memory_space<hbm>>) target(%dma_start3A_1370 : memref<128x16xf32, #tpu.memory_space<vmem>>) offsets(%dma_start3A_1372 : memref<128xi32, #tpu.memory_space<vmem>>) semaphore(%arg13 : memref<!tpu.dma_semaphore, #tpu.memory_space<semaphore_mem>>)
        %dma_start3A_1376 = arith.constant 640 : i32
        %dma_start3A_1377 = arith.constant 0 : i32
        %dma_start3A_1378 = tpu.memref_slice %arg10[%dma_start3A_1376, %dma_start3A_1377] : memref<768x16xf32, #tpu.memory_space<vmem>> -> memref<128x16xf32, #tpu.memory_space<vmem>>
        %dma_start3A_1379 = arith.constant 640 : i32
        %dma_start3A_1380 = tpu.memref_slice %arg6[%dma_start3A_1379] : memref<768xi32, #tpu.memory_space<vmem>> -> memref<128xi32, #tpu.memory_space<vmem>>
        %dma_start3A_1381 = arith.constant 0 : i32
        %dma_start3A_1382 = arith.constant 0 : i32
        %dma_start3A_1383 = tpu.memref_slice %arg2[%dma_start3A_1381, %dma_start3A_1382] : memref<200512x16xf32, #tpu.memory_space<hbm>> -> memref<200512x16xf32, #tpu.memory_space<hbm>>
        tpu.enqueue_indirect_dma source(%dma_start3A_1383 : memref<200512x16xf32, #tpu.memory_space<hbm>>) target(%dma_start3A_1378 : memref<128x16xf32, #tpu.memory_space<vmem>>) offsets(%dma_start3A_1380 : memref<128xi32, #tpu.memory_space<vmem>>) semaphore(%arg13 : memref<!tpu.dma_semaphore, #tpu.memory_space<semaphore_mem>>)
      } else {
      }
      %dma_wait3A_938 = arith.constant 0 : i32
      %dma_wait3A_939 = arith.constant 0 : i32
      %dma_wait3A_940 = tpu.memref_slice %arg2[%dma_wait3A_938, %dma_wait3A_939] : memref<200512x16xf32, #tpu.memory_space<hbm>> -> memref<768x16xf32, #tpu.memory_space<hbm>>
      %dma_wait3A_941 = arith.constant 0 : i32
      %dma_wait3A_942 = arith.constant 0 : i32
      %dma_wait3A_943 = tpu.memref_slice %arg2[%dma_wait3A_941, %dma_wait3A_942] : memref<200512x16xf32, #tpu.memory_space<hbm>> -> memref<768x16xf32, #tpu.memory_space<hbm>>
      tpu.wait_dma2 semaphore(%arg14 : memref<!tpu.dma_semaphore, #tpu.memory_space<semaphore_mem>>) src(%dma_wait3A_943 : memref<768x16xf32, #tpu.memory_space<hbm>>) dst(%arg11 : memref<768x16xf32, #tpu.memory_space<vmem>>)
      "tpu.region"() ({
        %run_scoped3A = tpu.sem_alloc : memref<!tpu.dma_semaphore, #tpu.memory_space<semaphore_mem>>
        %dma_start3A_944 = arith.constant 0 : i32
        %dma_start3A_945 = arith.constant 0 : i32
        %dma_start3A_946 = tpu.memref_slice %arg11[%dma_start3A_944, %dma_start3A_945] : memref<768x16xf32, #tpu.memory_space<vmem>> -> memref<128x16xf32, #tpu.memory_space<vmem>>
        %dma_start3A_947 = arith.constant 0 : i32
        %dma_start3A_948 = tpu.memref_slice %arg9[%dma_start3A_947] : memref<768xi32, #tpu.memory_space<vmem>> -> memref<128xi32, #tpu.memory_space<vmem>>
        %dma_start3A_949 = arith.constant 0 : i32
        %dma_start3A_950 = arith.constant 0 : i32
        %dma_start3A_951 = tpu.memref_slice %arg12[%dma_start3A_949, %dma_start3A_950] : memref<100096x16xf32, #tpu.memory_space<vmem_shared>> -> memref<100096x16xf32, #tpu.memory_space<vmem_shared>>
        tpu.enqueue_indirect_dma source(%dma_start3A_946 : memref<128x16xf32, #tpu.memory_space<vmem>>) target(%dma_start3A_951 : memref<100096x16xf32, #tpu.memory_space<vmem_shared>>) offsets(%dma_start3A_948 : memref<128xi32, #tpu.memory_space<vmem>>) semaphore(%run_scoped3A : memref<!tpu.dma_semaphore, #tpu.memory_space<semaphore_mem>>) {add = true}
        %dma_wait3A_952 = arith.constant 0 : i32
        %dma_wait3A_953 = arith.constant 0 : i32
        %dma_wait3A_954 = tpu.memref_slice %arg11[%dma_wait3A_952, %dma_wait3A_953] : memref<768x16xf32, #tpu.memory_space<vmem>> -> memref<128x16xf32, #tpu.memory_space<vmem>>
        %dma_wait3A_955 = arith.constant 0 : i32
        %dma_wait3A_956 = tpu.memref_slice %arg9[%dma_wait3A_955] : memref<768xi32, #tpu.memory_space<vmem>> -> memref<128xi32, #tpu.memory_space<vmem>>
        %dma_wait3A_957 = arith.constant 0 : i32
        %dma_wait3A_958 = arith.constant 0 : i32
        %dma_wait3A_959 = tpu.memref_slice %arg12[%dma_wait3A_957, %dma_wait3A_958] : memref<100096x16xf32, #tpu.memory_space<vmem_shared>> -> memref<100096x16xf32, #tpu.memory_space<vmem_shared>>
        tpu.wait_indirect_dma semaphore(%run_scoped3A : memref<!tpu.dma_semaphore, #tpu.memory_space<semaphore_mem>>) src(%dma_wait3A_954 : memref<128x16xf32, #tpu.memory_space<vmem>>) dst(%dma_wait3A_959 : memref<100096x16xf32, #tpu.memory_space<vmem_shared>>)
        tpu.yield
      }) : () -> ()
      "tpu.region"() ({
        %run_scoped3A = tpu.sem_alloc : memref<!tpu.dma_semaphore, #tpu.memory_space<semaphore_mem>>
        %dma_start3A_944 = arith.constant 128 : i32
        %dma_start3A_945 = arith.constant 0 : i32
        %dma_start3A_946 = tpu.memref_slice %arg11[%dma_start3A_944, %dma_start3A_945] : memref<768x16xf32, #tpu.memory_space<vmem>> -> memref<128x16xf32, #tpu.memory_space<vmem>>
        %dma_start3A_947 = arith.constant 128 : i32
        %dma_start3A_948 = tpu.memref_slice %arg9[%dma_start3A_947] : memref<768xi32, #tpu.memory_space<vmem>> -> memref<128xi32, #tpu.memory_space<vmem>>
        %dma_start3A_949 = arith.constant 0 : i32
        %dma_start3A_950 = arith.constant 0 : i32
        %dma_start3A_951 = tpu.memref_slice %arg12[%dma_start3A_949, %dma_start3A_950] : memref<100096x16xf32, #tpu.memory_space<vmem_shared>> -> memref<100096x16xf32, #tpu.memory_space<vmem_shared>>
        tpu.enqueue_indirect_dma source(%dma_start3A_946 : memref<128x16xf32, #tpu.memory_space<vmem>>) target(%dma_start3A_951 : memref<100096x16xf32, #tpu.memory_space<vmem_shared>>) offsets(%dma_start3A_948 : memref<128xi32, #tpu.memory_space<vmem>>) semaphore(%run_scoped3A : memref<!tpu.dma_semaphore, #tpu.memory_space<semaphore_mem>>) {add = true}
        %dma_wait3A_952 = arith.constant 128 : i32
        %dma_wait3A_953 = arith.constant 0 : i32
        %dma_wait3A_954 = tpu.memref_slice %arg11[%dma_wait3A_952, %dma_wait3A_953] : memref<768x16xf32, #tpu.memory_space<vmem>> -> memref<128x16xf32, #tpu.memory_space<vmem>>
        %dma_wait3A_955 = arith.constant 128 : i32
        %dma_wait3A_956 = tpu.memref_slice %arg9[%dma_wait3A_955] : memref<768xi32, #tpu.memory_space<vmem>> -> memref<128xi32, #tpu.memory_space<vmem>>
        %dma_wait3A_957 = arith.constant 0 : i32
        %dma_wait3A_958 = arith.constant 0 : i32
        %dma_wait3A_959 = tpu.memref_slice %arg12[%dma_wait3A_957, %dma_wait3A_958] : memref<100096x16xf32, #tpu.memory_space<vmem_shared>> -> memref<100096x16xf32, #tpu.memory_space<vmem_shared>>
        tpu.wait_indirect_dma semaphore(%run_scoped3A : memref<!tpu.dma_semaphore, #tpu.memory_space<semaphore_mem>>) src(%dma_wait3A_954 : memref<128x16xf32, #tpu.memory_space<vmem>>) dst(%dma_wait3A_959 : memref<100096x16xf32, #tpu.memory_space<vmem_shared>>)
        tpu.yield
      }) : () -> ()
      "tpu.region"() ({
        %run_scoped3A = tpu.sem_alloc : memref<!tpu.dma_semaphore, #tpu.memory_space<semaphore_mem>>
        %dma_start3A_944 = arith.constant 256 : i32
        %dma_start3A_945 = arith.constant 0 : i32
        %dma_start3A_946 = tpu.memref_slice %arg11[%dma_start3A_944, %dma_start3A_945] : memref<768x16xf32, #tpu.memory_space<vmem>> -> memref<128x16xf32, #tpu.memory_space<vmem>>
        %dma_start3A_947 = arith.constant 256 : i32
        %dma_start3A_948 = tpu.memref_slice %arg9[%dma_start3A_947] : memref<768xi32, #tpu.memory_space<vmem>> -> memref<128xi32, #tpu.memory_space<vmem>>
        %dma_start3A_949 = arith.constant 0 : i32
        %dma_start3A_950 = arith.constant 0 : i32
        %dma_start3A_951 = tpu.memref_slice %arg12[%dma_start3A_949, %dma_start3A_950] : memref<100096x16xf32, #tpu.memory_space<vmem_shared>> -> memref<100096x16xf32, #tpu.memory_space<vmem_shared>>
        tpu.enqueue_indirect_dma source(%dma_start3A_946 : memref<128x16xf32, #tpu.memory_space<vmem>>) target(%dma_start3A_951 : memref<100096x16xf32, #tpu.memory_space<vmem_shared>>) offsets(%dma_start3A_948 : memref<128xi32, #tpu.memory_space<vmem>>) semaphore(%run_scoped3A : memref<!tpu.dma_semaphore, #tpu.memory_space<semaphore_mem>>) {add = true}
        %dma_wait3A_952 = arith.constant 256 : i32
        %dma_wait3A_953 = arith.constant 0 : i32
        %dma_wait3A_954 = tpu.memref_slice %arg11[%dma_wait3A_952, %dma_wait3A_953] : memref<768x16xf32, #tpu.memory_space<vmem>> -> memref<128x16xf32, #tpu.memory_space<vmem>>
        %dma_wait3A_955 = arith.constant 256 : i32
        %dma_wait3A_956 = tpu.memref_slice %arg9[%dma_wait3A_955] : memref<768xi32, #tpu.memory_space<vmem>> -> memref<128xi32, #tpu.memory_space<vmem>>
        %dma_wait3A_957 = arith.constant 0 : i32
        %dma_wait3A_958 = arith.constant 0 : i32
        %dma_wait3A_959 = tpu.memref_slice %arg12[%dma_wait3A_957, %dma_wait3A_958] : memref<100096x16xf32, #tpu.memory_space<vmem_shared>> -> memref<100096x16xf32, #tpu.memory_space<vmem_shared>>
        tpu.wait_indirect_dma semaphore(%run_scoped3A : memref<!tpu.dma_semaphore, #tpu.memory_space<semaphore_mem>>) src(%dma_wait3A_954 : memref<128x16xf32, #tpu.memory_space<vmem>>) dst(%dma_wait3A_959 : memref<100096x16xf32, #tpu.memory_space<vmem_shared>>)
        tpu.yield
      }) : () -> ()
      "tpu.region"() ({
        %run_scoped3A = tpu.sem_alloc : memref<!tpu.dma_semaphore, #tpu.memory_space<semaphore_mem>>
        %dma_start3A_944 = arith.constant 384 : i32
        %dma_start3A_945 = arith.constant 0 : i32
        %dma_start3A_946 = tpu.memref_slice %arg11[%dma_start3A_944, %dma_start3A_945] : memref<768x16xf32, #tpu.memory_space<vmem>> -> memref<128x16xf32, #tpu.memory_space<vmem>>
        %dma_start3A_947 = arith.constant 384 : i32
        %dma_start3A_948 = tpu.memref_slice %arg9[%dma_start3A_947] : memref<768xi32, #tpu.memory_space<vmem>> -> memref<128xi32, #tpu.memory_space<vmem>>
        %dma_start3A_949 = arith.constant 0 : i32
        %dma_start3A_950 = arith.constant 0 : i32
        %dma_start3A_951 = tpu.memref_slice %arg12[%dma_start3A_949, %dma_start3A_950] : memref<100096x16xf32, #tpu.memory_space<vmem_shared>> -> memref<100096x16xf32, #tpu.memory_space<vmem_shared>>
        tpu.enqueue_indirect_dma source(%dma_start3A_946 : memref<128x16xf32, #tpu.memory_space<vmem>>) target(%dma_start3A_951 : memref<100096x16xf32, #tpu.memory_space<vmem_shared>>) offsets(%dma_start3A_948 : memref<128xi32, #tpu.memory_space<vmem>>) semaphore(%run_scoped3A : memref<!tpu.dma_semaphore, #tpu.memory_space<semaphore_mem>>) {add = true}
        %dma_wait3A_952 = arith.constant 384 : i32
        %dma_wait3A_953 = arith.constant 0 : i32
        %dma_wait3A_954 = tpu.memref_slice %arg11[%dma_wait3A_952, %dma_wait3A_953] : memref<768x16xf32, #tpu.memory_space<vmem>> -> memref<128x16xf32, #tpu.memory_space<vmem>>
        %dma_wait3A_955 = arith.constant 384 : i32
        %dma_wait3A_956 = tpu.memref_slice %arg9[%dma_wait3A_955] : memref<768xi32, #tpu.memory_space<vmem>> -> memref<128xi32, #tpu.memory_space<vmem>>
        %dma_wait3A_957 = arith.constant 0 : i32
        %dma_wait3A_958 = arith.constant 0 : i32
        %dma_wait3A_959 = tpu.memref_slice %arg12[%dma_wait3A_957, %dma_wait3A_958] : memref<100096x16xf32, #tpu.memory_space<vmem_shared>> -> memref<100096x16xf32, #tpu.memory_space<vmem_shared>>
        tpu.wait_indirect_dma semaphore(%run_scoped3A : memref<!tpu.dma_semaphore, #tpu.memory_space<semaphore_mem>>) src(%dma_wait3A_954 : memref<128x16xf32, #tpu.memory_space<vmem>>) dst(%dma_wait3A_959 : memref<100096x16xf32, #tpu.memory_space<vmem_shared>>)
        tpu.yield
      }) : () -> ()
      "tpu.region"() ({
        %run_scoped3A = tpu.sem_alloc : memref<!tpu.dma_semaphore, #tpu.memory_space<semaphore_mem>>
        %dma_start3A_944 = arith.constant 512 : i32
        %dma_start3A_945 = arith.constant 0 : i32
        %dma_start3A_946 = tpu.memref_slice %arg11[%dma_start3A_944, %dma_start3A_945] : memref<768x16xf32, #tpu.memory_space<vmem>> -> memref<128x16xf32, #tpu.memory_space<vmem>>
        %dma_start3A_947 = arith.constant 512 : i32
        %dma_start3A_948 = tpu.memref_slice %arg9[%dma_start3A_947] : memref<768xi32, #tpu.memory_space<vmem>> -> memref<128xi32, #tpu.memory_space<vmem>>
        %dma_start3A_949 = arith.constant 0 : i32
        %dma_start3A_950 = arith.constant 0 : i32
        %dma_start3A_951 = tpu.memref_slice %arg12[%dma_start3A_949, %dma_start3A_950] : memref<100096x16xf32, #tpu.memory_space<vmem_shared>> -> memref<100096x16xf32, #tpu.memory_space<vmem_shared>>
        tpu.enqueue_indirect_dma source(%dma_start3A_946 : memref<128x16xf32, #tpu.memory_space<vmem>>) target(%dma_start3A_951 : memref<100096x16xf32, #tpu.memory_space<vmem_shared>>) offsets(%dma_start3A_948 : memref<128xi32, #tpu.memory_space<vmem>>) semaphore(%run_scoped3A : memref<!tpu.dma_semaphore, #tpu.memory_space<semaphore_mem>>) {add = true}
        %dma_wait3A_952 = arith.constant 512 : i32
        %dma_wait3A_953 = arith.constant 0 : i32
        %dma_wait3A_954 = tpu.memref_slice %arg11[%dma_wait3A_952, %dma_wait3A_953] : memref<768x16xf32, #tpu.memory_space<vmem>> -> memref<128x16xf32, #tpu.memory_space<vmem>>
        %dma_wait3A_955 = arith.constant 512 : i32
        %dma_wait3A_956 = tpu.memref_slice %arg9[%dma_wait3A_955] : memref<768xi32, #tpu.memory_space<vmem>> -> memref<128xi32, #tpu.memory_space<vmem>>
        %dma_wait3A_957 = arith.constant 0 : i32
        %dma_wait3A_958 = arith.constant 0 : i32
        %dma_wait3A_959 = tpu.memref_slice %arg12[%dma_wait3A_957, %dma_wait3A_958] : memref<100096x16xf32, #tpu.memory_space<vmem_shared>> -> memref<100096x16xf32, #tpu.memory_space<vmem_shared>>
        tpu.wait_indirect_dma semaphore(%run_scoped3A : memref<!tpu.dma_semaphore, #tpu.memory_space<semaphore_mem>>) src(%dma_wait3A_954 : memref<128x16xf32, #tpu.memory_space<vmem>>) dst(%dma_wait3A_959 : memref<100096x16xf32, #tpu.memory_space<vmem_shared>>)
        tpu.yield
      }) : () -> ()
      "tpu.region"() ({
        %run_scoped3A = tpu.sem_alloc : memref<!tpu.dma_semaphore, #tpu.memory_space<semaphore_mem>>
        %dma_start3A_944 = arith.constant 640 : i32
        %dma_start3A_945 = arith.constant 0 : i32
        %dma_start3A_946 = tpu.memref_slice %arg11[%dma_start3A_944, %dma_start3A_945] : memref<768x16xf32, #tpu.memory_space<vmem>> -> memref<128x16xf32, #tpu.memory_space<vmem>>
        %dma_start3A_947 = arith.constant 640 : i32
        %dma_start3A_948 = tpu.memref_slice %arg9[%dma_start3A_947] : memref<768xi32, #tpu.memory_space<vmem>> -> memref<128xi32, #tpu.memory_space<vmem>>
        %dma_start3A_949 = arith.constant 0 : i32
        %dma_start3A_950 = arith.constant 0 : i32
        %dma_start3A_951 = tpu.memref_slice %arg12[%dma_start3A_949, %dma_start3A_950] : memref<100096x16xf32, #tpu.memory_space<vmem_shared>> -> memref<100096x16xf32, #tpu.memory_space<vmem_shared>>
        tpu.enqueue_indirect_dma source(%dma_start3A_946 : memref<128x16xf32, #tpu.memory_space<vmem>>) target(%dma_start3A_951 : memref<100096x16xf32, #tpu.memory_space<vmem_shared>>) offsets(%dma_start3A_948 : memref<128xi32, #tpu.memory_space<vmem>>) semaphore(%run_scoped3A : memref<!tpu.dma_semaphore, #tpu.memory_space<semaphore_mem>>) {add = true}
        %dma_wait3A_952 = arith.constant 640 : i32
        %dma_wait3A_953 = arith.constant 0 : i32
        %dma_wait3A_954 = tpu.memref_slice %arg11[%dma_wait3A_952, %dma_wait3A_953] : memref<768x16xf32, #tpu.memory_space<vmem>> -> memref<128x16xf32, #tpu.memory_space<vmem>>
        %dma_wait3A_955 = arith.constant 640 : i32
        %dma_wait3A_956 = tpu.memref_slice %arg9[%dma_wait3A_955] : memref<768xi32, #tpu.memory_space<vmem>> -> memref<128xi32, #tpu.memory_space<vmem>>
        %dma_wait3A_957 = arith.constant 0 : i32
        %dma_wait3A_958 = arith.constant 0 : i32
        %dma_wait3A_959 = tpu.memref_slice %arg12[%dma_wait3A_957, %dma_wait3A_958] : memref<100096x16xf32, #tpu.memory_space<vmem_shared>> -> memref<100096x16xf32, #tpu.memory_space<vmem_shared>>
        tpu.wait_indirect_dma semaphore(%run_scoped3A : memref<!tpu.dma_semaphore, #tpu.memory_space<semaphore_mem>>) src(%dma_wait3A_954 : memref<128x16xf32, #tpu.memory_space<vmem>>) dst(%dma_wait3A_959 : memref<100096x16xf32, #tpu.memory_space<vmem_shared>>)
        tpu.yield
      }) : () -> ()
    }
    %scan3A_482 = arith.constant 66 : i32
    %barrier3A_483 = arith.constant 0 : index
    tpu.barrier barrier_id(%barrier3A_483)
    %mul3A_484 = arith.constant 6256 : i32
    %mul3A_485 = arith.muli %arg1, %mul3A_484 : i32
    %mul3A_486 = arith.constant 6256 : i32
    %mul3A_487 = arith.muli %arg1, %mul3A_486 : i32
    "tpu.region"() ({
      %run_scoped3A = tpu.sem_alloc : memref<!tpu.dma_semaphore, #tpu.memory_space<semaphore_mem>>
      %dma_start3A_488 = arith.constant 0 : i32
      %dma_start3A_489 = tpu.memref_slice %arg5[%arg0, %mul3A_487, %dma_start3A_488] : memref<2x100096x16xf32, #tpu.memory_space<hbm>> -> memref<1x6256x16xf32, #tpu.memory_space<hbm>>
      %dma_start3A_490 = tpu.memref_squeeze %dma_start3A_489 : memref<1x6256x16xf32, #tpu.memory_space<hbm>> -> memref<6256x16xf32, #tpu.memory_space<hbm>>
      %dma_start3A_491 = arith.constant 0 : i32
      %dma_start3A_492 = tpu.memref_slice %arg12[%mul3A_485, %dma_start3A_491] : memref<100096x16xf32, #tpu.memory_space<vmem_shared>> -> memref<6256x16xf32, #tpu.memory_space<vmem_shared>>
      tpu.enqueue_dma source(%dma_start3A_492 : memref<6256x16xf32, #tpu.memory_space<vmem_shared>>) target(%dma_start3A_490 : memref<6256x16xf32, #tpu.memory_space<hbm>>) target_semaphore(%run_scoped3A : memref<!tpu.dma_semaphore, #tpu.memory_space<semaphore_mem>>)
      %dma_wait3A = arith.constant 0 : i32
      %dma_wait3A_493 = tpu.memref_slice %arg5[%arg0, %mul3A_487, %dma_wait3A] : memref<2x100096x16xf32, #tpu.memory_space<hbm>> -> memref<1x6256x16xf32, #tpu.memory_space<hbm>>
      %dma_wait3A_494 = tpu.memref_squeeze %dma_wait3A_493 : memref<1x6256x16xf32, #tpu.memory_space<hbm>> -> memref<6256x16xf32, #tpu.memory_space<hbm>>
      %dma_wait3A_495 = arith.constant 0 : i32
      %dma_wait3A_496 = tpu.memref_slice %arg12[%mul3A_485, %dma_wait3A_495] : memref<100096x16xf32, #tpu.memory_space<vmem_shared>> -> memref<6256x16xf32, #tpu.memory_space<vmem_shared>>
      tpu.wait_dma2 semaphore(%run_scoped3A : memref<!tpu.dma_semaphore, #tpu.memory_space<semaphore_mem>>) src(%dma_wait3A_496 : memref<6256x16xf32, #tpu.memory_space<vmem_shared>>) dst(%dma_wait3A_494 : memref<6256x16xf32, #tpu.memory_space<hbm>>)
      tpu.yield
    }) : () -> ()
    return
  }
}

module attributes {stable_mosaic.version = 14 : i64} {
  func.func @body(%arg0: i32, %arg1: memref<27x16384xf32, #tpu.memory_space<vmem>>, %arg2: memref<2x16x16384xf32, #tpu.memory_space<vmem>>, %arg3: memref<27x64xf32, #tpu.memory_space<vmem>>, %arg4: memref<64xf32, #tpu.memory_space<vmem>>, %arg5: memref<64x64xf32, #tpu.memory_space<vmem>>, %arg6: memref<64xf32, #tpu.memory_space<vmem>>, %arg7: memref<64x64xf32, #tpu.memory_space<vmem>>, %arg8: memref<64x16xf32, #tpu.memory_space<vmem>>, %arg9: memref<16xf32, #tpu.memory_space<vmem>>, %arg10: memref<8x16384xf32, #tpu.memory_space<vmem>>, %arg11: memref<8x16384xf32, #tpu.memory_space<vmem>>) attributes {dimension_semantics = [#tpu.dimension_semantics<arbitrary>], iteration_bounds = array<i64: 7>, scalar_prefetch = 0 : i64, scratch_operands = 0 : i64, tpu.core_type = #tpu.core_type<tc>, window_params = [{transform_indices = @transform_0, window_bounds = array<i64: 27, 16384>}, {transform_indices = @transform_1, window_bounds = array<i64: 2, 16, 16384>}, {pipeline_mode = #tpu.pipeline_mode<synchronous>, transform_indices = @transform_2, window_bounds = array<i64: 27, 64>}, {pipeline_mode = #tpu.pipeline_mode<synchronous>, transform_indices = @transform_3, window_bounds = array<i64: 64>}, {pipeline_mode = #tpu.pipeline_mode<synchronous>, transform_indices = @transform_4, window_bounds = array<i64: 64, 64>}, {pipeline_mode = #tpu.pipeline_mode<synchronous>, transform_indices = @transform_5, window_bounds = array<i64: 64>}, {pipeline_mode = #tpu.pipeline_mode<synchronous>, transform_indices = @transform_6, window_bounds = array<i64: 64, 64>}, {pipeline_mode = #tpu.pipeline_mode<synchronous>, transform_indices = @transform_7, window_bounds = array<i64: 64, 16>}, {pipeline_mode = #tpu.pipeline_mode<synchronous>, transform_indices = @transform_8, window_bounds = array<i64: 16>}, {transform_indices = @transform_9, window_bounds = array<i64: 8, 16384>}, {transform_indices = @transform_10, window_bounds = array<i64: 8, 16384>}]} {
    %get3A = arith.constant 0 : index
    %get3A_0 = arith.constant 0 : index
    %get3A_1 = vector.load %arg3[%get3A, %get3A_0] : memref<27x64xf32, #tpu.memory_space<vmem>>, vector<27x64xf32>
    %get3A_2 = arith.constant 0 : index
    %get3A_3 = arith.constant 0 : index
    %get3A_4 = vector.load %arg5[%get3A_2, %get3A_3] : memref<64x64xf32, #tpu.memory_space<vmem>>, vector<64x64xf32>
    %get3A_5 = arith.constant 0 : index
    %get3A_6 = arith.constant 0 : index
    %get3A_7 = vector.load %arg7[%get3A_5, %get3A_6] : memref<64x64xf32, #tpu.memory_space<vmem>>, vector<64x64xf32>
    %dot_general3A = arith.constant dense<0.000000e+00> : vector<27x64xf32>
    %dot_general3A_8 = tpu.matmul %get3A_1, %get3A_4, %dot_general3A {dimension_numbers = #tpu.dot_dimension_numbers<[1], [0], [0], [1], [0, 0, 1, 1], [], []>, precision = #tpu.contract_precision<fp32>, transpose_lhs_hint = false} : vector<27x64xf32>, vector<64x64xf32>, vector<27x64xf32> -> vector<27x64xf32>
    %dot_general3A_9 = arith.constant dense<0.000000e+00> : vector<27x64xf32>
    %dot_general3A_10 = tpu.matmul %get3A_1, %get3A_7, %dot_general3A_9 {dimension_numbers = #tpu.dot_dimension_numbers<[1], [0], [0], [1], [0, 0, 1, 1], [], []>, precision = #tpu.contract_precision<fp32>, transpose_lhs_hint = false} : vector<27x64xf32>, vector<64x64xf32>, vector<27x64xf32> -> vector<27x64xf32>
    %get3A_11 = arith.constant 0 : index
    %get3A_12 = vector.load %arg4[%get3A_11] : memref<64xf32, #tpu.memory_space<vmem>>, vector<64xf32>
    %broadcast_in_dim3A = vector.shape_cast %get3A_12 : vector<64xf32> to vector<1x64xf32>
    %dot_general3A_13 = arith.constant dense<0.000000e+00> : vector<1x64xf32>
    %dot_general3A_14 = tpu.matmul %broadcast_in_dim3A, %get3A_4, %dot_general3A_13 {dimension_numbers = #tpu.dot_dimension_numbers<[1], [0], [0], [1], [0, 0, 1, 1], [], []>, precision = #tpu.contract_precision<fp32>, transpose_lhs_hint = false} : vector<1x64xf32>, vector<64x64xf32>, vector<1x64xf32> -> vector<1x64xf32>
    %get3A_15 = arith.constant 0 : index
    %get3A_16 = vector.load %arg6[%get3A_15] : memref<64xf32, #tpu.memory_space<vmem>>, vector<64xf32>
    %dot_general3A_17 = arith.constant dense<0.000000e+00> : vector<1x64xf32>
    %dot_general3A_18 = tpu.matmul %broadcast_in_dim3A, %get3A_7, %dot_general3A_17 {dimension_numbers = #tpu.dot_dimension_numbers<[1], [0], [0], [1], [0, 0, 1, 1], [], []>, precision = #tpu.contract_precision<fp32>, transpose_lhs_hint = false} : vector<1x64xf32>, vector<64x64xf32>, vector<1x64xf32> -> vector<1x64xf32>
    %squeeze3A = vector.shape_cast %dot_general3A_18 : vector<1x64xf32> to vector<64xf32>
    %add3A = arith.addf %get3A_16, %squeeze3A : vector<64xf32>
    %broadcast_in_dim3A_19 = vector.shape_cast %add3A : vector<64xf32> to vector<64x1xf32>
    %slice3A = vector.extract_strided_slice %dot_general3A_8 {offsets = [16, 0], sizes = [11, 64], strides = [1, 1]} : vector<27x64xf32> to vector<11x64xf32>
    %broadcast_in_dim3A_20 = arith.constant 0.000000e+00 : f32
    %broadcast_in_dim3A_21 = vector.broadcast %broadcast_in_dim3A_20 : f32 to vector<4x64xf32>
    %concatenate3A = tpu.concatenate %slice3A, %dot_general3A_14, %broadcast_in_dim3A_21 in 0 : vector<11x64xf32>, vector<1x64xf32>, vector<4x64xf32> -> vector<16x64xf32>
    %slice3A_22 = vector.extract_strided_slice %dot_general3A_8 {offsets = [0, 0], sizes = [16, 64], strides = [1, 1]} : vector<27x64xf32> to vector<16x64xf32>
    %get3A_23 = arith.constant 0 : index
    %get3A_24 = arith.constant 0 : index
    %get3A_25 = arith.constant 0 : index
    %get3A_26 = vector.load %arg2[%get3A_23, %get3A_24, %get3A_25] : memref<2x16x16384xf32, #tpu.memory_space<vmem>>, vector<1x16x16384xf32>
    %get3A_27 = vector.shape_cast %get3A_26 : vector<1x16x16384xf32> to vector<16x16384xf32>
    %dot_general3A_28 = arith.constant dense<0.000000e+00> : vector<64x16384xf32>
    %dot_general3A_29 = tpu.matmul %slice3A_22, %get3A_27, %dot_general3A_28 {dimension_numbers = #tpu.dot_dimension_numbers<[0], [0], [1], [1], [0, 1, 1, 1], [], []>, transpose_lhs_hint = false} : vector<16x64xf32>, vector<16x16384xf32>, vector<64x16384xf32> -> vector<64x16384xf32>
    %get3A_30 = arith.constant 1 : index
    %get3A_31 = arith.constant 0 : index
    %get3A_32 = arith.constant 0 : index
    %get3A_33 = vector.load %arg2[%get3A_30, %get3A_31, %get3A_32] : memref<2x16x16384xf32, #tpu.memory_space<vmem>>, vector<1x16x16384xf32>
    %get3A_34 = vector.shape_cast %get3A_33 : vector<1x16x16384xf32> to vector<16x16384xf32>
    %dot_general3A_35 = arith.constant dense<0.000000e+00> : vector<64x16384xf32>
    %dot_general3A_36 = tpu.matmul %concatenate3A, %get3A_34, %dot_general3A_35 {dimension_numbers = #tpu.dot_dimension_numbers<[0], [0], [1], [1], [0, 1, 1, 1], [], []>, transpose_lhs_hint = false} : vector<16x64xf32>, vector<16x16384xf32>, vector<64x16384xf32> -> vector<64x16384xf32>
    %add3A_37 = arith.addf %dot_general3A_29, %dot_general3A_36 : vector<64x16384xf32>
    %get3A_38 = arith.constant 0 : index
    %get3A_39 = arith.constant 0 : index
    %get3A_40 = vector.load %arg1[%get3A_38, %get3A_39] : memref<27x16384xf32, #tpu.memory_space<vmem>>, vector<27x16384xf32>
    %dot_general3A_41 = arith.constant dense<0.000000e+00> : vector<64x16384xf32>
    %dot_general3A_42 = tpu.matmul %dot_general3A_10, %get3A_40, %dot_general3A_41 {dimension_numbers = #tpu.dot_dimension_numbers<[0], [0], [1], [1], [0, 1, 1, 1], [], []>, transpose_lhs_hint = false} : vector<27x64xf32>, vector<27x16384xf32>, vector<64x16384xf32> -> vector<64x16384xf32>
    %add3A_43 = arith.addf %add3A_37, %dot_general3A_42 : vector<64x16384xf32>
    %add3A_44 = vector.broadcast %broadcast_in_dim3A_19 : vector<64x1xf32> to vector<64x16384xf32>
    %add3A_45 = arith.addf %add3A_43, %add3A_44 : vector<64x16384xf32>
    %tanh3A = math.tanh %add3A_45 : vector<64x16384xf32>
    %get3A_46 = arith.constant 0 : index
    %get3A_47 = arith.constant 0 : index
    %get3A_48 = vector.load %arg8[%get3A_46, %get3A_47] : memref<64x16xf32, #tpu.memory_space<vmem>>, vector<64x16xf32>
    %dot_general3A_49 = arith.constant dense<0.000000e+00> : vector<16x16384xf32>
    %dot_general3A_50 = tpu.matmul %get3A_48, %tanh3A, %dot_general3A_49 {dimension_numbers = #tpu.dot_dimension_numbers<[0], [0], [1], [1], [0, 1, 1, 1], [], []>, transpose_lhs_hint = false} : vector<64x16xf32>, vector<64x16384xf32>, vector<16x16384xf32> -> vector<16x16384xf32>
    %get3A_51 = arith.constant 0 : index
    %get3A_52 = vector.load %arg9[%get3A_51] : memref<16xf32, #tpu.memory_space<vmem>>, vector<16xf32>
    %broadcast_in_dim3A_53 = vector.shape_cast %get3A_52 : vector<16xf32> to vector<16x1xf32>
    %add3A_54 = vector.broadcast %broadcast_in_dim3A_53 : vector<16x1xf32> to vector<16x16384xf32>
    %add3A_55 = arith.addf %dot_general3A_50, %add3A_54 : vector<16x16384xf32>
    %tanh3A_56 = math.tanh %add3A_55 : vector<16x16384xf32>
    %slice3A_57 = vector.extract_strided_slice %tanh3A_56 {offsets = [0, 0], sizes = [8, 16384], strides = [1, 1]} : vector<16x16384xf32> to vector<8x16384xf32>
    %swap3A = arith.constant 0 : index
    %swap3A_58 = arith.constant 0 : index
    %swap3A_59 = vector.load %arg10[%swap3A, %swap3A_58] : memref<8x16384xf32, #tpu.memory_space<vmem>>, vector<8x16384xf32>
    tpu.vector_store %arg10[%swap3A, %swap3A_58], %slice3A_57 {strides = array<i32>} : memref<8x16384xf32, #tpu.memory_space<vmem>>, vector<8x16384xf32>,
    %slice3A_60 = vector.extract_strided_slice %tanh3A_56 {offsets = [8, 0], sizes = [8, 16384], strides = [1, 1]} : vector<16x16384xf32> to vector<8x16384xf32>
    %add3A_61 = arith.constant 0.541324854 : f32
    %add3A_62 = vector.broadcast %add3A_61 : f32 to vector<8x16384xf32>
    %add3A_63 = arith.addf %slice3A_60, %add3A_62 : vector<8x16384xf32>
    %exp3A = math.exp %add3A_63 : vector<8x16384xf32>
    %log1p3A = math.log1p %exp3A : vector<8x16384xf32>
    %swap3A_64 = arith.constant 0 : index
    %swap3A_65 = arith.constant 0 : index
    %swap3A_66 = vector.load %arg11[%swap3A_64, %swap3A_65] : memref<8x16384xf32, #tpu.memory_space<vmem>>, vector<8x16384xf32>
    tpu.vector_store %arg11[%swap3A_64, %swap3A_65], %log1p3A {strides = array<i32>} : memref<8x16384xf32, #tpu.memory_space<vmem>>, vector<8x16384xf32>,
    return
  }
  func.func @transform_0(%arg0: i32) -> (i32, i32) {
    %c0_i32 = arith.constant 0 : i32
    %c0_i32_0 = arith.constant 0 : i32
    return %c0_i32, %arg0 : i32, i32
  }
  func.func @transform_1(%arg0: i32) -> (i32, i32, i32) {
    %c0_i32 = arith.constant 0 : i32
    %c0_i32_0 = arith.constant 0 : i32
    %c0_i32_1 = arith.constant 0 : i32
    return %c0_i32, %c0_i32_0, %arg0 : i32, i32, i32
  }
  func.func @transform_2(%arg0: i32) -> (i32, i32) {
    %c0_i32 = arith.constant 0 : i32
    %c0_i32_0 = arith.constant 0 : i32
    %c0_i32_1 = arith.constant 0 : i32
    return %c0_i32, %c0_i32_0 : i32, i32
  }
  func.func @transform_3(%arg0: i32) -> i32 {
    %c0_i32 = arith.constant 0 : i32
    %c0_i32_0 = arith.constant 0 : i32
    return %c0_i32 : i32
  }
  func.func @transform_4(%arg0: i32) -> (i32, i32) {
    %c0_i32 = arith.constant 0 : i32
    %c0_i32_0 = arith.constant 0 : i32
    %c0_i32_1 = arith.constant 0 : i32
    return %c0_i32, %c0_i32_0 : i32, i32
  }
  func.func @transform_5(%arg0: i32) -> i32 {
    %c0_i32 = arith.constant 0 : i32
    %c0_i32_0 = arith.constant 0 : i32
    return %c0_i32 : i32
  }
  func.func @transform_6(%arg0: i32) -> (i32, i32) {
    %c0_i32 = arith.constant 0 : i32
    %c0_i32_0 = arith.constant 0 : i32
    %c0_i32_1 = arith.constant 0 : i32
    return %c0_i32, %c0_i32_0 : i32, i32
  }
  func.func @transform_7(%arg0: i32) -> (i32, i32) {
    %c0_i32 = arith.constant 0 : i32
    %c0_i32_0 = arith.constant 0 : i32
    %c0_i32_1 = arith.constant 0 : i32
    return %c0_i32, %c0_i32_0 : i32, i32
  }
  func.func @transform_8(%arg0: i32) -> i32 {
    %c0_i32 = arith.constant 0 : i32
    %c0_i32_0 = arith.constant 0 : i32
    return %c0_i32 : i32
  }
  func.func @transform_9(%arg0: i32) -> (i32, i32) {
    %c0_i32 = arith.constant 0 : i32
    %c0_i32_0 = arith.constant 0 : i32
    return %c0_i32, %arg0 : i32, i32
  }
  func.func @transform_10(%arg0: i32) -> (i32, i32) {
    %c0_i32 = arith.constant 0 : i32
    %c0_i32_0 = arith.constant 0 : i32
    return %c0_i32, %arg0 : i32, i32
  }
}

</mosaic_0001>

<sc_bundles>
// kernel: kernel.4.cloned.1.call-start
scs
__scs_entry_jumppad:
0x0: {  	(pc) =	sbr.rel $0x88, $3  }
0x1: {  	(tag) =	ssettag $0x0;
	lr =	simm.s32 $0x1  }
0x2: {  	[smem:$0x3F98] =	sst lr;
	_ =	strace $0xD0000000  }
0x3: {  	_ = 	snop  }
0x4: {  	_ = 	snop  }
0x5: {  	_ = 	snop  }
0x6: {  	_ = 	snop  }
0x7: {  	_ = 	snop  }
__scs_overlays_trampoline_lowered:
0x8: {  	[smem:$0x3FA7] =	sst s0  }
0x9: {  	[smem:$0x3FA8] =	sst s1  }
0xa: {  	[smem:$0x3FA9] =	sst s2  }
0xb: {  	[smem:$0x3FAA] =	sst s3  }
0xc: {  	[smem:$0x3FAB] =	sst s4  }
0xd: {  	[smem:$0x3FAC] =	sst s5  }
0xe: {  	[smem:$0x3FAD] =	sst s6  }
0xf: {  	[smem:$0x3FAE] =	sst s7  }
0x10: {  	[smem:$0x3FAF] =	sst s8  }
0x11: {  	[smem:$0x3FB0] =	sst s9;
	s0 =	simm.s32 @!p0 $0x0  }
0x12: {  	s1 =	sld [smem:$0x3F96];
	s0 =	simm.s32 @p0 $0x1  }
0x13: {  	[smem:$0x3FB1] =	sst s0;
	s0 =	simm.s32 @!p1 $0x0  }
0x14: {  	s2 =	sld [smem:$0x3F95];
	s0 =	simm.s32 @p1 $0x1  }
0x15: {  	[smem:$0x3FB2] =	sst s0;
	s0 =	simm.s32 @!p2 $0x0  }
0x16: {  	s3 =	sld [smem:$0x3FDB];
	s0 =	simm.s32 @p2 $0x1  }
0x17: {  	s4 =	simm.s32 $0x1BF5;
	[smem:$0x3FB4] =	sst s0  }
0x18: {  	s0 =	sld [smem:$0x3F97];
	_ =	swait.ge [sflag:s4], $0x0  }
0x19: {  	s7 =	sld [smem:$0x3F98]  }
0x1a: {  	s8 =	sadd.s32 $0xFFFFE003, lr  }
0x1b: {  	s9 =	sadd.s32 $0xFFFFFEF7, lr;
	s5 =	simm.s32 $0xFFFFFFFF;
	p2 =	slt.u32 s8, $0xFFFFF086  }
0x1c: {  	p1 =	slt.u32 s9, $0xF7A;
	s5 =	simm.s32 @!p2 $0x0  }
0x1d: {  	s5 =	simm.s32 @p1 $0x1;
	p0 =	seq.s32 s7, s2  }
0x1e: {  	s7 =	smul.u32 @!p0 $0xF7A, s2;
	p2 =	seq.s32 @!p0 s5, $0x0  }
0x1f: {  	s9 =	smul.u32 $0xF7A, s1;
	s8 =	simm.s32 @!p0 $0x1BF5;
	p2 =	por !p2, p0  }
0x20: {  	[sflag:s8] =	ssyncset.s32 @!p0 $0xFFFFF086;
	s6 =	sadd.s32 @!p0 s3, s7;
	s7 =	simm.s32 @!p0 $0x108  }
0x21: {  	s3 =	sadd.s32 s3, s9;
	s6 =	sadd.s32 @!p0 $0x88, s6;
	s7 =	simm.s32 @p2 $0x1082  }
0x22: {  	[simem:s7], [sflag:s8] =	dma.local @!p0 [hbm:s6], $0xF7A  }
0x23: {  	s9 =	sor.u32 $0xD0000000, s2;
	s6 =	simm.s32 $0x108;
	_ =	swait.ge @!p0 [sflag:s8], $0x0  }
0x24: {  	s3 =	sadd.s32 $0x88, s3;
	s6 =	simm.s32 @!p1 $0x1082;
	[sflag:s4] =	ssyncset.s32 $0xFFFFF086  }
0x25: {  	[simem:s6], [sflag:s4] =	dma.local [hbm:s3], $0xF7A  }
0x26: {  	[smem:$0x3F98] =	sst s1;
	(tag) =	ssettag s2;
	_ =	strace s9  }
0x27: {  	s1 =	sld [smem:$0x3FA8]  }
0x28: {  	s2 =	sld [smem:$0x3FA9]  }
0x29: {  	s4 =	sld [smem:$0x3FAB]  }
0x2a: {  	p0 =	seq.s32 s5, $0x0;
	s5 =	sld [smem:$0x3FAC]  }
0x2b: {  	s6 =	sld [smem:$0x3FAD]  }
0x2c: {  	s7 =	sld [smem:$0x3FAE]  }
0x2d: {  	s3 =	simm.s32 $0x108;
	s8 =	sld [smem:$0x3FAF]  }
0x2e: {  	s3 =	simm.s32 @!p0 $0x1082;
	s9 =	sld [smem:$0x3FB0]  }
0x2f: {  	lr =	sadd.s32 s0, s3;
	s0 =	sld [smem:$0x3FA7]  }
0x30: {  	s3 =	sld [smem:$0x3FAA]  }
0x31: {  	[smem:$0x3FB3] =	sst s10  }
0x32: {  	s10 =	sld [smem:$0x3FB1];
	_ =	sdelay $0x3  }
0x33: {  	p0 =	seq.s32 s10, $0x1;
	s10 =	sld [smem:$0x3FB3];
	_ =	sdelay $0x3  }
0x34: {  	[smem:$0x3FB3] =	sst s10  }
0x35: {  	s10 =	sld [smem:$0x3FB2];
	_ =	sdelay $0x3  }
0x36: {  	p1 =	seq.s32 s10, $0x1;
	s10 =	sld [smem:$0x3FB3];
	_ =	sdelay $0x3  }
0x37: {  	[smem:$0x3FB3] =	sst s10  }
0x38: {  	s10 =	sld [smem:$0x3FB4]  }
0x39: {  	_ = 	snop;
	(pc) =	sbr.ind lr, $3  }
0x3a: {  	_ = 	snop  }
0x3b: {  	_ = 	snop  }
0x3c: {  	p2 =	seq.s32 s10, $0x1;
	s10 =	sld [smem:$0x3FB3]  }
0x3d: {  	_ =	shalt  }
0x3e: {  	_ =	shalt  }
0x3f: {  	_ =	shalt  }
0x40: {  	_ =	shalt  }
0x41: {  	_ =	shalt  }
0x42: {  	_ =	shalt  }
0x43: {  	_ =	shalt  }
0x44: {  	_ =	shalt  }
0x45: {  	_ =	shalt  }
0x46: {  	_ =	shalt  }
0x47: {  	_ =	shalt  }
0x48: {  	_ =	shalt  }
0x49: {  	_ =	shalt  }
0x4a: {  	_ =	shalt  }
0x4b: {  	_ =	shalt  }
0x4c: {  	_ =	shalt  }
0x4d: {  	_ =	shalt  }
0x4e: {  	_ =	shalt  }
0x4f: {  	_ =	shalt  }
0x50: {  	_ =	shalt  }
0x51: {  	_ =	shalt  }
0x52: {  	_ =	shalt  }
0x53: {  	_ =	shalt  }
0x54: {  	_ =	shalt  }
0x55: {  	_ =	shalt  }
0x56: {  	_ =	shalt  }
0x57: {  	_ =	shalt  }
0x58: {  	_ =	shalt  }
0x59: {  	_ =	shalt  }
0x5a: {  	_ =	shalt  }
0x5b: {  	_ =	shalt  }
0x5c: {  	_ =	shalt  }
0x5d: {  	_ =	shalt  }
0x5e: {  	_ =	shalt  }
0x5f: {  	_ =	shalt  }
0x60: {  	_ =	shalt  }
0x61: {  	_ =	shalt  }
0x62: {  	_ =	shalt  }
0x63: {  	_ =	shalt  }
0x64: {  	_ =	shalt  }
0x65: {  	_ =	shalt  }
0x66: {  	_ =	shalt  }
0x67: {  	_ =	shalt  }
0x68: {  	_ =	shalt  }
0x69: {  	_ =	shalt  }
0x6a: {  	_ =	shalt  }
0x6b: {  	_ =	shalt  }
0x6c: {  	_ =	shalt  }
0x6d: {  	_ =	shalt  }
0x6e: {  	_ =	shalt  }
0x6f: {  	_ =	shalt  }
0x70: {  	_ =	shalt  }
0x71: {  	_ =	shalt  }
0x72: {  	_ =	shalt  }
0x73: {  	_ =	shalt  }
0x74: {  	_ =	shalt  }
0x75: {  	_ =	shalt  }
0x76: {  	_ =	shalt  }
0x77: {  	_ =	shalt  }
0x78: {  	_ =	shalt  }
0x79: {  	_ =	shalt  }
0x7a: {  	_ =	shalt  }
0x7b: {  	_ =	shalt  }
0x7c: {  	_ =	shalt  }
0x7d: {  	_ =	shalt  }
0x7e: {  	_ =	shalt  }
0x7f: {  	_ =	shalt  }
0x80: {  	_ =	shalt  }
0x81: {  	_ =	shalt  }
0x82: {  	_ =	shalt  }
0x83: {  	_ =	shalt  }
0x84: {  	_ =	shalt  }
0x85: {  	_ =	shalt  }
0x86: {  	_ =	shalt  }
0x87: {  	_ =	shalt  }
.Lfunc_end0:
.L_simem_size_0:
called_computation_lowered:
.L_overlay_start_0:
0x88: {  	s2 =	sld [smem:$0x3FD9]  }
0x89: {  	s3 =	sld [smem:$0x3FFE];
	_ =	sdelay $0x1  }
0x8a: {  	s1 =	srdreg.scid  }
0x8b: {  	s0 =	sand.u32 $0x1, s1  }
0x8c: {  	s16 =	sshll.u32 s0, $0xA;
	s2 =	sadd.s32 s3, s2  }
0x8d: {  	s2 =	sadd.s32 s2, s16  }
0x8e: {  	[smem:$0x3FBF] =	sst s2  }
0x8f: {  	_ = 	snop  }
0x90: {  	(tm) =	ssettm $0x1  }
0x91: {  	s17 =	sld [smem:$0x3FFB];
	_ =	sdelay $0x3  }
0x92: {  	_ =	strace s17  }
0x93: {  	s2 =	sld [smem:$0x3FFC];
	_ =	sdelay $0x3  }
0x94: {  	_ =	strace s2  }
0x95: {  	s2 =	sld [smem:$0x3FFD];
	_ =	sdelay $0x3  }
0x96: {  	_ =	strace s2  }
0x97: {  	_ =	strace $0x8FFFFFFF  }
0x98: {  	s18 =	sld [smem:$0x3FDB];
	_ =	sdelay $0x1  }
0x99: {  	s19 =	simm.s32 $_scs_section_size  }
0x9a: {  	s4 =	simm.s32 $_size__tile_overlayer_lowered;
	s5 =	simm.s32 $_tile_overlayer_lowered  }
0x9b: {  	s22 =	simm.s32 $0x1BFF;
	s21 =	sshll.u32 s5, $0x1;
	s2 =	sadd.s32 s19, s18  }
0x9c: {  	s6 =	simm.s32 $0x0;
	s20 =	sshll.u32 s4, $0x1;
	s4 =	sadd.s32 s21, s2  }
0x9d: {  	[timem:s6], [sflag:s22] =	dma.local [hbm:s4], s20  }
0x9e: {  	_ =	swait.ge [sflag:s22], s20  }
0x9f: {  	s3 =	ssub.s32 $0x0, s20;
	[sflag:s22] =	ssyncset.done $0x0  }
0xa0: {  	[sflag:s22] =	ssyncadd.s32 s3;
	_ =	sdelay $0x1  }
0xa1: {  	s23 =	simm.s32 $0x1B8B  }
0xa2: {  	_ =	swait.ge [sflag:s23], $0x1  }
0xa3: {  	[sflag:s23] =	ssyncset.done $0x0  }
0xa4: {  	s25 =	simm.s32 $0x1B8E;
	s24 =	sld [smem:$0x3FFE];
	[sflag:s23] =	ssyncadd.s32 $0xFFFFFFFF  }
0xa5: {  	s26 =	simm.s32 $execute0_lowered;
	[smem:$0x3FD2] =	sst s25  }
0xa6: {  	s4 =	sshll.u32 s26, $0x1;
	_ =	strace $0x80000046;
	[dreg:$0x1] =	wrdreg $0xFFFFFFFF  }
0xa7: {  	s28 =	simm.s32 $_size_execute0_lowered;
	s2 =	sadd.s32 s2, s4;
	[dreg:$0x0] =	wrdreg $0x0  }
0xa8: {  	s4 =	sshll.u32 s28, $0x1;
	[dreg:$0x2] =	wrdreg s2  }
0xa9: {  	[dreg:$0x3] =	wrdreg s4  }
0xaa: {  	[dreg:$0x4] =	wrdreg $0xC0  }
0xab: {  	_ =	task [dreg:s6], $0x5FFFF  }
0xac: {  	[dreg:$0x1] =	wrdreg $0xFFFFFFFF  }
0xad: {  	[dreg:$0x0] =	wrdreg $0x60  }
0xae: {  	[dreg:$0x2] =	wrdreg s24  }
0xaf: {  	[dreg:$0x3] =	wrdreg $0x6C000  }
0xb0: {  	[dreg:$0x4] =	wrdreg $0x9  }
0xb1: {  	_ =	task.clear_ibuf [dreg:s6], $0x5FFFF;
	_ =	strace $0x90000046  }
0xb2: {  	s29 =	simm.s32 $0x9;
	_ =	strace $0x80000048  }
0xb3: {  	_ =	swait.ge [sflag:s29], $0x1  }
0xb4: {  	[sflag:s29] =	ssyncadd.s32 $0xFFFFFFFF  }
0xb5: {  	_ =	strace $0x90000048  }
0xb6: {  	_ =	sfence  }
0xb7: {  	s30 =	sld [smem:$0x0];
	_ =	sdelay $0x2  }
0xb8: {  	s31 =	sshll.u32 s1, $0xD;
	s1 =	sshrl.u32 s1, $0x2  }
0xb9: {  	s3 =	sand.u32 $0x4000, s31;
	s1 =	sadd.s32 s1, s30  }
0xba: {  	s0 =	sor.u32 s3, s0;
	s1 =	sshll.u32 s1, $0x11  }
0xbb: {  	s0 =	sor.u32 s1, s0  }
0xbc: {  	s0 =	sadd.s32 $0x8F2B, s0  }
0xbd: {  	[sflag:s0] =	ssyncadd.remote.s32 $0x1  }
0xbe: {  	_ =	sfence.sel $0xFFFF  }
0xbf: {  	[dreg:$0x0] =	wrdreg $0xFFFFFFFF;
	(pc) =	sbr.abs _section_cstart, $3  }
0xc0: {  	[dreg:$0x1] =	wrdreg $0xFFFFFFFF  }
0xc1: {  	_ =	task.clear_ibuf [dreg:s6], $0x2FFFF;
	_ =	strace $0x9FFFFFFF  }
0xc2: {  	(tm) =	ssettm $0x7FFFFFFF  }
0xc3: {  	_ =	shalt  }
tec
execute0_lowered:
.L_overlay_start_1:
0x0: {  	(tag) =	ssettag $0x1  }
0x1: {  	s1 =	rddreg [dreg:$0x0]  }
0x2: {  	s2 =	rddreg [dreg:$0x1]  }
0x3: {  	s3 =	simm.s32 $0x0;
	s0 =	srdreg.scid;
	s12 =	stileid.u32  }
0x4: {  	s29 =	simm.s32 $0x2400;
	s31 =	simm.s32 $0x2C00;
	s5 =	smul.u32 $0x18700, s12  }
0x5: {  	s28 =	simm.s32 $0xA80;
	s30 =	simm.s32 $0xB00;
	s8 =	smul.u32 $0x61C00, s12  }
0x6: {  	[smem:$0x7FF] =	sst s3;
	s0 =	sand.u32 $0x1, s0;
	s14 =	smul.u32 $0x18C00, s12  }
0x7: {  	s4 =	sadd.s32 $0x2C00, s1;
	s7 =	sadd.s32 $0x64C00, s1;
	s25 =	smul.u32 $0x3180, s12  }
0x8: {  	s9 =	sadd.s32 $0x96400, s1;
	s6 =	smul.u32 $0x187000, s0;
	s10 =	ssub.s32 $0x2, s0  }
0x9: {  	_ =	strace $0x80000047;
	s11 =	sshrl.u32 s10, $0x1;
	s8 =	sshrl.u32 s8, $0x2  }
0xa: {  	s15 =	sadd.s32 s5, s2;
	s24 =	sshrl.u32 s14, $0x3;
	s6 =	sadd.s32 s5, s6  }
0xb: {  	s13 =	ssub.s32 s10, s11;
	s10 =	sadd.s32 s7, s24;
	[dreg:$0x3] =	wrdreg s15  }
0xc: {  	s8 =	sadd.s32 s8, s2;
	s5 =	sadd.s32 s9, s24;
	[dreg:$0xc] =	wrdreg s10  }
0xd: {  	s12 =	simm.s32 $0x4C00;
	s16 =	sadd.s32 $0x3000, s8;
	[dreg:$0xd] =	wrdreg s5  }
0xe: {  	v0 =	vmov s0;
	s0 =	simm.s32 $0xB80;
	s17 =	sadd.s32 $0x6000, s8;
	[dreg:$0x4] =	wrdreg s16  }
0xf: {  	s14 =	simm.s32 $0x5400;
	s18 =	sadd.s32 $0x9000, s8;
	[dreg:$0x5] =	wrdreg s17  }
0x10: {  	s24 =	simm.s32 $0x1400;
	s19 =	sadd.s32 $0xC000, s8;
	[dreg:$0x6] =	wrdreg s18  }
0x11: {  	s11 =	simm.s32 $0x0;
	s20 =	sadd.s32 $0xF000, s8;
	[dreg:$0x7] =	wrdreg s19  }
0x12: {  	s6 =	sshrl.u32 s6, $0x3;
	s21 =	sadd.s32 $0x12000, s8;
	[dreg:$0x8] =	wrdreg s20  }
0x13: {  	s22 =	sadd.s32 $0x15000, s8;
	s23 =	sadd.s32 $0x18000, s8;
	[dreg:$0x9] =	wrdreg s21  }
0x14: {  	s26 =	smax.u32 s13, $0x1;
	s8 =	simm.s32 $0x3C00;
	[dreg:$0xa] =	wrdreg s22  }
0x15: {  	s10 =	simm.s32 $0x4400;
	s5 =	simm.s32 $0x6400;
	[dreg:$0xb] =	wrdreg s23  }
0x16: {  	s13 =	simm.s32 $0x2;
	s1 =	sadd.s32 s6, s1;
	[dreg:$0xf] =	wrdreg s26  }
.Ltmp0:
0x17: {  	s18 =	sadd.s32 s25, s9;
	s19 =	sadd.s32 s25, s7;
	(pc) =	sbr.rel .LBB2_1-.Ltmp0, $4  }
0x18: {  	s20 =	simm.s32 $0xC00;
	s21 =	simm.s32 $0x3;
	s22 =	simm.s32 $0x600  }
0x19: {  	s23 =	simm.s32 $0x80;
	s26 =	simm.s32 $0x1C00;
	s6 =	simm.s32 $0x300  }
0x1a: {  	s7 =	simm.s32 $0x900;
	s16 =	simm.s32 $0x5C00;
	s1 =	sadd.s32 $0xC7C00, s1  }
0x1b: {  	v1 =	vimm.f32 $0.0e+00;
	s25 =	simm.s32 $0x1;
	[dreg:$0xe] =	wrdreg s1;
	s1 =	simm.s32 $0x3400  }
.LBB2_7:
0x1c: {  	s9 =	stileid.u32;
	[bflag:$0x0] =	sbarrier.arrive $0xFFFF  }
0x1d: {  	s9 =	sshll.u32 s9, $0x6;
	s15 =	rddreg [dreg:$0x3]  }
0x1e: {  	s17 =	rddreg [dreg:$0xe];
	s9 =	sor.u32 $0x1C03, s9;
	s11 =	sshrl.u32 s15, $0x3  }
0x1f: {  	[hbm:s17], [sflag:s9] =	dma.local [spmem:s11], $0x30E0  }
0x20: {  	_ =	swait.ge [sflag:s21], $0x30E0  }
0x21: {  	s9 =	rddreg [dreg:$0x10]  }
0x22: {  	s17 =	rddreg [dreg:$0xf];
	s11 =	sadd.s32 $0x1, s9  }
0x23: {  	p0 =	sne.s32 s11, s17  }
.Ltmp1:
0x24: {  	_ = 	snop;
	(pc) =	sbr.rel @!p0 .LBB2_8-.Ltmp1, $3  }
0x25: {  	_ =	sdelay $0x1  }
0x26: {  	[sflag:s21] =	ssyncset.done $0x0  }
0x27: {  	[sflag:s21] =	ssyncadd.s32 $0xFFFFCF20  }
.LBB2_1:
0x28: {  	[dreg:$0x10] =	wrdreg s11;
	s9 =	simm.s32 $0x40;
	s11 =	simm.s32 $0x0  }
.LBB2_2:
0x29: {  	p0 =	sne.s32 s9, $0xBFC0;
	[tilespmem:s11+$0xC00] =	vst v1;
	s11 =	smov.u32 s9;
	s9 =	sadd.s32 $0x40, s9  }
.Ltmp2:
0x2a: {  	(pc) =	sbr.rel @p0 .LBB2_2-.Ltmp2, $2  }
0x2b: {  	_ =	sdelay $0x2  }
0x2c: {  	s11 =	sshra.s32 s11, $0x2  }
0x2d: {  	[tilespmem:s11+$0xC00] =	vst v1  }
0x2e: {  	[spmem:s15] =	stream.linear.scatter [tilespmem:s20], [sflag:$0x3], $0x3000, $0x38;
	[tilespmem:$0x1F300] =	vst v63  }
0x2f: {  	_ =	swait.ge [sflag:s21], $0x3000  }
0x30: {  	[sflag:s21] =	ssyncset.done $0x0  }
0x31: {  	s9 =	rddreg [dreg:$0x4];
	[sflag:s21] =	ssyncadd.s32 $0xFFFFD000  }
0x32: {  	[spmem:s9] =	stream.linear.scatter [tilespmem:s20], [sflag:$0x3], $0x3000, $0x38;
	[tilespmem:$0x1F300] =	vst v63  }
0x33: {  	_ =	swait.ge [sflag:s21], $0x3000  }
0x34: {  	[sflag:s21] =	ssyncset.done $0x0  }
0x35: {  	s11 =	rddreg [dreg:$0x5];
	[sflag:s21] =	ssyncadd.s32 $0xFFFFD000  }
0x36: {  	[spmem:s11] =	stream.linear.scatter [tilespmem:s20], [sflag:$0x3], $0x3000, $0x38;
	[tilespmem:$0x1F300] =	vst v63  }
0x37: {  	_ =	swait.ge [sflag:s21], $0x3000  }
0x38: {  	[sflag:s21] =	ssyncset.done $0x0  }
0x39: {  	s15 =	rddreg [dreg:$0x6];
	[sflag:s21] =	ssyncadd.s32 $0xFFFFD000  }
0x3a: {  	[spmem:s15] =	stream.linear.scatter [tilespmem:s20], [sflag:$0x3], $0x3000, $0x38;
	[tilespmem:$0x1F300] =	vst v63  }
0x3b: {  	_ =	swait.ge [sflag:s21], $0x3000  }
0x3c: {  	[sflag:s21] =	ssyncset.done $0x0  }
0x3d: {  	s17 =	rddreg [dreg:$0x7];
	[sflag:s21] =	ssyncadd.s32 $0xFFFFD000  }
0x3e: {  	[spmem:s17] =	stream.linear.scatter [tilespmem:s20], [sflag:$0x3], $0x3000, $0x38;
	[tilespmem:$0x1F300] =	vst v63  }
0x3f: {  	_ =	swait.ge [sflag:s21], $0x3000  }
0x40: {  	[sflag:s21] =	ssyncset.done $0x0  }
0x41: {  	s11 =	rddreg [dreg:$0x8];
	[sflag:s21] =	ssyncadd.s32 $0xFFFFD000  }
0x42: {  	[spmem:s11] =	stream.linear.scatter [tilespmem:s20], [sflag:$0x3], $0x3000, $0x38;
	[tilespmem:$0x1F300] =	vst v63  }
0x43: {  	_ =	swait.ge [sflag:s21], $0x3000  }
0x44: {  	[sflag:s21] =	ssyncset.done $0x0  }
0x45: {  	s15 =	rddreg [dreg:$0x9];
	[sflag:s21] =	ssyncadd.s32 $0xFFFFD000  }
0x46: {  	[spmem:s15] =	stream.linear.scatter [tilespmem:s20], [sflag:$0x3], $0x3000, $0x38;
	[tilespmem:$0x1F300] =	vst v63  }
0x47: {  	_ =	swait.ge [sflag:s21], $0x3000  }
0x48: {  	[sflag:s21] =	ssyncset.done $0x0  }
0x49: {  	s17 =	rddreg [dreg:$0xa];
	[sflag:s21] =	ssyncadd.s32 $0xFFFFD000  }
0x4a: {  	[spmem:s17] =	stream.linear.scatter [tilespmem:s20], [sflag:$0x3], $0x3000, $0x38;
	[tilespmem:$0x1F300] =	vst v63  }
0x4b: {  	_ =	swait.ge [sflag:s21], $0x3000  }
0x4c: {  	[sflag:s21] =	ssyncset.done $0x0  }
0x4d: {  	s11 =	rddreg [dreg:$0xb];
	[sflag:s21] =	ssyncadd.s32 $0xFFFFD000  }
0x4e: {  	[spmem:s11] =	stream.linear.scatter [tilespmem:s20], [sflag:$0x3], $0x700, $0x38;
	[tilespmem:$0x1F300] =	vst v63  }
0x4f: {  	_ =	swait.ge [sflag:s21], $0x700  }
0x50: {  	[sflag:s21] =	ssyncset.done $0x0  }
0x51: {  	[sflag:s21] =	ssyncadd.s32 $0xFFFFF900  }
0x52: {  	[bflag:$0x0] =	sbarrier.arrive $0xFFFF  }
0x53: {  	s9 =	simm.s32 $0x0;
	s15 =	rddreg [dreg:$0xc]  }
0x54: {  	[tilespmem:s9], [sflag:$0x3] =	stream.linear.gather [hbm4b:s15+s9], $0x300, $0x38;
	[tilespmem:$0x1F300] =	vst v63  }
0x55: {  	_ =	swait.ge [sflag:s21], $0x300  }
0x56: {  	[sflag:s21] =	ssyncset.done $0x0  }
0x57: {  	s17 =	rddreg [dreg:$0xd];
	[sflag:s21] =	ssyncadd.s32 $0xFFFFFD00  }
0x58: {  	[tilespmem:s22], [sflag:$0x3] =	stream.linear.gather [hbm4b:s17+s9], $0x300, $0x38;
	[tilespmem:$0x1F300] =	vst v63  }
0x59: {  	_ =	swait.ge [sflag:s21], $0x300  }
0x5a: {  	[sflag:s21] =	ssyncset.done $0x0  }
0x5b: {  	[sflag:s21] =	ssyncadd.s32 $0xFFFFFD00  }
0x5c: {  	v2 =	vld [tilespmem:$0x0]  }
0x5d: {  	v3 =	vld [tilespmem:$0x10]  }
0x5e: {  	v4 =	vld [tilespmem:$0x20]  }
0x5f: {  	v5 =	vld [tilespmem:$0x30]  }
0x60: {  	v6 =	vld [tilespmem:$0x40]  }
0x61: {  	v7 =	vld [tilespmem:$0x50];
	v2 =	vadd.s32 v0, v2  }
0x62: {  	[tilespmem:$0x0] =	vst v2;
	v2 =	vadd.s32 v0, v3;
	v3 =	vld [tilespmem:$0x60]  }
0x63: {  	v31 =	vld [tilespmem:$0x70];
	[tilespmem:$0x10] =	vst v2;
	v2 =	vadd.s32 v0, v4  }
0x64: {  	v32 =	vld [tilespmem:$0x80];
	[tilespmem:$0x20] =	vst v2;
	v2 =	vadd.s32 v0, v5  }
0x65: {  	v33 =	vld [tilespmem:$0x90];
	[tilespmem:$0x30] =	vst v2;
	v2 =	vadd.s32 v0, v6  }
0x66: {  	v34 =	vld [tilespmem:$0xA0];
	[tilespmem:$0x40] =	vst v2;
	v2 =	vadd.s32 v0, v7  }
0x67: {  	[tilespmem:$0x50] =	vst v2;
	v2 =	vadd.s32 v0, v3;
	v3 =	vld [tilespmem:$0xB0]  }
0x68: {  	v35 =	vld [tilespmem:$0xC0];
	[tilespmem:$0x60] =	vst v2;
	v2 =	vadd.s32 v0, v31  }
0x69: {  	v36 =	vld [tilespmem:$0xD0];
	[tilespmem:$0x70] =	vst v2;
	v2 =	vadd.s32 v0, v32  }
0x6a: {  	v37 =	vld [tilespmem:$0xE0];
	[tilespmem:$0x80] =	vst v2;
	v2 =	vadd.s32 v0, v33  }
0x6b: {  	v38 =	vld [tilespmem:$0xF0];
	[tilespmem:$0x90] =	vst v2;
	v2 =	vadd.s32 v0, v34  }
0x6c: {  	[tilespmem:$0xA0] =	vst v2;
	v2 =	vadd.s32 v0, v3;
	v3 =	vld [tilespmem:$0x100]  }
0x6d: {  	v39 =	vld [tilespmem:$0x110];
	[tilespmem:$0xB0] =	vst v2;
	v2 =	vadd.s32 v0, v35  }
0x6e: {  	v40 =	vld [tilespmem:$0x120];
	[tilespmem:$0xC0] =	vst v2;
	v2 =	vadd.s32 v0, v36  }
0x6f: {  	v41 =	vld [tilespmem:$0x130];
	[tilespmem:$0xD0] =	vst v2;
	v2 =	vadd.s32 v0, v37  }
0x70: {  	v42 =	vld [tilespmem:$0x140];
	[tilespmem:$0xE0] =	vst v2;
	v2 =	vadd.s32 v0, v38  }
0x71: {  	[tilespmem:$0xF0] =	vst v2;
	v2 =	vadd.s32 v0, v3;
	v3 =	vld [tilespmem:$0x150]  }
0x72: {  	v43 =	vld [tilespmem:$0x160];
	[tilespmem:$0x100] =	vst v2;
	v2 =	vadd.s32 v0, v39  }
0x73: {  	v44 =	vld [tilespmem:$0x170];
	[tilespmem:$0x110] =	vst v2;
	v2 =	vadd.s32 v0, v40  }
0x74: {  	v45 =	vld [tilespmem:$0x180];
	[tilespmem:$0x120] =	vst v2;
	v2 =	vadd.s32 v0, v41  }
0x75: {  	v46 =	vld [tilespmem:$0x190];
	[tilespmem:$0x130] =	vst v2;
	v2 =	vadd.s32 v0, v42  }
0x76: {  	[tilespmem:$0x140] =	vst v2;
	v2 =	vadd.s32 v0, v3;
	v3 =	vld [tilespmem:$0x1A0]  }
0x77: {  	v47 =	vld [tilespmem:$0x1B0];
	[tilespmem:$0x150] =	vst v2;
	v2 =	vadd.s32 v0, v43  }
0x78: {  	v48 =	vld [tilespmem:$0x1C0];
	[tilespmem:$0x160] =	vst v2;
	v2 =	vadd.s32 v0, v44  }
0x79: {  	v49 =	vld [tilespmem:$0x1D0];
	[tilespmem:$0x170] =	vst v2;
	v2 =	vadd.s32 v0, v45  }
0x7a: {  	v50 =	vld [tilespmem:$0x1E0];
	[tilespmem:$0x180] =	vst v2;
	v2 =	vadd.s32 v0, v46  }
0x7b: {  	[tilespmem:$0x190] =	vst v2;
	v2 =	vadd.s32 v0, v3;
	v3 =	vld [tilespmem:$0x1F0]  }
0x7c: {  	v51 =	vld [tilespmem:$0x200];
	[tilespmem:$0x1A0] =	vst v2;
	v2 =	vadd.s32 v0, v47  }
0x7d: {  	v52 =	vld [tilespmem:$0x210];
	[tilespmem:$0x1B0] =	vst v2;
	v2 =	vadd.s32 v0, v48  }
0x7e: {  	v53 =	vld [tilespmem:$0x220];
	[tilespmem:$0x1C0] =	vst v2;
	v2 =	vadd.s32 v0, v49  }
0x7f: {  	v54 =	vld [tilespmem:$0x230];
	[tilespmem:$0x1D0] =	vst v2;
	v2 =	vadd.s32 v0, v50  }
0x80: {  	[tilespmem:$0x1E0] =	vst v2;
	v2 =	vadd.s32 v0, v3;
	v3 =	vld [tilespmem:$0x240]  }
0x81: {  	v55 =	vld [tilespmem:$0x250];
	[tilespmem:$0x1F0] =	vst v2;
	v2 =	vadd.s32 v0, v51  }
0x82: {  	v56 =	vld [tilespmem:$0x260];
	[tilespmem:$0x200] =	vst v2;
	v2 =	vadd.s32 v0, v52  }
0x83: {  	v57 =	vld [tilespmem:$0x270];
	[tilespmem:$0x210] =	vst v2;
	v2 =	vadd.s32 v0, v53  }
0x84: {  	v58 =	vld [tilespmem:$0x280];
	[tilespmem:$0x220] =	vst v2;
	v2 =	vadd.s32 v0, v54  }
0x85: {  	[tilespmem:$0x230] =	vst v2;
	v2 =	vadd.s32 v0, v3;
	v3 =	vld [tilespmem:$0x290]  }
0x86: {  	v59 =	vld [tilespmem:$0x2A0];
	[tilespmem:$0x240] =	vst v2;
	v2 =	vadd.s32 v0, v55  }
0x87: {  	v60 =	vld [tilespmem:$0x2B0];
	[tilespmem:$0x250] =	vst v2;
	v2 =	vadd.s32 v0, v56  }
0x88: {  	v61 =	vld [tilespmem:$0x2C0];
	[tilespmem:$0x260] =	vst v2;
	v2 =	vadd.s32 v0, v57  }
0x89: {  	v62 =	vld [tilespmem:$0x2D0];
	[tilespmem:$0x270] =	vst v2;
	v2 =	vadd.s32 v0, v58  }
0x8a: {  	[tilespmem:$0x280] =	vst v2;
	v2 =	vadd.s32 v0, v3;
	v3 =	vld [tilespmem:$0x2E0]  }
0x8b: {  	v63 =	vld [tilespmem:$0x2F0];
	[tilespmem:$0x290] =	vst v2;
	v2 =	vadd.s32 v0, v59  }
0x8c: {  	[tilespmem:$0x2A0] =	vst v2;
	v2 =	vadd.s32 v0, v60  }
0x8d: {  	[tilespmem:$0x2B0] =	vst v2;
	v2 =	vadd.s32 v0, v61  }
0x8e: {  	[tilespmem:$0x2C0] =	vst v2;
	v2 =	vadd.s32 v0, v62  }
0x8f: {  	[tilespmem:$0x2D0] =	vst v2;
	v2 =	vadd.s32 v0, v3  }
0x90: {  	[tilespmem:$0x2E0] =	vst v2;
	v2 =	vadd.s32 v0, v63  }
0x91: {  	[tilespmem:$0x2F0] =	vst v2  }
0x92: {  	[tilespmem:s20], [sflag:$0x1] =	stream.indirect.gather [hbm4b:s4+s23], $0x10, s9, s23, $0xb8;
	[tilespmem:$0x1F300] =	vst v63  }
0x93: {  	_ = 	snop  }
0x94: {  	[tilespmem:s24], [sflag:$0x1] =	stream.indirect.gather [hbm4b:s4+s23], $0x10, s23, s23, $0xb8;
	[tilespmem:$0x1F300] =	vst v63  }
0x95: {  	s15 =	simm.s32 $0x100  }
0x96: {  	[tilespmem:s26], [sflag:$0x1] =	stream.indirect.gather [hbm4b:s4+s23], $0x10, s15, s23, $0xb8;
	[tilespmem:$0x1F300] =	vst v63  }
0x97: {  	s17 =	simm.s32 $0x180  }
0x98: {  	[tilespmem:s29], [sflag:$0x1] =	stream.indirect.gather [hbm4b:s4+s23], $0x10, s17, s23, $0xb8;
	[tilespmem:$0x1F300] =	vst v63  }
.Ltmp3:
0x99: {  	_ = 	snop;
	(pc) =	sbr.rel .LBB2_4-.Ltmp3, $4  }
0x9a: {  	s15 =	simm.s32 $0x200  }
0x9b: {  	[tilespmem:s31], [sflag:$0x1] =	stream.indirect.gather [hbm4b:s4+s23], $0x10, s15, s23, $0xb8;
	[tilespmem:$0x1F300] =	vst v63  }
0x9c: {  	s17 =	simm.s32 $0x280  }
0x9d: {  	[tilespmem:s1], [sflag:$0x1] =	stream.indirect.gather [hbm4b:s4+s23], $0x10, s17, s23, $0xb8;
	[tilespmem:$0x1F300] =	vst v63  }
.LBB2_6:
0x9e: {  	_ =	swait.ge [sflag:s13], $0x3000  }
0x9f: {  	[sflag:s13] =	ssyncset.done $0x0  }
0xa0: {  	[sflag:s13] =	ssyncadd.s32 $0xFFFFD000  }
0xa1: {  	[spmem:s2] =	stream.indirect.scatter.add.f32 [tilespmem:s8], [sflag:$0x3], $0x10, s7, s23, $0xb8;
	[tilespmem:$0x1F300] =	vst v63  }
0xa2: {  	_ =	swait.ge [sflag:s21], $0x800  }
0xa3: {  	[sflag:s21] =	ssyncset.done $0x0  }
0xa4: {  	s11 =	simm.s32 $0x980;
	[sflag:s21] =	ssyncadd.s32 $0xFFFFF800  }
0xa5: {  	[spmem:s2] =	stream.indirect.scatter.add.f32 [tilespmem:s10], [sflag:$0x3], $0x10, s11, s23, $0xb8;
	[tilespmem:$0x1F300] =	vst v63  }
0xa6: {  	_ =	swait.ge [sflag:s21], $0x800  }
0xa7: {  	[sflag:s21] =	ssyncset.done $0x0  }
0xa8: {  	s17 =	simm.s32 $0xA00;
	[sflag:s21] =	ssyncadd.s32 $0xFFFFF800  }
0xa9: {  	[spmem:s2] =	stream.indirect.scatter.add.f32 [tilespmem:s12], [sflag:$0x3], $0x10, s17, s23, $0xb8;
	[tilespmem:$0x1F300] =	vst v63  }
0xaa: {  	_ =	swait.ge [sflag:s21], $0x800  }
0xab: {  	[sflag:s21] =	ssyncset.done $0x0  }
0xac: {  	[sflag:s21] =	ssyncadd.s32 $0xFFFFF800  }
0xad: {  	[spmem:s2] =	stream.indirect.scatter.add.f32 [tilespmem:s14], [sflag:$0x3], $0x10, s28, s23, $0xb8;
	[tilespmem:$0x1F300] =	vst v63  }
0xae: {  	_ =	swait.ge [sflag:s21], $0x800  }
0xaf: {  	[sflag:s21] =	ssyncset.done $0x0  }
0xb0: {  	[sflag:s21] =	ssyncadd.s32 $0xFFFFF800  }
0xb1: {  	[spmem:s2] =	stream.indirect.scatter.add.f32 [tilespmem:s16], [sflag:$0x3], $0x10, s30, s23, $0xb8;
	[tilespmem:$0x1F300] =	vst v63  }
0xb2: {  	s9 =	sadd.s32 $0xC0, s9;
	_ =	swait.ge [sflag:s21], $0x800  }
0xb3: {  	p0 =	sne.s32 s9, $0x3180;
	[sflag:s21] =	ssyncset.done $0x0  }
.Ltmp4:
0xb4: {  	[sflag:s21] =	ssyncadd.s32 $0xFFFFF800;
	(pc) =	sbr.rel @!p0 .LBB2_7-.Ltmp4, $4  }
0xb5: {  	[spmem:s2] =	stream.indirect.scatter.add.f32 [tilespmem:s5], [sflag:$0x3], $0x10, s0, s23, $0xb8;
	[tilespmem:$0x1F300] =	vst v63  }
0xb6: {  	_ =	swait.ge [sflag:s21], $0x800  }
0xb7: {  	[sflag:s21] =	ssyncset.done $0x0  }
0xb8: {  	[sflag:s21] =	ssyncadd.s32 $0xFFFFF800  }
.LBB2_4:
0xb9: {  	s11 =	sadd.s32 s9, s19  }
0xba: {  	s15 =	sadd.s32 $0x60, s11  }
0xbb: {  	[tilespmem:s6], [sflag:$0x3] =	stream.linear.gather [hbm4b:s15+s3], $0x300, $0x38;
	[tilespmem:$0x1F300] =	vst v63  }
0xbc: {  	_ =	swait.ge [sflag:s21], $0x300  }
0xbd: {  	s15 =	sadd.s32 s9, s18;
	[sflag:s21] =	ssyncset.done $0x0  }
0xbe: {  	s17 =	sadd.s32 $0x60, s15;
	[sflag:s21] =	ssyncadd.s32 $0xFFFFFD00  }
0xbf: {  	[tilespmem:s7], [sflag:$0x3] =	stream.linear.gather [hbm4b:s17+s3], $0x300, $0x38;
	[tilespmem:$0x1F300] =	vst v63  }
0xc0: {  	_ =	swait.ge [sflag:s21], $0x300  }
0xc1: {  	[sflag:s21] =	ssyncset.done $0x0  }
0xc2: {  	[sflag:s21] =	ssyncadd.s32 $0xFFFFFD00  }
0xc3: {  	v2 =	vld [tilespmem:$0x300]  }
0xc4: {  	v3 =	vld [tilespmem:$0x310]  }
0xc5: {  	v4 =	vld [tilespmem:$0x320]  }
0xc6: {  	v5 =	vld [tilespmem:$0x330]  }
0xc7: {  	v6 =	vld [tilespmem:$0x340]  }
0xc8: {  	v7 =	vld [tilespmem:$0x350];
	v2 =	vadd.s32 v0, v2  }
0xc9: {  	[tilespmem:$0x300] =	vst v2;
	v2 =	vadd.s32 v0, v3;
	v3 =	vld [tilespmem:$0x360]  }
0xca: {  	v31 =	vld [tilespmem:$0x370];
	[tilespmem:$0x310] =	vst v2;
	v2 =	vadd.s32 v0, v4  }
0xcb: {  	v32 =	vld [tilespmem:$0x380];
	[tilespmem:$0x320] =	vst v2;
	v2 =	vadd.s32 v0, v5  }
0xcc: {  	v33 =	vld [tilespmem:$0x390];
	[tilespmem:$0x330] =	vst v2;
	v2 =	vadd.s32 v0, v6  }
0xcd: {  	v34 =	vld [tilespmem:$0x3A0];
	[tilespmem:$0x340] =	vst v2;
	v2 =	vadd.s32 v0, v7  }
0xce: {  	[tilespmem:$0x350] =	vst v2;
	v2 =	vadd.s32 v0, v3;
	v3 =	vld [tilespmem:$0x3B0]  }
0xcf: {  	v35 =	vld [tilespmem:$0x3C0];
	[tilespmem:$0x360] =	vst v2;
	v2 =	vadd.s32 v0, v31  }
0xd0: {  	v36 =	vld [tilespmem:$0x3D0];
	[tilespmem:$0x370] =	vst v2;
	v2 =	vadd.s32 v0, v32  }
0xd1: {  	v37 =	vld [tilespmem:$0x3E0];
	[tilespmem:$0x380] =	vst v2;
	v2 =	vadd.s32 v0, v33  }
0xd2: {  	v38 =	vld [tilespmem:$0x3F0];
	[tilespmem:$0x390] =	vst v2;
	v2 =	vadd.s32 v0, v34  }
0xd3: {  	[tilespmem:$0x3A0] =	vst v2;
	v2 =	vadd.s32 v0, v3;
	v3 =	vld [tilespmem:$0x400]  }
0xd4: {  	v39 =	vld [tilespmem:$0x410];
	[tilespmem:$0x3B0] =	vst v2;
	v2 =	vadd.s32 v0, v35  }
0xd5: {  	v40 =	vld [tilespmem:$0x420];
	[tilespmem:$0x3C0] =	vst v2;
	v2 =	vadd.s32 v0, v36  }
0xd6: {  	v41 =	vld [tilespmem:$0x430];
	[tilespmem:$0x3D0] =	vst v2;
	v2 =	vadd.s32 v0, v37  }
0xd7: {  	v42 =	vld [tilespmem:$0x440];
	[tilespmem:$0x3E0] =	vst v2;
	v2 =	vadd.s32 v0, v38  }
0xd8: {  	[tilespmem:$0x3F0] =	vst v2;
	v2 =	vadd.s32 v0, v3;
	v3 =	vld [tilespmem:$0x450]  }
0xd9: {  	v43 =	vld [tilespmem:$0x460];
	[tilespmem:$0x400] =	vst v2;
	v2 =	vadd.s32 v0, v39  }
0xda: {  	v44 =	vld [tilespmem:$0x470];
	[tilespmem:$0x410] =	vst v2;
	v2 =	vadd.s32 v0, v40  }
0xdb: {  	v45 =	vld [tilespmem:$0x480];
	[tilespmem:$0x420] =	vst v2;
	v2 =	vadd.s32 v0, v41  }
0xdc: {  	v46 =	vld [tilespmem:$0x490];
	[tilespmem:$0x430] =	vst v2;
	v2 =	vadd.s32 v0, v42  }
0xdd: {  	[tilespmem:$0x440] =	vst v2;
	v2 =	vadd.s32 v0, v3;
	v3 =	vld [tilespmem:$0x4A0]  }
0xde: {  	v47 =	vld [tilespmem:$0x4B0];
	[tilespmem:$0x450] =	vst v2;
	v2 =	vadd.s32 v0, v43  }
0xdf: {  	v48 =	vld [tilespmem:$0x4C0];
	[tilespmem:$0x460] =	vst v2;
	v2 =	vadd.s32 v0, v44  }
0xe0: {  	v49 =	vld [tilespmem:$0x4D0];
	[tilespmem:$0x470] =	vst v2;
	v2 =	vadd.s32 v0, v45  }
0xe1: {  	v50 =	vld [tilespmem:$0x4E0];
	[tilespmem:$0x480] =	vst v2;
	v2 =	vadd.s32 v0, v46  }
0xe2: {  	[tilespmem:$0x490] =	vst v2;
	v2 =	vadd.s32 v0, v3;
	v3 =	vld [tilespmem:$0x4F0]  }
0xe3: {  	v51 =	vld [tilespmem:$0x500];
	[tilespmem:$0x4A0] =	vst v2;
	v2 =	vadd.s32 v0, v47  }
0xe4: {  	v52 =	vld [tilespmem:$0x510];
	[tilespmem:$0x4B0] =	vst v2;
	v2 =	vadd.s32 v0, v48  }
0xe5: {  	v53 =	vld [tilespmem:$0x520];
	[tilespmem:$0x4C0] =	vst v2;
	v2 =	vadd.s32 v0, v49  }
0xe6: {  	v54 =	vld [tilespmem:$0x530];
	[tilespmem:$0x4D0] =	vst v2;
	v2 =	vadd.s32 v0, v50  }
0xe7: {  	[tilespmem:$0x4E0] =	vst v2;
	v2 =	vadd.s32 v0, v3;
	v3 =	vld [tilespmem:$0x540]  }
0xe8: {  	v55 =	vld [tilespmem:$0x550];
	[tilespmem:$0x4F0] =	vst v2;
	v2 =	vadd.s32 v0, v51  }
0xe9: {  	v56 =	vld [tilespmem:$0x560];
	[tilespmem:$0x500] =	vst v2;
	v2 =	vadd.s32 v0, v52  }
0xea: {  	v57 =	vld [tilespmem:$0x570];
	[tilespmem:$0x510] =	vst v2;
	v2 =	vadd.s32 v0, v53  }
0xeb: {  	v58 =	vld [tilespmem:$0x580];
	[tilespmem:$0x520] =	vst v2;
	v2 =	vadd.s32 v0, v54  }
0xec: {  	[tilespmem:$0x530] =	vst v2;
	v2 =	vadd.s32 v0, v3;
	v3 =	vld [tilespmem:$0x590]  }
0xed: {  	v59 =	vld [tilespmem:$0x5A0];
	[tilespmem:$0x540] =	vst v2;
	v2 =	vadd.s32 v0, v55  }
0xee: {  	v60 =	vld [tilespmem:$0x5B0];
	[tilespmem:$0x550] =	vst v2;
	v2 =	vadd.s32 v0, v56  }
0xef: {  	v61 =	vld [tilespmem:$0x5C0];
	[tilespmem:$0x560] =	vst v2;
	v2 =	vadd.s32 v0, v57  }
0xf0: {  	v62 =	vld [tilespmem:$0x5D0];
	[tilespmem:$0x570] =	vst v2;
	v2 =	vadd.s32 v0, v58  }
0xf1: {  	[tilespmem:$0x580] =	vst v2;
	v2 =	vadd.s32 v0, v3;
	v3 =	vld [tilespmem:$0x5E0]  }
0xf2: {  	v63 =	vld [tilespmem:$0x5F0];
	[tilespmem:$0x590] =	vst v2;
	v2 =	vadd.s32 v0, v59  }
0xf3: {  	[tilespmem:$0x5A0] =	vst v2;
	v2 =	vadd.s32 v0, v60  }
0xf4: {  	[tilespmem:$0x5B0] =	vst v2;
	v2 =	vadd.s32 v0, v61  }
0xf5: {  	[tilespmem:$0x5C0] =	vst v2;
	v2 =	vadd.s32 v0, v62  }
0xf6: {  	[tilespmem:$0x5D0] =	vst v2;
	v2 =	vadd.s32 v0, v3  }
0xf7: {  	[tilespmem:$0x5E0] =	vst v2;
	v2 =	vadd.s32 v0, v63  }
0xf8: {  	[tilespmem:$0x5F0] =	vst v2  }
0xf9: {  	[tilespmem:s8], [sflag:$0x2] =	stream.indirect.gather [hbm4b:s4+s23], $0x10, s6, s23, $0xb8;
	[tilespmem:$0x1F300] =	vst v63  }
0xfa: {  	s17 =	simm.s32 $0x380  }
0xfb: {  	[tilespmem:s10], [sflag:$0x2] =	stream.indirect.gather [hbm4b:s4+s23], $0x10, s17, s23, $0xb8;
	[tilespmem:$0x1F300] =	vst v63  }
0xfc: {  	s17 =	simm.s32 $0x400  }
0xfd: {  	[tilespmem:s12], [sflag:$0x2] =	stream.indirect.gather [hbm4b:s4+s23], $0x10, s17, s23, $0xb8;
	[tilespmem:$0x1F300] =	vst v63  }
0xfe: {  	s17 =	simm.s32 $0x480  }
0xff: {  	[tilespmem:s14], [sflag:$0x2] =	stream.indirect.gather [hbm4b:s4+s23], $0x10, s17, s23, $0xb8;
	[tilespmem:$0x1F300] =	vst v63  }
0x100: {  	s17 =	simm.s32 $0x500  }
0x101: {  	[tilespmem:s16], [sflag:$0x2] =	stream.indirect.gather [hbm4b:s4+s23], $0x10, s17, s23, $0xb8;
	[tilespmem:$0x1F300] =	vst v63  }
0x102: {  	s17 =	simm.s32 $0x580  }
0x103: {  	[tilespmem:s5], [sflag:$0x2] =	stream.indirect.gather [hbm4b:s4+s23], $0x10, s17, s23, $0xb8;
	[tilespmem:$0x1F300] =	vst v63  }
0x104: {  	_ =	swait.ge [sflag:s25], $0x3000  }
0x105: {  	[sflag:s25] =	ssyncset.done $0x0  }
0x106: {  	[sflag:s25] =	ssyncadd.s32 $0xFFFFD000  }
0x107: {  	[spmem:s2] =	stream.indirect.scatter.add.f32 [tilespmem:s20], [sflag:$0x3], $0x10, s22, s23, $0xb8;
	[tilespmem:$0x1F300] =	vst v63  }
0x108: {  	_ =	swait.ge [sflag:s21], $0x800  }
0x109: {  	[sflag:s21] =	ssyncset.done $0x0  }
0x10a: {  	s17 =	simm.s32 $0x680;
	[sflag:s21] =	ssyncadd.s32 $0xFFFFF800  }
0x10b: {  	[spmem:s2] =	stream.indirect.scatter.add.f32 [tilespmem:s24], [sflag:$0x3], $0x10, s17, s23, $0xb8;
	[tilespmem:$0x1F300] =	vst v63  }
0x10c: {  	_ =	swait.ge [sflag:s21], $0x800  }
0x10d: {  	[sflag:s21] =	ssyncset.done $0x0  }
0x10e: {  	s17 =	simm.s32 $0x700;
	[sflag:s21] =	ssyncadd.s32 $0xFFFFF800  }
0x10f: {  	[spmem:s2] =	stream.indirect.scatter.add.f32 [tilespmem:s26], [sflag:$0x3], $0x10, s17, s23, $0xb8;
	[tilespmem:$0x1F300] =	vst v63  }
0x110: {  	_ =	swait.ge [sflag:s21], $0x800  }
0x111: {  	[sflag:s21] =	ssyncset.done $0x0  }
0x112: {  	s17 =	simm.s32 $0x780;
	[sflag:s21] =	ssyncadd.s32 $0xFFFFF800  }
0x113: {  	[spmem:s2] =	stream.indirect.scatter.add.f32 [tilespmem:s29], [sflag:$0x3], $0x10, s17, s23, $0xb8;
	[tilespmem:$0x1F300] =	vst v63  }
0x114: {  	_ =	swait.ge [sflag:s21], $0x800  }
0x115: {  	[sflag:s21] =	ssyncset.done $0x0  }
0x116: {  	s17 =	simm.s32 $0x800;
	[sflag:s21] =	ssyncadd.s32 $0xFFFFF800  }
0x117: {  	[spmem:s2] =	stream.indirect.scatter.add.f32 [tilespmem:s31], [sflag:$0x3], $0x10, s17, s23, $0xb8;
	[tilespmem:$0x1F300] =	vst v63  }
0x118: {  	_ =	swait.ge [sflag:s21], $0x800  }
0x119: {  	p0 =	seq.s32 s9, $0x30C0;
	[sflag:s21] =	ssyncset.done $0x0  }
.Ltmp5:
0x11a: {  	s17 =	simm.s32 $0x880;
	[sflag:s21] =	ssyncadd.s32 $0xFFFFF800;
	(pc) =	sbr.rel @p0 .LBB2_6-.Ltmp5, $4  }
0x11b: {  	[spmem:s2] =	stream.indirect.scatter.add.f32 [tilespmem:s1], [sflag:$0x3], $0x10, s17, s23, $0xb8;
	[tilespmem:$0x1F300] =	vst v63  }
0x11c: {  	_ =	swait.ge [sflag:s21], $0x800  }
0x11d: {  	[sflag:s21] =	ssyncset.done $0x0  }
0x11e: {  	[sflag:s21] =	ssyncadd.s32 $0xFFFFF800  }
0x11f: {  	s11 =	sadd.s32 $0xC0, s11  }
0x120: {  	[tilespmem:s3], [sflag:$0x3] =	stream.linear.gather [hbm4b:s11+s3], $0x300, $0x38;
	[tilespmem:$0x1F300] =	vst v63  }
0x121: {  	_ =	swait.ge [sflag:s21], $0x300  }
0x122: {  	[sflag:s21] =	ssyncset.done $0x0  }
0x123: {  	s17 =	sadd.s32 $0xC0, s15;
	[sflag:s21] =	ssyncadd.s32 $0xFFFFFD00  }
0x124: {  	[tilespmem:s22], [sflag:$0x3] =	stream.linear.gather [hbm4b:s17+s3], $0x300, $0x38;
	[tilespmem:$0x1F300] =	vst v63  }
0x125: {  	_ =	swait.ge [sflag:s21], $0x300  }
0x126: {  	[sflag:s21] =	ssyncset.done $0x0  }
0x127: {  	[sflag:s21] =	ssyncadd.s32 $0xFFFFFD00  }
0x128: {  	v2 =	vld [tilespmem:$0x0]  }
0x129: {  	v3 =	vld [tilespmem:$0x10]  }
0x12a: {  	v4 =	vld [tilespmem:$0x20]  }
0x12b: {  	v5 =	vld [tilespmem:$0x30]  }
0x12c: {  	v6 =	vld [tilespmem:$0x40]  }
0x12d: {  	v7 =	vld [tilespmem:$0x50];
	v2 =	vadd.s32 v0, v2  }
0x12e: {  	[tilespmem:$0x0] =	vst v2;
	v2 =	vadd.s32 v0, v3;
	v3 =	vld [tilespmem:$0x60]  }
0x12f: {  	v31 =	vld [tilespmem:$0x70];
	[tilespmem:$0x10] =	vst v2;
	v2 =	vadd.s32 v0, v4  }
0x130: {  	v32 =	vld [tilespmem:$0x80];
	[tilespmem:$0x20] =	vst v2;
	v2 =	vadd.s32 v0, v5  }
0x131: {  	v33 =	vld [tilespmem:$0x90];
	[tilespmem:$0x30] =	vst v2;
	v2 =	vadd.s32 v0, v6  }
0x132: {  	v34 =	vld [tilespmem:$0xA0];
	[tilespmem:$0x40] =	vst v2;
	v2 =	vadd.s32 v0, v7  }
0x133: {  	[tilespmem:$0x50] =	vst v2;
	v2 =	vadd.s32 v0, v3;
	v3 =	vld [tilespmem:$0xB0]  }
0x134: {  	v35 =	vld [tilespmem:$0xC0];
	[tilespmem:$0x60] =	vst v2;
	v2 =	vadd.s32 v0, v31  }
0x135: {  	v36 =	vld [tilespmem:$0xD0];
	[tilespmem:$0x70] =	vst v2;
	v2 =	vadd.s32 v0, v32  }
0x136: {  	v37 =	vld [tilespmem:$0xE0];
	[tilespmem:$0x80] =	vst v2;
	v2 =	vadd.s32 v0, v33  }
0x137: {  	v38 =	vld [tilespmem:$0xF0];
	[tilespmem:$0x90] =	vst v2;
	v2 =	vadd.s32 v0, v34  }
0x138: {  	[tilespmem:$0xA0] =	vst v2;
	v2 =	vadd.s32 v0, v3;
	v3 =	vld [tilespmem:$0x100]  }
0x139: {  	v39 =	vld [tilespmem:$0x110];
	[tilespmem:$0xB0] =	vst v2;
	v2 =	vadd.s32 v0, v35  }
0x13a: {  	v40 =	vld [tilespmem:$0x120];
	[tilespmem:$0xC0] =	vst v2;
	v2 =	vadd.s32 v0, v36  }
0x13b: {  	v41 =	vld [tilespmem:$0x130];
	[tilespmem:$0xD0] =	vst v2;
	v2 =	vadd.s32 v0, v37  }
0x13c: {  	v42 =	vld [tilespmem:$0x140];
	[tilespmem:$0xE0] =	vst v2;
	v2 =	vadd.s32 v0, v38  }
0x13d: {  	[tilespmem:$0xF0] =	vst v2;
	v2 =	vadd.s32 v0, v3;
	v3 =	vld [tilespmem:$0x150]  }
0x13e: {  	v43 =	vld [tilespmem:$0x160];
	[tilespmem:$0x100] =	vst v2;
	v2 =	vadd.s32 v0, v39  }
0x13f: {  	v44 =	vld [tilespmem:$0x170];
	[tilespmem:$0x110] =	vst v2;
	v2 =	vadd.s32 v0, v40  }
0x140: {  	v45 =	vld [tilespmem:$0x180];
	[tilespmem:$0x120] =	vst v2;
	v2 =	vadd.s32 v0, v41  }
0x141: {  	v46 =	vld [tilespmem:$0x190];
	[tilespmem:$0x130] =	vst v2;
	v2 =	vadd.s32 v0, v42  }
0x142: {  	[tilespmem:$0x140] =	vst v2;
	v2 =	vadd.s32 v0, v3;
	v3 =	vld [tilespmem:$0x1A0]  }
0x143: {  	v47 =	vld [tilespmem:$0x1B0];
	[tilespmem:$0x150] =	vst v2;
	v2 =	vadd.s32 v0, v43  }
0x144: {  	v48 =	vld [tilespmem:$0x1C0];
	[tilespmem:$0x160] =	vst v2;
	v2 =	vadd.s32 v0, v44  }
0x145: {  	v49 =	vld [tilespmem:$0x1D0];
	[tilespmem:$0x170] =	vst v2;
	v2 =	vadd.s32 v0, v45  }
0x146: {  	v50 =	vld [tilespmem:$0x1E0];
	[tilespmem:$0x180] =	vst v2;
	v2 =	vadd.s32 v0, v46  }
0x147: {  	[tilespmem:$0x190] =	vst v2;
	v2 =	vadd.s32 v0, v3;
	v3 =	vld [tilespmem:$0x1F0]  }
0x148: {  	v51 =	vld [tilespmem:$0x200];
	[tilespmem:$0x1A0] =	vst v2;
	v2 =	vadd.s32 v0, v47  }
0x149: {  	v52 =	vld [tilespmem:$0x210];
	[tilespmem:$0x1B0] =	vst v2;
	v2 =	vadd.s32 v0, v48  }
0x14a: {  	v53 =	vld [tilespmem:$0x220];
	[tilespmem:$0x1C0] =	vst v2;
	v2 =	vadd.s32 v0, v49  }
0x14b: {  	v54 =	vld [tilespmem:$0x230];
	[tilespmem:$0x1D0] =	vst v2;
	v2 =	vadd.s32 v0, v50  }
0x14c: {  	[tilespmem:$0x1E0] =	vst v2;
	v2 =	vadd.s32 v0, v3;
	v3 =	vld [tilespmem:$0x240]  }
0x14d: {  	v55 =	vld [tilespmem:$0x250];
	[tilespmem:$0x1F0] =	vst v2;
	v2 =	vadd.s32 v0, v51  }
0x14e: {  	v56 =	vld [tilespmem:$0x260];
	[tilespmem:$0x200] =	vst v2;
	v2 =	vadd.s32 v0, v52  }
0x14f: {  	v57 =	vld [tilespmem:$0x270];
	[tilespmem:$0x210] =	vst v2;
	v2 =	vadd.s32 v0, v53  }
0x150: {  	v58 =	vld [tilespmem:$0x280];
	[tilespmem:$0x220] =	vst v2;
	v2 =	vadd.s32 v0, v54  }
0x151: {  	[tilespmem:$0x230] =	vst v2;
	v2 =	vadd.s32 v0, v3;
	v3 =	vld [tilespmem:$0x290]  }
0x152: {  	v59 =	vld [tilespmem:$0x2A0];
	[tilespmem:$0x240] =	vst v2;
	v2 =	vadd.s32 v0, v55  }
0x153: {  	v60 =	vld [tilespmem:$0x2B0];
	[tilespmem:$0x250] =	vst v2;
	v2 =	vadd.s32 v0, v56  }
0x154: {  	v61 =	vld [tilespmem:$0x2C0];
	[tilespmem:$0x260] =	vst v2;
	v2 =	vadd.s32 v0, v57  }
0x155: {  	v62 =	vld [tilespmem:$0x2D0];
	[tilespmem:$0x270] =	vst v2;
	v2 =	vadd.s32 v0, v58  }
0x156: {  	[tilespmem:$0x280] =	vst v2;
	v2 =	vadd.s32 v0, v3;
	v3 =	vld [tilespmem:$0x2E0]  }
0x157: {  	v63 =	vld [tilespmem:$0x2F0];
	[tilespmem:$0x290] =	vst v2;
	v2 =	vadd.s32 v0, v59  }
0x158: {  	[tilespmem:$0x2A0] =	vst v2;
	v2 =	vadd.s32 v0, v60  }
0x159: {  	[tilespmem:$0x2B0] =	vst v2;
	v2 =	vadd.s32 v0, v61  }
0x15a: {  	[tilespmem:$0x2C0] =	vst v2;
	v2 =	vadd.s32 v0, v62  }
0x15b: {  	[tilespmem:$0x2D0] =	vst v2;
	v2 =	vadd.s32 v0, v3  }
0x15c: {  	[tilespmem:$0x2E0] =	vst v2;
	v2 =	vadd.s32 v0, v63  }
0x15d: {  	[tilespmem:$0x2F0] =	vst v2  }
0x15e: {  	[tilespmem:s20], [sflag:$0x1] =	stream.indirect.gather [hbm4b:s4+s23], $0x10, s3, s23, $0xb8;
	[tilespmem:$0x1F300] =	vst v63  }
0x15f: {  	_ = 	snop  }
0x160: {  	[tilespmem:s24], [sflag:$0x1] =	stream.indirect.gather [hbm4b:s4+s23], $0x10, s23, s23, $0xb8;
	[tilespmem:$0x1F300] =	vst v63  }
0x161: {  	s15 =	simm.s32 $0x100  }
0x162: {  	[tilespmem:s26], [sflag:$0x1] =	stream.indirect.gather [hbm4b:s4+s23], $0x10, s15, s23, $0xb8;
	[tilespmem:$0x1F300] =	vst v63  }
0x163: {  	s17 =	simm.s32 $0x180  }
0x164: {  	[tilespmem:s29], [sflag:$0x1] =	stream.indirect.gather [hbm4b:s4+s23], $0x10, s17, s23, $0xb8;
	[tilespmem:$0x1F300] =	vst v63  }
.Ltmp6:
0x165: {  	_ = 	snop;
	(pc) =	sbr.rel .LBB2_6-.Ltmp6, $4  }
0x166: {  	s15 =	simm.s32 $0x200  }
0x167: {  	[tilespmem:s31], [sflag:$0x1] =	stream.indirect.gather [hbm4b:s4+s23], $0x10, s15, s23, $0xb8;
	[tilespmem:$0x1F300] =	vst v63  }
0x168: {  	s17 =	simm.s32 $0x280  }
0x169: {  	[tilespmem:s1], [sflag:$0x1] =	stream.indirect.gather [hbm4b:s4+s23], $0x10, s17, s23, $0xb8;
	[tilespmem:$0x1F300] =	vst v63  }
.LBB2_8:
0x16a: {  	_ =	sfence.sel $0x180000  }
0x16b: {  	[bflag:$0x0] =	sbarrier.arrive $0xFFFF  }
0x16c: {  	_ =	strace $0x90000047  }
0x16d: {  	s0 =	stileid.u32;
	[bflag:$0x2] =	sbarrier.arrive $0xFFFF  }
0x16e: {  	p0 =	sne.s32 s0, $0x0;
	s0 =	rddreg [dreg:$0x2]  }
0x16f: {  	s0 =	sadd.s32 @!p0 $0x100000, s0  }
0x170: {  	[sflag:s0] =	ssyncadd.tile.s32 @!p0 $0x1;
	_ =	shalt  }
.Lfunc_end2:
_tile_overlayer_lowered:
.L_overlay_start_2:
0x171: {  	(tag) =	ssettag $0x2  }
0x172: {  	s0 =	rddreg [dreg:$0x0];
	s2 =	stileid.u32  }
0x173: {  	s1 =	rddreg [dreg:$0x1];
	p0 =	sne.s32 s2, $0x0  }
0x174: {  	s3 =	rddreg [dreg:$0x2];
	[bflag:$0x3] =	sbarrier.arrive $0xFFFF;
	s2 =	simm.s32 @!p0 $0x1C03  }
0x175: {  	[timem:s3], [sflag:s2] =	dma.local @!p0 [hbm:s0], s1  }
0x176: {  	s0 =	simm.s32 @!p0 $0x3  }
0x177: {  	_ =	swait.ge @!p0 [sflag:s0], s1  }
0x178: {  	s1 =	ssub.s32 @!p0 $0x0, s1;
	[sflag:s0] =	ssyncset.done @!p0 $0x0  }
0x179: {  	[sflag:s0] =	ssyncadd.s32 @!p0 s1  }
0x17a: {  	[bflag:$0x3] =	sbarrier.arrive $0xFFFF  }
0x17b: {  	_ =	shalt  }

</sc_bundles>
